<compile_context>
chip_gen: v7x
topology: tpu7x:2x2x1
jax: 0.10.2.dev20260603
libtpu: 0.0.44.dev20260713+nightly
codegen_flags: <defaults>
</compile_context>

<pallas_src>
import functools

import jax
import jax.numpy as jnp
from jax import lax
from jax.experimental import pallas as pl
from jax.experimental.pallas import tpu as pltpu
from jax.experimental.pallas import tpu_sc as plsc

NS = 16
CHUNK = 128
ZROWS = 32
DEGW = 16


def _sc_aggregate(xa, xb, src3, dst3, tail_src, tail_dst, n, n_pad, nj, tail):
    fh = xa.shape[1]
    rows_out = n_pad // NS
    zch = n_pad // (NS * ZROWS)
    npt = n_pad // NS
    nph = npt // 16

    mesh = plsc.VectorSubcoreMesh(core_axis_name="c", subcore_axis_name="s")

    @functools.partial(
        pl.kernel,
        mesh=mesh,
        compiler_params=pltpu.CompilerParams(use_tc_tiling_on_sc=False,
                                             needs_layout_passes=False),
        out_type=[
            jax.ShapeDtypeStruct((2, n_pad, fh), jnp.float32),
            jax.ShapeDtypeStruct((2, n_pad, DEGW), jnp.float32),
        ],
        scratch_types=[
            pltpu.VMEM((nj + 1, CHUNK), jnp.int32),
            pltpu.VMEM((nj + 1, CHUNK), jnp.int32),
            [pltpu.VMEM((CHUNK, fh), jnp.float32) for _ in range(2)],
            pltpu.VMEM((ZROWS, fh), jnp.float32),
            pltpu.VMEM((n_pad // 16, DEGW), jnp.float32),
            pltpu.VMEM((NS, nph, DEGW), jnp.float32),
            pltpu.VMEM_SHARED((n_pad, fh), jnp.float32),
            pltpu.VMEM_SHARED((NS, n_pad // 16, DEGW), jnp.float32),
            [pltpu.SemaphoreType.DMA for _ in range(2)],
            pltpu.SemaphoreType.DMA,
        ],
    )
    def agg_kernel(xa_hbm, xb_hbm, src_hbm, dst_hbm, tsrc_hbm, tdst_hbm,
                   agg_out, deg_out,
                   src_v, dst_v, rows, zb_v, hist_v, rbuf, agg_sh, deg_sh,
                   gsem, zsem):
        c = lax.axis_index("c")
        s = lax.axis_index("s")
        iota16 = lax.iota(jnp.int32, 16)
        zeros16i = jnp.zeros((16,), jnp.int32)
        ones16 = jnp.ones((16,), jnp.float32)

        pltpu.sync_copy(src_hbm.at[s], src_v.at[pl.ds(0, nj)])
        pltpu.sync_copy(dst_hbm.at[s], dst_v.at[pl.ds(0, nj)])
        for k in range(CHUNK // 16):
            src_v[nj, pl.ds(k * 16, 16)] = jnp.zeros((16,), jnp.int32)
            dst_v[nj, pl.ds(k * 16, 16)] = jnp.full((16,), n, jnp.int32)
        if tail:
            @pl.when(s < tail)
            def _():
                pltpu.sync_copy(tsrc_hbm.at[s], src_v.at[pl.ds(nj, 1)])
                pltpu.sync_copy(tdst_hbm.at[s], dst_v.at[pl.ds(nj, 1)])

        def g_start(j, b):
            @pl.when(c == 0)
            def _():
                pltpu.async_copy(xa_hbm.at[src_v.at[j]], rows[b], gsem[b])

            @pl.when(c == 1)
            def _():
                pltpu.async_copy(xb_hbm.at[src_v.at[j]], rows[b], gsem[b])

        def g_wait(j, b):
            @pl.when(c == 0)
            def _():
                pltpu.make_async_copy(
                    xa_hbm.at[src_v.at[j]], rows[b], gsem[b]).wait()

            @pl.when(c == 1)
            def _():
                pltpu.make_async_copy(
                    xb_hbm.at[src_v.at[j]], rows[b], gsem[b]).wait()

        g_start(0, 0)

        def fill_row(i, carry):
            for k in range(fh // 16):
                zb_v[i, pl.ds(k * 16, 16)] = jnp.zeros((16,), jnp.float32)
            return carry
        lax.fori_loop(0, ZROWS, fill_row, 0)

        def zero_hist(i, carry):
            hist_v[i, :] = jnp.zeros((16,), jnp.float32)
            return carry
        lax.fori_loop(0, n_pad // 16, zero_hist, 0)

        def zero_chunk(t, carry):
            row0 = s * (zch * ZROWS) + t * ZROWS
            pltpu.async_copy(zb_v, agg_sh.at[pl.ds(row0, ZROWS)], zsem)
            return carry
        lax.fori_loop(0, zch, zero_chunk, 0)

        def zero_drain(t, carry):
            pltpu.make_async_copy(zb_v, agg_sh.at[pl.ds(0, ZROWS)],
                                  zsem).wait()
            return carry
        lax.fori_loop(0, zch, zero_drain, 0)

        plsc.subcore_barrier()


        def hist_chunk(j):
            for k in range(CHUNK // 16):
                v = dst_v[j, pl.ds(k * 16, 16)]
                r = lax.shift_right_logical(v, 4)
                c2 = lax.bitwise_and(v, 15)
                plsc.addupdate_scatter(hist_v, [r, c2], ones16)

        def group(j2, carry):
            for b in range(2):
                j = j2 * 2 + b
                g_start(j + 1, 1 - b)

                @pl.when(j % 2 == c)
                def _():
                    hist_chunk(j)

                g_wait(j, b)
                pltpu.sync_copy(rows[b], agg_sh.at[dst_v.at[j]], add=True)
            return carry
        lax.fori_loop(0, nj // 2, group, 0)

        g_wait(nj, 0)
        if tail:
            @pl.when(s < tail)
            def _():
                pltpu.sync_copy(rows[0], agg_sh.at[dst_v.at[nj]], add=True)

            @pl.when((s < tail) & ((nj % 2) == c))
            def _():
                hist_chunk(nj)

        pltpu.sync_copy(hist_v, deg_sh.at[s])

        plsc.subcore_barrier()

        for i in range(NS):
            pltpu.sync_copy(deg_sh.at[i, pl.ds(s * nph, nph)], rbuf.at[i])

        def red(t, carry):
            acc = rbuf[0, t, :]
            for i in range(1, NS):
                acc = acc + rbuf[i, t, :]
            plsc.store_scatter(hist_v, [t * 16 + iota16, zeros16i], acc)
            return carry
        lax.fori_loop(0, nph, red, 0)

        row0 = s * rows_out
        pltpu.sync_copy(agg_sh.at[pl.ds(row0, rows_out)],
                        agg_out.at[c, pl.ds(row0, rows_out)])
        pltpu.sync_copy(hist_v.at[pl.ds(0, npt)],
                        deg_out.at[c, pl.ds(s * npt, npt)])

    return agg_kernel(xa, xb, src3, dst3, tail_src, tail_dst)


def _mlp(x, agg2, deg2, W1, b1, W2, b2, W3, b3):
    n, f = x.shape
    fh = f // 2
    h1 = W1.shape[1]
    h2 = W2.shape[1]
    cc = W3.shape[1]
    bm = 2000
    grid = (n // bm,)

    def body(x_ref, a_ref, d_ref, w1_ref, b1_ref, w2_ref, b2_ref,
             w3_ref, b3_ref, o_ref):
        xb = x_ref[...]
        a = jnp.concatenate([a_ref[0], a_ref[1]], axis=-1)
        d = d_ref[0, :, 0:1] + d_ref[1, :, 0:1]
        a = a / jnp.maximum(d, 1.0)
        w1 = w1_ref[...]
        h = (jnp.dot(xb, w1[0:f], preferred_element_type=jnp.float32)
             + jnp.dot(a, w1[f:2 * f], preferred_element_type=jnp.float32)
             + b1_ref[...])
        h = jnp.maximum(h, 0.0)
        h = jnp.dot(h, w2_ref[...], preferred_element_type=jnp.float32) + b2_ref[...]
        h = jnp.maximum(h, 0.0)
        o_ref[...] = (jnp.dot(h, w3_ref[...], preferred_element_type=jnp.float32)
                      + b3_ref[...])

    return pl.pallas_call(
        body,
        grid=grid,
        in_specs=[
            pl.BlockSpec((bm, f), lambda i: (i, 0)),
            pl.BlockSpec((2, bm, fh), lambda i: (0, i, 0)),
            pl.BlockSpec((2, bm, DEGW), lambda i: (0, i, 0)),
            pl.BlockSpec((2 * f, h1), lambda i: (0, 0)),
            pl.BlockSpec((1, h1), lambda i: (0, 0)),
            pl.BlockSpec((h1, h2), lambda i: (0, 0)),
            pl.BlockSpec((1, h2), lambda i: (0, 0)),
            pl.BlockSpec((h2, cc), lambda i: (0, 0)),
            pl.BlockSpec((1, cc), lambda i: (0, 0)),
        ],
        out_specs=pl.BlockSpec((bm, cc), lambda i: (i, 0)),
        out_shape=jax.ShapeDtypeStruct((n, cc), jnp.float32),
    )(x, agg2, deg2, W1, b1, W2, b2, W3, b3)


def kernel(inputs, neighbor, W1, b1, W2, b2, W3, b3):
    x = inputs[:, 0, :]
    n, f = x.shape
    fh = f // 2
    xa = x[:, :fh]
    xb = x[:, fh:]
    src = neighbor[0]
    dst = neighbor[1]
    e = src.shape[0]

    if e % CHUNK:
        pad = CHUNK - e % CHUNK
        src = jnp.concatenate([src, jnp.zeros((pad,), jnp.int32)])
        dst = jnp.concatenate([dst, jnp.full((pad,), n, jnp.int32)])
        e += pad
    tc = e // CHUNK
    nj = (tc // NS // 2) * 2
    tail = tc - NS * nj
    if tail > NS:
        pad = (NS * (nj + 2) - tc) * CHUNK
        src = jnp.concatenate([src, jnp.zeros((pad,), jnp.int32)])
        dst = jnp.concatenate([dst, jnp.full((pad,), n, jnp.int32)])
        e += pad
        nj += 2
        tail = 0
    e_uni = NS * nj * CHUNK
    src3 = src[:e_uni].reshape(NS, nj, CHUNK)
    dst3 = dst[:e_uni].reshape(NS, nj, CHUNK)
    if tail:
        tail_src = src[e_uni:].reshape(tail, 1, CHUNK)
        tail_dst = dst[e_uni:].reshape(tail, 1, CHUNK)
    else:
        tail_src = jnp.zeros((1, 1, CHUNK), jnp.int32)
        tail_dst = jnp.full((1, 1, CHUNK), n, jnp.int32)

    m = max(NS * ZROWS, NS * 16)
    n_pad = -(-(n + 1) // m) * m

    agg2, deg2 = _sc_aggregate(xa, xb, src3, dst3, tail_src, tail_dst,
                               n, n_pad, nj, tail)
    return _mlp(x, agg2, deg2, W1, b1.reshape(1, -1), W2, b2.reshape(1, -1),
                W3, b3.reshape(1, -1))

# --- scband reference (transcript-rebuilt; emitter-appended) ---
"""Pipeline reference for scband-lifelong-rehearsal-54090818126586 (READ-ONLY COPY).

The authoritative reference and input builder live on the scoring server;
editing this copy changes nothing except your own understanding.
"""

import jax, jax.numpy as jnp
import numpy as np

N = 10000   # n_nodes
E = 320000  # n_edges = N * avg_degree(32)
F = 128     # feat_len
H1, H2 = 64, 32  # hidden
C = 16      # num_class


def setup_inputs(seed: int = 0) -> dict:
    key = jax.random.key(seed)
    ks = jax.random.split(key, 8)
    inputs = jax.random.normal(ks[0], (N, 1, F), dtype=jnp.float32)
    # neighbor structure flattened as an edge list: row 0 = src node ids, row 1 = dst node ids
    neighbor = jax.random.randint(ks[1], (2, E), 0, N, dtype=jnp.int32)
    # backbone (BackBone(feat_len, num_class, hidden=[64,32])) parameters
    W1 = jax.random.normal(ks[2], (2 * F, H1), dtype=jnp.float32) * (1.0 / np.sqrt(2 * F))
    b1 = jnp.zeros((H1,), dtype=jnp.float32)
    W2 = jax.random.normal(ks[3], (H1, H2), dtype=jnp.float32) * (1.0 / np.sqrt(H1))
    b2 = jnp.zeros((H2,), dtype=jnp.float32)
    W3 = jax.random.normal(ks[4], (H2, C), dtype=jnp.float32) * (1.0 / np.sqrt(H2))
    b3 = jnp.zeros((C,), dtype=jnp.float32)
    return {"inputs": inputs, "neighbor": neighbor, "W1": W1, "b1": b1, "W2": W2, "b2": b2, "W3": W3, "b3": b3}


def reference(inputs, neighbor, W1, b1, W2, b2, W3, b3):
    # LifelongRehearsal.forward == self.backbone(inputs, neighbor)
    # Backbone: mean-aggregate neighbor features (gather + scatter-add), concat
    # with self feature, then MLP(hidden=[64,32]) -> num_class logits.
    x = inputs[:, 0, :]                                   # [N, F]
    src = neighbor[0]
    dst = neighbor[1]
    msg = jnp.take(x, src, axis=0)                        # gather  [E, F]
    agg = jax.ops.segment_sum(msg, dst, num_segments=N)   # scatter-add [N, F]
    deg = jax.ops.segment_sum(jnp.ones((E,), jnp.float32), dst, num_segments=N)
    agg = agg / jnp.clip(deg, 1.0)[:, None]               # mean aggregation
    h = jnp.concatenate([x, agg], axis=-1)                # [N, 2F]
    h = jax.nn.relu(h @ W1 + b1)
    h = jax.nn.relu(h @ W2 + b2)
    out = h @ W3 + b3                                     # [N, C] logits
    return out

if __name__ == "__main__":
    import jax
    _d = setup_inputs()
    print(jax.jit(kernel)(*tuple(_d.values())))

</pallas_src>

<mosaic_0001>
#map = affine_map<(d0, d1) -> (0, 0)>
#map1 = affine_map<(d0, d1) -> (0, 0, 0)>
module attributes {stable_mosaic.version = 14 : i64} {
  func.func @agg_kernel(%arg0: i32, %arg1: i32, %arg2: memref<10000x64xf32, #tpu.memory_space<hbm>>, %arg3: memref<10000x64xf32, #tpu.memory_space<hbm>>, %arg4: memref<16x156x128xi32, #tpu.memory_space<hbm>>, %arg5: memref<16x156x128xi32, #tpu.memory_space<hbm>>, %arg6: memref<4x1x128xi32, #tpu.memory_space<hbm>>, %arg7: memref<4x1x128xi32, #tpu.memory_space<hbm>>, %arg8: memref<2x10240x64xf32, #tpu.memory_space<hbm>>, %arg9: memref<2x10240x16xf32, #tpu.memory_space<hbm>>, %arg10: memref<157x128xi32, #tpu.memory_space<vmem>>, %arg11: memref<157x128xi32, #tpu.memory_space<vmem>>, %arg12: memref<128x64xf32, #tpu.memory_space<vmem>>, %arg13: memref<128x64xf32, #tpu.memory_space<vmem>>, %arg14: memref<32x64xf32, #tpu.memory_space<vmem>>, %arg15: memref<640x16xf32, #tpu.memory_space<vmem>>, %arg16: memref<16x40x16xf32, #tpu.memory_space<vmem>>, %arg17: memref<10240x64xf32, #tpu.memory_space<vmem_shared>>, %arg18: memref<16x640x16xf32, #tpu.memory_space<vmem_shared>>, %arg19: memref<!tpu.dma_semaphore, #tpu.memory_space<semaphore_mem>>, %arg20: memref<!tpu.dma_semaphore, #tpu.memory_space<semaphore_mem>>, %arg21: memref<!tpu.dma_semaphore, #tpu.memory_space<semaphore_mem>>) attributes {dimension_semantics = [#tpu.dimension_semantics<core_parallel>, #tpu.dimension_semantics<subcore_parallel>], iteration_bounds = array<i64: 2, 16>, scalar_prefetch = 0 : i64, scratch_operands = 12 : i64, tpu.core_type = #tpu.core_type<sc_vector_subcore>, window_params = [{transform_indices = #map}, {transform_indices = #map}, {transform_indices = #map1}, {transform_indices = #map1}, {transform_indices = #map1}, {transform_indices = #map1}, {transform_indices = #map1}, {transform_indices = #map1}]} {
    %iota3A = tpu.iota {dimensions = array<i32: 0>} : vector<16xi32>
    %broadcast_in_dim3A = arith.constant 0 : i32
    %broadcast_in_dim3A_0 = vector.broadcast %broadcast_in_dim3A : i32 to vector<16xi32>
    %broadcast_in_dim3A_1 = arith.constant 1.000000e+00 : f32
    %broadcast_in_dim3A_2 = vector.broadcast %broadcast_in_dim3A_1 : f32 to vector<16xf32>
    "tpu.region"() ({
      %run_scoped3A_233 = tpu.sem_alloc : memref<!tpu.dma_semaphore, #tpu.memory_space<semaphore_mem>>
      %dma_start3A = arith.constant 0 : i32
      %dma_start3A_234 = arith.constant 0 : i32
      %dma_start3A_235 = tpu.memref_slice %arg10[%dma_start3A, %dma_start3A_234] : memref<157x128xi32, #tpu.memory_space<vmem>> -> memref<156x128xi32, #tpu.memory_space<vmem>>
      %dma_start3A_236 = arith.constant 0 : i32
      %dma_start3A_237 = arith.constant 0 : i32
      %dma_start3A_238 = tpu.memref_slice %arg4[%arg1, %dma_start3A_236, %dma_start3A_237] : memref<16x156x128xi32, #tpu.memory_space<hbm>> -> memref<1x156x128xi32, #tpu.memory_space<hbm>>
      %dma_start3A_239 = tpu.memref_squeeze %dma_start3A_238 : memref<1x156x128xi32, #tpu.memory_space<hbm>> -> memref<156x128xi32, #tpu.memory_space<hbm>>
      %dma_start3A_240 = arith.constant 0 : i32
      %dma_start3A_241 = arith.constant 0 : i32
      %dma_start3A_242 = tpu.memref_slice %arg10[%dma_start3A_240, %dma_start3A_241] : memref<157x128xi32, #tpu.memory_space<vmem>> -> memref<156x128xi32, #tpu.memory_space<vmem>>
      %dma_start3A_243 = arith.constant 0 : i32
      %dma_start3A_244 = arith.constant 0 : i32
      %dma_start3A_245 = tpu.memref_slice %arg4[%arg1, %dma_start3A_243, %dma_start3A_244] : memref<16x156x128xi32, #tpu.memory_space<hbm>> -> memref<1x156x128xi32, #tpu.memory_space<hbm>>
      %dma_start3A_246 = tpu.memref_squeeze %dma_start3A_245 : memref<1x156x128xi32, #tpu.memory_space<hbm>> -> memref<156x128xi32, #tpu.memory_space<hbm>>
      tpu.enqueue_dma source(%dma_start3A_246 : memref<156x128xi32, #tpu.memory_space<hbm>>) target(%dma_start3A_242 : memref<156x128xi32, #tpu.memory_space<vmem>>) target_semaphore(%run_scoped3A_233 : memref<!tpu.dma_semaphore, #tpu.memory_space<semaphore_mem>>)
      %dma_wait3A = arith.constant 0 : i32
      %dma_wait3A_247 = arith.constant 0 : i32
      %dma_wait3A_248 = tpu.memref_slice %arg10[%dma_wait3A, %dma_wait3A_247] : memref<157x128xi32, #tpu.memory_space<vmem>> -> memref<156x128xi32, #tpu.memory_space<vmem>>
      %dma_wait3A_249 = arith.constant 0 : i32
      %dma_wait3A_250 = arith.constant 0 : i32
      %dma_wait3A_251 = tpu.memref_slice %arg4[%arg1, %dma_wait3A_249, %dma_wait3A_250] : memref<16x156x128xi32, #tpu.memory_space<hbm>> -> memref<1x156x128xi32, #tpu.memory_space<hbm>>
      %dma_wait3A_252 = tpu.memref_squeeze %dma_wait3A_251 : memref<1x156x128xi32, #tpu.memory_space<hbm>> -> memref<156x128xi32, #tpu.memory_space<hbm>>
      %dma_wait3A_253 = arith.constant 0 : i32
      %dma_wait3A_254 = arith.constant 0 : i32
      %dma_wait3A_255 = tpu.memref_slice %arg10[%dma_wait3A_253, %dma_wait3A_254] : memref<157x128xi32, #tpu.memory_space<vmem>> -> memref<156x128xi32, #tpu.memory_space<vmem>>
      %dma_wait3A_256 = arith.constant 0 : i32
      %dma_wait3A_257 = arith.constant 0 : i32
      %dma_wait3A_258 = tpu.memref_slice %arg4[%arg1, %dma_wait3A_256, %dma_wait3A_257] : memref<16x156x128xi32, #tpu.memory_space<hbm>> -> memref<1x156x128xi32, #tpu.memory_space<hbm>>
      %dma_wait3A_259 = tpu.memref_squeeze %dma_wait3A_258 : memref<1x156x128xi32, #tpu.memory_space<hbm>> -> memref<156x128xi32, #tpu.memory_space<hbm>>
      tpu.wait_dma2 semaphore(%run_scoped3A_233 : memref<!tpu.dma_semaphore, #tpu.memory_space<semaphore_mem>>) src(%dma_wait3A_259 : memref<156x128xi32, #tpu.memory_space<hbm>>) dst(%dma_wait3A_255 : memref<156x128xi32, #tpu.memory_space<vmem>>)
      tpu.yield
    }) : () -> ()
    "tpu.region"() ({
      %run_scoped3A_233 = tpu.sem_alloc : memref<!tpu.dma_semaphore, #tpu.memory_space<semaphore_mem>>
      %dma_start3A = arith.constant 0 : i32
      %dma_start3A_234 = arith.constant 0 : i32
      %dma_start3A_235 = tpu.memref_slice %arg11[%dma_start3A, %dma_start3A_234] : memref<157x128xi32, #tpu.memory_space<vmem>> -> memref<156x128xi32, #tpu.memory_space<vmem>>
      %dma_start3A_236 = arith.constant 0 : i32
      %dma_start3A_237 = arith.constant 0 : i32
      %dma_start3A_238 = tpu.memref_slice %arg5[%arg1, %dma_start3A_236, %dma_start3A_237] : memref<16x156x128xi32, #tpu.memory_space<hbm>> -> memref<1x156x128xi32, #tpu.memory_space<hbm>>
      %dma_start3A_239 = tpu.memref_squeeze %dma_start3A_238 : memref<1x156x128xi32, #tpu.memory_space<hbm>> -> memref<156x128xi32, #tpu.memory_space<hbm>>
      %dma_start3A_240 = arith.constant 0 : i32
      %dma_start3A_241 = arith.constant 0 : i32
      %dma_start3A_242 = tpu.memref_slice %arg11[%dma_start3A_240, %dma_start3A_241] : memref<157x128xi32, #tpu.memory_space<vmem>> -> memref<156x128xi32, #tpu.memory_space<vmem>>
      %dma_start3A_243 = arith.constant 0 : i32
      %dma_start3A_244 = arith.constant 0 : i32
      %dma_start3A_245 = tpu.memref_slice %arg5[%arg1, %dma_start3A_243, %dma_start3A_244] : memref<16x156x128xi32, #tpu.memory_space<hbm>> -> memref<1x156x128xi32, #tpu.memory_space<hbm>>
      %dma_start3A_246 = tpu.memref_squeeze %dma_start3A_245 : memref<1x156x128xi32, #tpu.memory_space<hbm>> -> memref<156x128xi32, #tpu.memory_space<hbm>>
      tpu.enqueue_dma source(%dma_start3A_246 : memref<156x128xi32, #tpu.memory_space<hbm>>) target(%dma_start3A_242 : memref<156x128xi32, #tpu.memory_space<vmem>>) target_semaphore(%run_scoped3A_233 : memref<!tpu.dma_semaphore, #tpu.memory_space<semaphore_mem>>)
      %dma_wait3A = arith.constant 0 : i32
      %dma_wait3A_247 = arith.constant 0 : i32
      %dma_wait3A_248 = tpu.memref_slice %arg11[%dma_wait3A, %dma_wait3A_247] : memref<157x128xi32, #tpu.memory_space<vmem>> -> memref<156x128xi32, #tpu.memory_space<vmem>>
      %dma_wait3A_249 = arith.constant 0 : i32
      %dma_wait3A_250 = arith.constant 0 : i32
      %dma_wait3A_251 = tpu.memref_slice %arg5[%arg1, %dma_wait3A_249, %dma_wait3A_250] : memref<16x156x128xi32, #tpu.memory_space<hbm>> -> memref<1x156x128xi32, #tpu.memory_space<hbm>>
      %dma_wait3A_252 = tpu.memref_squeeze %dma_wait3A_251 : memref<1x156x128xi32, #tpu.memory_space<hbm>> -> memref<156x128xi32, #tpu.memory_space<hbm>>
      %dma_wait3A_253 = arith.constant 0 : i32
      %dma_wait3A_254 = arith.constant 0 : i32
      %dma_wait3A_255 = tpu.memref_slice %arg11[%dma_wait3A_253, %dma_wait3A_254] : memref<157x128xi32, #tpu.memory_space<vmem>> -> memref<156x128xi32, #tpu.memory_space<vmem>>
      %dma_wait3A_256 = arith.constant 0 : i32
      %dma_wait3A_257 = arith.constant 0 : i32
      %dma_wait3A_258 = tpu.memref_slice %arg5[%arg1, %dma_wait3A_256, %dma_wait3A_257] : memref<16x156x128xi32, #tpu.memory_space<hbm>> -> memref<1x156x128xi32, #tpu.memory_space<hbm>>
      %dma_wait3A_259 = tpu.memref_squeeze %dma_wait3A_258 : memref<1x156x128xi32, #tpu.memory_space<hbm>> -> memref<156x128xi32, #tpu.memory_space<hbm>>
      tpu.wait_dma2 semaphore(%run_scoped3A_233 : memref<!tpu.dma_semaphore, #tpu.memory_space<semaphore_mem>>) src(%dma_wait3A_259 : memref<156x128xi32, #tpu.memory_space<hbm>>) dst(%dma_wait3A_255 : memref<156x128xi32, #tpu.memory_space<vmem>>)
      tpu.yield
    }) : () -> ()
    %broadcast_in_dim3A_3 = arith.constant 0 : i32
    %broadcast_in_dim3A_4 = vector.broadcast %broadcast_in_dim3A_3 : i32 to vector<16xi32>
    %swap3A = arith.constant 156 : i32
    %swap3A_5 = arith.index_cast %swap3A : i32 to index
    %swap3A_6 = arith.constant 0 : index
    %swap3A_7 = tpu.vector_load %arg10[%swap3A_5, %swap3A_6] {strides = array<i32>} : memref<157x128xi32, #tpu.memory_space<vmem>>, vector<16xi32>,
    tpu.vector_store %arg10[%swap3A_5, %swap3A_6], %broadcast_in_dim3A_4 {strides = array<i32>} : memref<157x128xi32, #tpu.memory_space<vmem>>, vector<16xi32>,
    %broadcast_in_dim3A_8 = arith.constant 10000 : i32
    %broadcast_in_dim3A_9 = vector.broadcast %broadcast_in_dim3A_8 : i32 to vector<16xi32>
    %swap3A_10 = arith.constant 156 : i32
    %swap3A_11 = arith.index_cast %swap3A_10 : i32 to index
    %swap3A_12 = arith.constant 0 : index
    %swap3A_13 = tpu.vector_load %arg11[%swap3A_11, %swap3A_12] {strides = array<i32>} : memref<157x128xi32, #tpu.memory_space<vmem>>, vector<16xi32>,
    tpu.vector_store %arg11[%swap3A_11, %swap3A_12], %broadcast_in_dim3A_9 {strides = array<i32>} : memref<157x128xi32, #tpu.memory_space<vmem>>, vector<16xi32>,
    %broadcast_in_dim3A_14 = arith.constant 0 : i32
    %broadcast_in_dim3A_15 = vector.broadcast %broadcast_in_dim3A_14 : i32 to vector<16xi32>
    %swap3A_16 = arith.constant 156 : i32
    %swap3A_17 = arith.index_cast %swap3A_16 : i32 to index
    %swap3A_18 = arith.constant 16 : index
    %swap3A_19 = tpu.vector_load %arg10[%swap3A_17, %swap3A_18] {strides = array<i32>} : memref<157x128xi32, #tpu.memory_space<vmem>>, vector<16xi32>,
    tpu.vector_store %arg10[%swap3A_17, %swap3A_18], %broadcast_in_dim3A_15 {strides = array<i32>} : memref<157x128xi32, #tpu.memory_space<vmem>>, vector<16xi32>,
    %broadcast_in_dim3A_20 = arith.constant 10000 : i32
    %broadcast_in_dim3A_21 = vector.broadcast %broadcast_in_dim3A_20 : i32 to vector<16xi32>
    %swap3A_22 = arith.constant 156 : i32
    %swap3A_23 = arith.index_cast %swap3A_22 : i32 to index
    %swap3A_24 = arith.constant 16 : index
    %swap3A_25 = tpu.vector_load %arg11[%swap3A_23, %swap3A_24] {strides = array<i32>} : memref<157x128xi32, #tpu.memory_space<vmem>>, vector<16xi32>,
    tpu.vector_store %arg11[%swap3A_23, %swap3A_24], %broadcast_in_dim3A_21 {strides = array<i32>} : memref<157x128xi32, #tpu.memory_space<vmem>>, vector<16xi32>,
    %broadcast_in_dim3A_26 = arith.constant 0 : i32
    %broadcast_in_dim3A_27 = vector.broadcast %broadcast_in_dim3A_26 : i32 to vector<16xi32>
    %swap3A_28 = arith.constant 156 : i32
    %swap3A_29 = arith.index_cast %swap3A_28 : i32 to index
    %swap3A_30 = arith.constant 32 : index
    %swap3A_31 = tpu.vector_load %arg10[%swap3A_29, %swap3A_30] {strides = array<i32>} : memref<157x128xi32, #tpu.memory_space<vmem>>, vector<16xi32>,
    tpu.vector_store %arg10[%swap3A_29, %swap3A_30], %broadcast_in_dim3A_27 {strides = array<i32>} : memref<157x128xi32, #tpu.memory_space<vmem>>, vector<16xi32>,
    %broadcast_in_dim3A_32 = arith.constant 10000 : i32
    %broadcast_in_dim3A_33 = vector.broadcast %broadcast_in_dim3A_32 : i32 to vector<16xi32>
    %swap3A_34 = arith.constant 156 : i32
    %swap3A_35 = arith.index_cast %swap3A_34 : i32 to index
    %swap3A_36 = arith.constant 32 : index
    %swap3A_37 = tpu.vector_load %arg11[%swap3A_35, %swap3A_36] {strides = array<i32>} : memref<157x128xi32, #tpu.memory_space<vmem>>, vector<16xi32>,
    tpu.vector_store %arg11[%swap3A_35, %swap3A_36], %broadcast_in_dim3A_33 {strides = array<i32>} : memref<157x128xi32, #tpu.memory_space<vmem>>, vector<16xi32>,
    %broadcast_in_dim3A_38 = arith.constant 0 : i32
    %broadcast_in_dim3A_39 = vector.broadcast %broadcast_in_dim3A_38 : i32 to vector<16xi32>
    %swap3A_40 = arith.constant 156 : i32
    %swap3A_41 = arith.index_cast %swap3A_40 : i32 to index
    %swap3A_42 = arith.constant 48 : index
    %swap3A_43 = tpu.vector_load %arg10[%swap3A_41, %swap3A_42] {strides = array<i32>} : memref<157x128xi32, #tpu.memory_space<vmem>>, vector<16xi32>,
    tpu.vector_store %arg10[%swap3A_41, %swap3A_42], %broadcast_in_dim3A_39 {strides = array<i32>} : memref<157x128xi32, #tpu.memory_space<vmem>>, vector<16xi32>,
    %broadcast_in_dim3A_44 = arith.constant 10000 : i32
    %broadcast_in_dim3A_45 = vector.broadcast %broadcast_in_dim3A_44 : i32 to vector<16xi32>
    %swap3A_46 = arith.constant 156 : i32
    %swap3A_47 = arith.index_cast %swap3A_46 : i32 to index
    %swap3A_48 = arith.constant 48 : index
    %swap3A_49 = tpu.vector_load %arg11[%swap3A_47, %swap3A_48] {strides = array<i32>} : memref<157x128xi32, #tpu.memory_space<vmem>>, vector<16xi32>,
    tpu.vector_store %arg11[%swap3A_47, %swap3A_48], %broadcast_in_dim3A_45 {strides = array<i32>} : memref<157x128xi32, #tpu.memory_space<vmem>>, vector<16xi32>,
    %broadcast_in_dim3A_50 = arith.constant 0 : i32
    %broadcast_in_dim3A_51 = vector.broadcast %broadcast_in_dim3A_50 : i32 to vector<16xi32>
    %swap3A_52 = arith.constant 156 : i32
    %swap3A_53 = arith.index_cast %swap3A_52 : i32 to index
    %swap3A_54 = arith.constant 64 : index
    %swap3A_55 = tpu.vector_load %arg10[%swap3A_53, %swap3A_54] {strides = array<i32>} : memref<157x128xi32, #tpu.memory_space<vmem>>, vector<16xi32>,
    tpu.vector_store %arg10[%swap3A_53, %swap3A_54], %broadcast_in_dim3A_51 {strides = array<i32>} : memref<157x128xi32, #tpu.memory_space<vmem>>, vector<16xi32>,
    %broadcast_in_dim3A_56 = arith.constant 10000 : i32
    %broadcast_in_dim3A_57 = vector.broadcast %broadcast_in_dim3A_56 : i32 to vector<16xi32>
    %swap3A_58 = arith.constant 156 : i32
    %swap3A_59 = arith.index_cast %swap3A_58 : i32 to index
    %swap3A_60 = arith.constant 64 : index
    %swap3A_61 = tpu.vector_load %arg11[%swap3A_59, %swap3A_60] {strides = array<i32>} : memref<157x128xi32, #tpu.memory_space<vmem>>, vector<16xi32>,
    tpu.vector_store %arg11[%swap3A_59, %swap3A_60], %broadcast_in_dim3A_57 {strides = array<i32>} : memref<157x128xi32, #tpu.memory_space<vmem>>, vector<16xi32>,
    %broadcast_in_dim3A_62 = arith.constant 0 : i32
    %broadcast_in_dim3A_63 = vector.broadcast %broadcast_in_dim3A_62 : i32 to vector<16xi32>
    %swap3A_64 = arith.constant 156 : i32
    %swap3A_65 = arith.index_cast %swap3A_64 : i32 to index
    %swap3A_66 = arith.constant 80 : index
    %swap3A_67 = tpu.vector_load %arg10[%swap3A_65, %swap3A_66] {strides = array<i32>} : memref<157x128xi32, #tpu.memory_space<vmem>>, vector<16xi32>,
    tpu.vector_store %arg10[%swap3A_65, %swap3A_66], %broadcast_in_dim3A_63 {strides = array<i32>} : memref<157x128xi32, #tpu.memory_space<vmem>>, vector<16xi32>,
    %broadcast_in_dim3A_68 = arith.constant 10000 : i32
    %broadcast_in_dim3A_69 = vector.broadcast %broadcast_in_dim3A_68 : i32 to vector<16xi32>
    %swap3A_70 = arith.constant 156 : i32
    %swap3A_71 = arith.index_cast %swap3A_70 : i32 to index
    %swap3A_72 = arith.constant 80 : index
    %swap3A_73 = tpu.vector_load %arg11[%swap3A_71, %swap3A_72] {strides = array<i32>} : memref<157x128xi32, #tpu.memory_space<vmem>>, vector<16xi32>,
    tpu.vector_store %arg11[%swap3A_71, %swap3A_72], %broadcast_in_dim3A_69 {strides = array<i32>} : memref<157x128xi32, #tpu.memory_space<vmem>>, vector<16xi32>,
    %broadcast_in_dim3A_74 = arith.constant 0 : i32
    %broadcast_in_dim3A_75 = vector.broadcast %broadcast_in_dim3A_74 : i32 to vector<16xi32>
    %swap3A_76 = arith.constant 156 : i32
    %swap3A_77 = arith.index_cast %swap3A_76 : i32 to index
    %swap3A_78 = arith.constant 96 : index
    %swap3A_79 = tpu.vector_load %arg10[%swap3A_77, %swap3A_78] {strides = array<i32>} : memref<157x128xi32, #tpu.memory_space<vmem>>, vector<16xi32>,
    tpu.vector_store %arg10[%swap3A_77, %swap3A_78], %broadcast_in_dim3A_75 {strides = array<i32>} : memref<157x128xi32, #tpu.memory_space<vmem>>, vector<16xi32>,
    %broadcast_in_dim3A_80 = arith.constant 10000 : i32
    %broadcast_in_dim3A_81 = vector.broadcast %broadcast_in_dim3A_80 : i32 to vector<16xi32>
    %swap3A_82 = arith.constant 156 : i32
    %swap3A_83 = arith.index_cast %swap3A_82 : i32 to index
    %swap3A_84 = arith.constant 96 : index
    %swap3A_85 = tpu.vector_load %arg11[%swap3A_83, %swap3A_84] {strides = array<i32>} : memref<157x128xi32, #tpu.memory_space<vmem>>, vector<16xi32>,
    tpu.vector_store %arg11[%swap3A_83, %swap3A_84], %broadcast_in_dim3A_81 {strides = array<i32>} : memref<157x128xi32, #tpu.memory_space<vmem>>, vector<16xi32>,
    %broadcast_in_dim3A_86 = arith.constant 0 : i32
    %broadcast_in_dim3A_87 = vector.broadcast %broadcast_in_dim3A_86 : i32 to vector<16xi32>
    %swap3A_88 = arith.constant 156 : i32
    %swap3A_89 = arith.index_cast %swap3A_88 : i32 to index
    %swap3A_90 = arith.constant 112 : index
    %swap3A_91 = tpu.vector_load %arg10[%swap3A_89, %swap3A_90] {strides = array<i32>} : memref<157x128xi32, #tpu.memory_space<vmem>>, vector<16xi32>,
    tpu.vector_store %arg10[%swap3A_89, %swap3A_90], %broadcast_in_dim3A_87 {strides = array<i32>} : memref<157x128xi32, #tpu.memory_space<vmem>>, vector<16xi32>,
    %broadcast_in_dim3A_92 = arith.constant 10000 : i32
    %broadcast_in_dim3A_93 = vector.broadcast %broadcast_in_dim3A_92 : i32 to vector<16xi32>
    %swap3A_94 = arith.constant 156 : i32
    %swap3A_95 = arith.index_cast %swap3A_94 : i32 to index
    %swap3A_96 = arith.constant 112 : index
    %swap3A_97 = tpu.vector_load %arg11[%swap3A_95, %swap3A_96] {strides = array<i32>} : memref<157x128xi32, #tpu.memory_space<vmem>>, vector<16xi32>,
    tpu.vector_store %arg11[%swap3A_95, %swap3A_96], %broadcast_in_dim3A_93 {strides = array<i32>} : memref<157x128xi32, #tpu.memory_space<vmem>>, vector<16xi32>,
    %lt3A = arith.constant 4 : i32
    %lt3A_98 = arith.cmpi slt, %arg1, %lt3A : i32
    %convert_element_type3A = arith.extui %lt3A_98 : i1 to i32
    %cond3A = arith.constant 0 : i32
    %cond3A_99 = arith.cmpi ne, %convert_element_type3A, %cond3A : i32
    scf.if %cond3A_99 {
      "tpu.region"() ({
        %run_scoped3A_233 = tpu.sem_alloc : memref<!tpu.dma_semaphore, #tpu.memory_space<semaphore_mem>>
        %dma_start3A = arith.constant 156 : i32
        %dma_start3A_234 = arith.constant 0 : i32
        %dma_start3A_235 = tpu.memref_slice %arg10[%dma_start3A, %dma_start3A_234] : memref<157x128xi32, #tpu.memory_space<vmem>> -> memref<1x128xi32, #tpu.memory_space<vmem>>
        %dma_start3A_236 = arith.constant 0 : i32
        %dma_start3A_237 = arith.constant 0 : i32
        %dma_start3A_238 = tpu.memref_slice %arg6[%arg1, %dma_start3A_236, %dma_start3A_237] : memref<4x1x128xi32, #tpu.memory_space<hbm>> -> memref<1x1x128xi32, #tpu.memory_space<hbm>>
        %dma_start3A_239 = tpu.memref_squeeze %dma_start3A_238 : memref<1x1x128xi32, #tpu.memory_space<hbm>> -> memref<1x128xi32, #tpu.memory_space<hbm>>
        %dma_start3A_240 = arith.constant 156 : i32
        %dma_start3A_241 = arith.constant 0 : i32
        %dma_start3A_242 = tpu.memref_slice %arg10[%dma_start3A_240, %dma_start3A_241] : memref<157x128xi32, #tpu.memory_space<vmem>> -> memref<1x128xi32, #tpu.memory_space<vmem>>
        %dma_start3A_243 = arith.constant 0 : i32
        %dma_start3A_244 = arith.constant 0 : i32
        %dma_start3A_245 = tpu.memref_slice %arg6[%arg1, %dma_start3A_243, %dma_start3A_244] : memref<4x1x128xi32, #tpu.memory_space<hbm>> -> memref<1x1x128xi32, #tpu.memory_space<hbm>>
        %dma_start3A_246 = tpu.memref_squeeze %dma_start3A_245 : memref<1x1x128xi32, #tpu.memory_space<hbm>> -> memref<1x128xi32, #tpu.memory_space<hbm>>
        tpu.enqueue_dma source(%dma_start3A_246 : memref<1x128xi32, #tpu.memory_space<hbm>>) target(%dma_start3A_242 : memref<1x128xi32, #tpu.memory_space<vmem>>) target_semaphore(%run_scoped3A_233 : memref<!tpu.dma_semaphore, #tpu.memory_space<semaphore_mem>>)
        %dma_wait3A = arith.constant 156 : i32
        %dma_wait3A_247 = arith.constant 0 : i32
        %dma_wait3A_248 = tpu.memref_slice %arg10[%dma_wait3A, %dma_wait3A_247] : memref<157x128xi32, #tpu.memory_space<vmem>> -> memref<1x128xi32, #tpu.memory_space<vmem>>
        %dma_wait3A_249 = arith.constant 0 : i32
        %dma_wait3A_250 = arith.constant 0 : i32
        %dma_wait3A_251 = tpu.memref_slice %arg6[%arg1, %dma_wait3A_249, %dma_wait3A_250] : memref<4x1x128xi32, #tpu.memory_space<hbm>> -> memref<1x1x128xi32, #tpu.memory_space<hbm>>
        %dma_wait3A_252 = tpu.memref_squeeze %dma_wait3A_251 : memref<1x1x128xi32, #tpu.memory_space<hbm>> -> memref<1x128xi32, #tpu.memory_space<hbm>>
        %dma_wait3A_253 = arith.constant 156 : i32
        %dma_wait3A_254 = arith.constant 0 : i32
        %dma_wait3A_255 = tpu.memref_slice %arg10[%dma_wait3A_253, %dma_wait3A_254] : memref<157x128xi32, #tpu.memory_space<vmem>> -> memref<1x128xi32, #tpu.memory_space<vmem>>
        %dma_wait3A_256 = arith.constant 0 : i32
        %dma_wait3A_257 = arith.constant 0 : i32
        %dma_wait3A_258 = tpu.memref_slice %arg6[%arg1, %dma_wait3A_256, %dma_wait3A_257] : memref<4x1x128xi32, #tpu.memory_space<hbm>> -> memref<1x1x128xi32, #tpu.memory_space<hbm>>
        %dma_wait3A_259 = tpu.memref_squeeze %dma_wait3A_258 : memref<1x1x128xi32, #tpu.memory_space<hbm>> -> memref<1x128xi32, #tpu.memory_space<hbm>>
        tpu.wait_dma2 semaphore(%run_scoped3A_233 : memref<!tpu.dma_semaphore, #tpu.memory_space<semaphore_mem>>) src(%dma_wait3A_259 : memref<1x128xi32, #tpu.memory_space<hbm>>) dst(%dma_wait3A_255 : memref<1x128xi32, #tpu.memory_space<vmem>>)
        tpu.yield
      }) : () -> ()
      "tpu.region"() ({
        %run_scoped3A_233 = tpu.sem_alloc : memref<!tpu.dma_semaphore, #tpu.memory_space<semaphore_mem>>
        %dma_start3A = arith.constant 156 : i32
        %dma_start3A_234 = arith.constant 0 : i32
        %dma_start3A_235 = tpu.memref_slice %arg11[%dma_start3A, %dma_start3A_234] : memref<157x128xi32, #tpu.memory_space<vmem>> -> memref<1x128xi32, #tpu.memory_space<vmem>>
        %dma_start3A_236 = arith.constant 0 : i32
        %dma_start3A_237 = arith.constant 0 : i32
        %dma_start3A_238 = tpu.memref_slice %arg7[%arg1, %dma_start3A_236, %dma_start3A_237] : memref<4x1x128xi32, #tpu.memory_space<hbm>> -> memref<1x1x128xi32, #tpu.memory_space<hbm>>
        %dma_start3A_239 = tpu.memref_squeeze %dma_start3A_238 : memref<1x1x128xi32, #tpu.memory_space<hbm>> -> memref<1x128xi32, #tpu.memory_space<hbm>>
        %dma_start3A_240 = arith.constant 156 : i32
        %dma_start3A_241 = arith.constant 0 : i32
        %dma_start3A_242 = tpu.memref_slice %arg11[%dma_start3A_240, %dma_start3A_241] : memref<157x128xi32, #tpu.memory_space<vmem>> -> memref<1x128xi32, #tpu.memory_space<vmem>>
        %dma_start3A_243 = arith.constant 0 : i32
        %dma_start3A_244 = arith.constant 0 : i32
        %dma_start3A_245 = tpu.memref_slice %arg7[%arg1, %dma_start3A_243, %dma_start3A_244] : memref<4x1x128xi32, #tpu.memory_space<hbm>> -> memref<1x1x128xi32, #tpu.memory_space<hbm>>
        %dma_start3A_246 = tpu.memref_squeeze %dma_start3A_245 : memref<1x1x128xi32, #tpu.memory_space<hbm>> -> memref<1x128xi32, #tpu.memory_space<hbm>>
        tpu.enqueue_dma source(%dma_start3A_246 : memref<1x128xi32, #tpu.memory_space<hbm>>) target(%dma_start3A_242 : memref<1x128xi32, #tpu.memory_space<vmem>>) target_semaphore(%run_scoped3A_233 : memref<!tpu.dma_semaphore, #tpu.memory_space<semaphore_mem>>)
        %dma_wait3A = arith.constant 156 : i32
        %dma_wait3A_247 = arith.constant 0 : i32
        %dma_wait3A_248 = tpu.memref_slice %arg11[%dma_wait3A, %dma_wait3A_247] : memref<157x128xi32, #tpu.memory_space<vmem>> -> memref<1x128xi32, #tpu.memory_space<vmem>>
        %dma_wait3A_249 = arith.constant 0 : i32
        %dma_wait3A_250 = arith.constant 0 : i32
        %dma_wait3A_251 = tpu.memref_slice %arg7[%arg1, %dma_wait3A_249, %dma_wait3A_250] : memref<4x1x128xi32, #tpu.memory_space<hbm>> -> memref<1x1x128xi32, #tpu.memory_space<hbm>>
        %dma_wait3A_252 = tpu.memref_squeeze %dma_wait3A_251 : memref<1x1x128xi32, #tpu.memory_space<hbm>> -> memref<1x128xi32, #tpu.memory_space<hbm>>
        %dma_wait3A_253 = arith.constant 156 : i32
        %dma_wait3A_254 = arith.constant 0 : i32
        %dma_wait3A_255 = tpu.memref_slice %arg11[%dma_wait3A_253, %dma_wait3A_254] : memref<157x128xi32, #tpu.memory_space<vmem>> -> memref<1x128xi32, #tpu.memory_space<vmem>>
        %dma_wait3A_256 = arith.constant 0 : i32
        %dma_wait3A_257 = arith.constant 0 : i32
        %dma_wait3A_258 = tpu.memref_slice %arg7[%arg1, %dma_wait3A_256, %dma_wait3A_257] : memref<4x1x128xi32, #tpu.memory_space<hbm>> -> memref<1x1x128xi32, #tpu.memory_space<hbm>>
        %dma_wait3A_259 = tpu.memref_squeeze %dma_wait3A_258 : memref<1x1x128xi32, #tpu.memory_space<hbm>> -> memref<1x128xi32, #tpu.memory_space<hbm>>
        tpu.wait_dma2 semaphore(%run_scoped3A_233 : memref<!tpu.dma_semaphore, #tpu.memory_space<semaphore_mem>>) src(%dma_wait3A_259 : memref<1x128xi32, #tpu.memory_space<hbm>>) dst(%dma_wait3A_255 : memref<1x128xi32, #tpu.memory_space<vmem>>)
        tpu.yield
      }) : () -> ()
    } else {
    }
    %eq3A = arith.constant 0 : i32
    %eq3A_100 = arith.cmpi eq, %arg0, %eq3A : i32
    %convert_element_type3A_101 = arith.extui %eq3A_100 : i1 to i32
    %cond3A_102 = arith.constant 0 : i32
    %cond3A_103 = arith.cmpi ne, %convert_element_type3A_101, %cond3A_102 : i32
    scf.if %cond3A_103 {
      %dma_start3A = arith.constant 0 : i32
      %dma_start3A_233 = arith.constant 0 : i32
      %dma_start3A_234 = tpu.memref_slice %arg10[%dma_start3A, %dma_start3A_233] : memref<157x128xi32, #tpu.memory_space<vmem>> -> memref<1x128xi32, #tpu.memory_space<vmem>>
      %dma_start3A_235 = tpu.memref_squeeze %dma_start3A_234 : memref<1x128xi32, #tpu.memory_space<vmem>> -> memref<128xi32, #tpu.memory_space<vmem>>
      %dma_start3A_236 = arith.constant 0 : i32
      %dma_start3A_237 = arith.constant 0 : i32
      %dma_start3A_238 = tpu.memref_slice %arg2[%dma_start3A_236, %dma_start3A_237] : memref<10000x64xf32, #tpu.memory_space<hbm>> -> memref<10000x64xf32, #tpu.memory_space<hbm>>
      tpu.enqueue_indirect_dma source(%dma_start3A_238 : memref<10000x64xf32, #tpu.memory_space<hbm>>) target(%arg12 : memref<128x64xf32, #tpu.memory_space<vmem>>) offsets(%dma_start3A_235 : memref<128xi32, #tpu.memory_space<vmem>>) semaphore(%arg19 : memref<!tpu.dma_semaphore, #tpu.memory_space<semaphore_mem>>)
    } else {
    }
    %eq3A_104 = arith.constant 1 : i32
    %eq3A_105 = arith.cmpi eq, %arg0, %eq3A_104 : i32
    %convert_element_type3A_106 = arith.extui %eq3A_105 : i1 to i32
    %cond3A_107 = arith.constant 0 : i32
    %cond3A_108 = arith.cmpi ne, %convert_element_type3A_106, %cond3A_107 : i32
    scf.if %cond3A_108 {
      %dma_start3A = arith.constant 0 : i32
      %dma_start3A_233 = arith.constant 0 : i32
      %dma_start3A_234 = tpu.memref_slice %arg10[%dma_start3A, %dma_start3A_233] : memref<157x128xi32, #tpu.memory_space<vmem>> -> memref<1x128xi32, #tpu.memory_space<vmem>>
      %dma_start3A_235 = tpu.memref_squeeze %dma_start3A_234 : memref<1x128xi32, #tpu.memory_space<vmem>> -> memref<128xi32, #tpu.memory_space<vmem>>
      %dma_start3A_236 = arith.constant 0 : i32
      %dma_start3A_237 = arith.constant 0 : i32
      %dma_start3A_238 = tpu.memref_slice %arg3[%dma_start3A_236, %dma_start3A_237] : memref<10000x64xf32, #tpu.memory_space<hbm>> -> memref<10000x64xf32, #tpu.memory_space<hbm>>
      tpu.enqueue_indirect_dma source(%dma_start3A_238 : memref<10000x64xf32, #tpu.memory_space<hbm>>) target(%arg12 : memref<128x64xf32, #tpu.memory_space<vmem>>) offsets(%dma_start3A_235 : memref<128xi32, #tpu.memory_space<vmem>>) semaphore(%arg19 : memref<!tpu.dma_semaphore, #tpu.memory_space<semaphore_mem>>)
    } else {
    }
    %scan3A = arith.constant 0 : i32
    %scan3A_109 = arith.constant 0 : i32
    %scan3A_110 = arith.constant 32 : i32
    %scan3A_111 = arith.addi %scan3A_109, %scan3A_110 : i32
    %scan3A_112 = arith.constant 1 : i32
    scf.for %scan3A_233 = %scan3A_109 to %scan3A_111 step %scan3A_112  : i32 {
      %broadcast_in_dim3A_234 = arith.constant 0.000000e+00 : f32
      %broadcast_in_dim3A_235 = vector.broadcast %broadcast_in_dim3A_234 : f32 to vector<16xf32>
      %swap3A_236 = arith.index_cast %scan3A_233 : i32 to index
      %swap3A_237 = arith.constant 0 : index
      %swap3A_238 = tpu.vector_load %arg14[%swap3A_236, %swap3A_237] {strides = array<i32>} : memref<32x64xf32, #tpu.memory_space<vmem>>, vector<16xf32>,
      tpu.vector_store %arg14[%swap3A_236, %swap3A_237], %broadcast_in_dim3A_235 {strides = array<i32>} : memref<32x64xf32, #tpu.memory_space<vmem>>, vector<16xf32>,
      %broadcast_in_dim3A_239 = arith.constant 0.000000e+00 : f32
      %broadcast_in_dim3A_240 = vector.broadcast %broadcast_in_dim3A_239 : f32 to vector<16xf32>
      %swap3A_241 = arith.index_cast %scan3A_233 : i32 to index
      %swap3A_242 = arith.constant 16 : index
      %swap3A_243 = tpu.vector_load %arg14[%swap3A_241, %swap3A_242] {strides = array<i32>} : memref<32x64xf32, #tpu.memory_space<vmem>>, vector<16xf32>,
      tpu.vector_store %arg14[%swap3A_241, %swap3A_242], %broadcast_in_dim3A_240 {strides = array<i32>} : memref<32x64xf32, #tpu.memory_space<vmem>>, vector<16xf32>,
      %broadcast_in_dim3A_244 = arith.constant 0.000000e+00 : f32
      %broadcast_in_dim3A_245 = vector.broadcast %broadcast_in_dim3A_244 : f32 to vector<16xf32>
      %swap3A_246 = arith.index_cast %scan3A_233 : i32 to index
      %swap3A_247 = arith.constant 32 : index
      %swap3A_248 = tpu.vector_load %arg14[%swap3A_246, %swap3A_247] {strides = array<i32>} : memref<32x64xf32, #tpu.memory_space<vmem>>, vector<16xf32>,
      tpu.vector_store %arg14[%swap3A_246, %swap3A_247], %broadcast_in_dim3A_245 {strides = array<i32>} : memref<32x64xf32, #tpu.memory_space<vmem>>, vector<16xf32>,
      %broadcast_in_dim3A_249 = arith.constant 0.000000e+00 : f32
      %broadcast_in_dim3A_250 = vector.broadcast %broadcast_in_dim3A_249 : f32 to vector<16xf32>
      %swap3A_251 = arith.index_cast %scan3A_233 : i32 to index
      %swap3A_252 = arith.constant 48 : index
      %swap3A_253 = tpu.vector_load %arg14[%swap3A_251, %swap3A_252] {strides = array<i32>} : memref<32x64xf32, #tpu.memory_space<vmem>>, vector<16xf32>,
      tpu.vector_store %arg14[%swap3A_251, %swap3A_252], %broadcast_in_dim3A_250 {strides = array<i32>} : memref<32x64xf32, #tpu.memory_space<vmem>>, vector<16xf32>,
    }
    %scan3A_113 = arith.constant 32 : i32
    %scan3A_114 = arith.constant 0 : i32
    %scan3A_115 = arith.constant 0 : i32
    %scan3A_116 = arith.constant 640 : i32
    %scan3A_117 = arith.addi %scan3A_115, %scan3A_116 : i32
    %scan3A_118 = arith.constant 1 : i32
    scf.for %scan3A_233 = %scan3A_115 to %scan3A_117 step %scan3A_118  : i32 {
      %broadcast_in_dim3A_234 = arith.constant 0.000000e+00 : f32
      %broadcast_in_dim3A_235 = vector.broadcast %broadcast_in_dim3A_234 : f32 to vector<16xf32>
      %swap3A_236 = arith.index_cast %scan3A_233 : i32 to index
      %swap3A_237 = arith.constant 0 : index
      %swap3A_238 = tpu.vector_load %arg15[%swap3A_236, %swap3A_237] {strides = array<i32>} : memref<640x16xf32, #tpu.memory_space<vmem>>, vector<16xf32>,
      tpu.vector_store %arg15[%swap3A_236, %swap3A_237], %broadcast_in_dim3A_235 {strides = array<i32>} : memref<640x16xf32, #tpu.memory_space<vmem>>, vector<16xf32>,
    }
    %scan3A_119 = arith.constant 640 : i32
    %scan3A_120 = arith.constant 0 : i32
    %scan3A_121 = arith.constant 0 : i32
    %scan3A_122 = arith.constant 20 : i32
    %scan3A_123 = arith.addi %scan3A_121, %scan3A_122 : i32
    %scan3A_124 = arith.constant 1 : i32
    scf.for %scan3A_233 = %scan3A_121 to %scan3A_123 step %scan3A_124  : i32 {
      %mul3A_234 = arith.constant 640 : i32
      %mul3A_235 = arith.muli %arg1, %mul3A_234 : i32
      %mul3A_236 = arith.constant 32 : i32
      %mul3A_237 = arith.muli %scan3A_233, %mul3A_236 : i32
      %add3A = arith.addi %mul3A_235, %mul3A_237 : i32
      %dma_start3A = arith.constant 0 : i32
      %dma_start3A_238 = tpu.memref_slice %arg17[%add3A, %dma_start3A] : memref<10240x64xf32, #tpu.memory_space<vmem_shared>> -> memref<32x64xf32, #tpu.memory_space<vmem_shared>>
      %dma_start3A_239 = arith.constant 0 : i32
      %dma_start3A_240 = tpu.memref_slice %arg17[%add3A, %dma_start3A_239] : memref<10240x64xf32, #tpu.memory_space<vmem_shared>> -> memref<32x64xf32, #tpu.memory_space<vmem_shared>>
      tpu.enqueue_dma source(%arg14 : memref<32x64xf32, #tpu.memory_space<vmem>>) target(%dma_start3A_240 : memref<32x64xf32, #tpu.memory_space<vmem_shared>>) target_semaphore(%arg21 : memref<!tpu.dma_semaphore, #tpu.memory_space<semaphore_mem>>)
    }
    %scan3A_125 = arith.constant 20 : i32
    %scan3A_126 = arith.constant 0 : i32
    %scan3A_127 = arith.constant 0 : i32
    %scan3A_128 = arith.constant 20 : i32
    %scan3A_129 = arith.addi %scan3A_127, %scan3A_128 : i32
    %scan3A_130 = arith.constant 1 : i32
    scf.for %scan3A_233 = %scan3A_127 to %scan3A_129 step %scan3A_130  : i32 {
      %dma_wait3A = arith.constant 0 : i32
      %dma_wait3A_234 = arith.constant 0 : i32
      %dma_wait3A_235 = tpu.memref_slice %arg17[%dma_wait3A, %dma_wait3A_234] : memref<10240x64xf32, #tpu.memory_space<vmem_shared>> -> memref<32x64xf32, #tpu.memory_space<vmem_shared>>
      %dma_wait3A_236 = arith.constant 0 : i32
      %dma_wait3A_237 = arith.constant 0 : i32
      %dma_wait3A_238 = tpu.memref_slice %arg17[%dma_wait3A_236, %dma_wait3A_237] : memref<10240x64xf32, #tpu.memory_space<vmem_shared>> -> memref<32x64xf32, #tpu.memory_space<vmem_shared>>
      tpu.wait_dma2 semaphore(%arg21 : memref<!tpu.dma_semaphore, #tpu.memory_space<semaphore_mem>>) src(%arg14 : memref<32x64xf32, #tpu.memory_space<vmem>>) dst(%dma_wait3A_238 : memref<32x64xf32, #tpu.memory_space<vmem_shared>>)
    }
    %scan3A_131 = arith.constant 20 : i32
    %barrier3A = arith.constant 0 : index
    tpu.barrier barrier_id(%barrier3A)
    %scan3A_132 = arith.constant 0 : i32
    %scan3A_133 = arith.constant 0 : i32
    %scan3A_134 = arith.constant 78 : i32
    %scan3A_135 = arith.addi %scan3A_133, %scan3A_134 : i32
    %scan3A_136 = arith.constant 1 : i32
    scf.for %scan3A_233 = %scan3A_133 to %scan3A_135 step %scan3A_136  : i32 {
      %mul3A_234 = arith.constant 2 : i32
      %mul3A_235 = arith.muli %scan3A_233, %mul3A_234 : i32
      %add3A = arith.constant 0 : i32
      %add3A_236 = arith.addi %mul3A_235, %add3A : i32
      %add3A_237 = arith.constant 1 : i32
      %add3A_238 = arith.addi %add3A_236, %add3A_237 : i32
      %eq3A_239 = arith.constant 0 : i32
      %eq3A_240 = arith.cmpi eq, %arg0, %eq3A_239 : i32
      %convert_element_type3A_241 = arith.extui %eq3A_240 : i1 to i32
      %cond3A_242 = arith.constant 0 : i32
      %cond3A_243 = arith.cmpi ne, %convert_element_type3A_241, %cond3A_242 : i32
      scf.if %cond3A_243 {
        %dma_start3A = arith.constant 0 : i32
        %dma_start3A_321 = tpu.memref_slice %arg10[%add3A_238, %dma_start3A] : memref<157x128xi32, #tpu.memory_space<vmem>> -> memref<1x128xi32, #tpu.memory_space<vmem>>
        %dma_start3A_322 = tpu.memref_squeeze %dma_start3A_321 : memref<1x128xi32, #tpu.memory_space<vmem>> -> memref<128xi32, #tpu.memory_space<vmem>>
        %dma_start3A_323 = arith.constant 0 : i32
        %dma_start3A_324 = arith.constant 0 : i32
        %dma_start3A_325 = tpu.memref_slice %arg2[%dma_start3A_323, %dma_start3A_324] : memref<10000x64xf32, #tpu.memory_space<hbm>> -> memref<10000x64xf32, #tpu.memory_space<hbm>>
        tpu.enqueue_indirect_dma source(%dma_start3A_325 : memref<10000x64xf32, #tpu.memory_space<hbm>>) target(%arg13 : memref<128x64xf32, #tpu.memory_space<vmem>>) offsets(%dma_start3A_322 : memref<128xi32, #tpu.memory_space<vmem>>) semaphore(%arg20 : memref<!tpu.dma_semaphore, #tpu.memory_space<semaphore_mem>>)
      } else {
      }
      %eq3A_244 = arith.constant 1 : i32
      %eq3A_245 = arith.cmpi eq, %arg0, %eq3A_244 : i32
      %convert_element_type3A_246 = arith.extui %eq3A_245 : i1 to i32
      %cond3A_247 = arith.constant 0 : i32
      %cond3A_248 = arith.cmpi ne, %convert_element_type3A_246, %cond3A_247 : i32
      scf.if %cond3A_248 {
        %dma_start3A = arith.constant 0 : i32
        %dma_start3A_321 = tpu.memref_slice %arg10[%add3A_238, %dma_start3A] : memref<157x128xi32, #tpu.memory_space<vmem>> -> memref<1x128xi32, #tpu.memory_space<vmem>>
        %dma_start3A_322 = tpu.memref_squeeze %dma_start3A_321 : memref<1x128xi32, #tpu.memory_space<vmem>> -> memref<128xi32, #tpu.memory_space<vmem>>
        %dma_start3A_323 = arith.constant 0 : i32
        %dma_start3A_324 = arith.constant 0 : i32
        %dma_start3A_325 = tpu.memref_slice %arg3[%dma_start3A_323, %dma_start3A_324] : memref<10000x64xf32, #tpu.memory_space<hbm>> -> memref<10000x64xf32, #tpu.memory_space<hbm>>
        tpu.enqueue_indirect_dma source(%dma_start3A_325 : memref<10000x64xf32, #tpu.memory_space<hbm>>) target(%arg13 : memref<128x64xf32, #tpu.memory_space<vmem>>) offsets(%dma_start3A_322 : memref<128xi32, #tpu.memory_space<vmem>>) semaphore(%arg20 : memref<!tpu.dma_semaphore, #tpu.memory_space<semaphore_mem>>)
      } else {
      }
      %jit3A = arith.constant 2 : i32
      %eq3A_249 = arith.constant 0 : i32
      %eq3A_250 = arith.cmpi eq, %jit3A, %eq3A_249 : i32
      %jit3A_251 = arith.constant 1 : i32
      %select_n3A = arith.select %eq3A_250, %jit3A_251, %jit3A : i32
      %rem3A = arith.remsi %add3A_236, %select_n3A : i32
      %ne3A = arith.constant 0 : i32
      %ne3A_252 = arith.cmpi ne, %rem3A, %ne3A : i32
      %lt3A_253 = arith.constant 0 : i32
      %lt3A_254 = arith.cmpi slt, %rem3A, %lt3A_253 : i32
      %lt3A_255 = arith.constant 0 : i32
      %lt3A_256 = arith.cmpi slt, %select_n3A, %lt3A_255 : i32
      %ne3A_257 = arith.xori %lt3A_254, %lt3A_256 : i1
      %and3A_258 = arith.andi %ne3A_257, %ne3A_252 : i1
      %add3A_259 = arith.addi %rem3A, %select_n3A : i32
      %select_n3A_260 = arith.select %and3A_258, %add3A_259, %rem3A : i32
      %eq3A_261 = arith.cmpi eq, %select_n3A_260, %arg0 : i32
      %convert_element_type3A_262 = arith.extui %eq3A_261 : i1 to i32
      %cond3A_263 = arith.constant 0 : i32
      %cond3A_264 = arith.cmpi ne, %convert_element_type3A_262, %cond3A_263 : i32
      scf.if %cond3A_264 {
        %get3A = arith.index_cast %add3A_236 : i32 to index
        %get3A_321 = arith.constant 0 : index
        %get3A_322 = tpu.vector_load %arg11[%get3A, %get3A_321] {strides = array<i32>} : memref<157x128xi32, #tpu.memory_space<vmem>>, vector<16xi32>,
        %shift_right_logical3A = arith.constant 4 : i32
        %shift_right_logical3A_323 = vector.broadcast %shift_right_logical3A : i32 to vector<16xi32>
        %shift_right_logical3A_324 = arith.shrui %get3A_322, %shift_right_logical3A_323 : vector<16xi32>
        %and3A_325 = arith.constant 15 : i32
        %and3A_326 = vector.broadcast %and3A_325 : i32 to vector<16xi32>
        %and3A_327 = arith.andi %get3A_322, %and3A_326 : vector<16xi32>
        tpu.vector_store_idx %arg15[%shift_right_logical3A_324, %and3A_327], %broadcast_in_dim3A_2 {add = true} : memref<640x16xf32, #tpu.memory_space<vmem>>[vector<16xi32>, vector<16xi32>], vector<16xf32>,
        %get3A_328 = arith.index_cast %add3A_236 : i32 to index
        %get3A_329 = arith.constant 16 : index
        %get3A_330 = tpu.vector_load %arg11[%get3A_328, %get3A_329] {strides = array<i32>} : memref<157x128xi32, #tpu.memory_space<vmem>>, vector<16xi32>,
        %shift_right_logical3A_331 = arith.constant 4 : i32
        %shift_right_logical3A_332 = vector.broadcast %shift_right_logical3A_331 : i32 to vector<16xi32>
        %shift_right_logical3A_333 = arith.shrui %get3A_330, %shift_right_logical3A_332 : vector<16xi32>
        %and3A_334 = arith.constant 15 : i32
        %and3A_335 = vector.broadcast %and3A_334 : i32 to vector<16xi32>
        %and3A_336 = arith.andi %get3A_330, %and3A_335 : vector<16xi32>
        tpu.vector_store_idx %arg15[%shift_right_logical3A_333, %and3A_336], %broadcast_in_dim3A_2 {add = true} : memref<640x16xf32, #tpu.memory_space<vmem>>[vector<16xi32>, vector<16xi32>], vector<16xf32>,
        %get3A_337 = arith.index_cast %add3A_236 : i32 to index
        %get3A_338 = arith.constant 32 : index
        %get3A_339 = tpu.vector_load %arg11[%get3A_337, %get3A_338] {strides = array<i32>} : memref<157x128xi32, #tpu.memory_space<vmem>>, vector<16xi32>,
        %shift_right_logical3A_340 = arith.constant 4 : i32
        %shift_right_logical3A_341 = vector.broadcast %shift_right_logical3A_340 : i32 to vector<16xi32>
        %shift_right_logical3A_342 = arith.shrui %get3A_339, %shift_right_logical3A_341 : vector<16xi32>
        %and3A_343 = arith.constant 15 : i32
        %and3A_344 = vector.broadcast %and3A_343 : i32 to vector<16xi32>
        %and3A_345 = arith.andi %get3A_339, %and3A_344 : vector<16xi32>
        tpu.vector_store_idx %arg15[%shift_right_logical3A_342, %and3A_345], %broadcast_in_dim3A_2 {add = true} : memref<640x16xf32, #tpu.memory_space<vmem>>[vector<16xi32>, vector<16xi32>], vector<16xf32>,
        %get3A_346 = arith.index_cast %add3A_236 : i32 to index
        %get3A_347 = arith.constant 48 : index
        %get3A_348 = tpu.vector_load %arg11[%get3A_346, %get3A_347] {strides = array<i32>} : memref<157x128xi32, #tpu.memory_space<vmem>>, vector<16xi32>,
        %shift_right_logical3A_349 = arith.constant 4 : i32
        %shift_right_logical3A_350 = vector.broadcast %shift_right_logical3A_349 : i32 to vector<16xi32>
        %shift_right_logical3A_351 = arith.shrui %get3A_348, %shift_right_logical3A_350 : vector<16xi32>
        %and3A_352 = arith.constant 15 : i32
        %and3A_353 = vector.broadcast %and3A_352 : i32 to vector<16xi32>
        %and3A_354 = arith.andi %get3A_348, %and3A_353 : vector<16xi32>
        tpu.vector_store_idx %arg15[%shift_right_logical3A_351, %and3A_354], %broadcast_in_dim3A_2 {add = true} : memref<640x16xf32, #tpu.memory_space<vmem>>[vector<16xi32>, vector<16xi32>], vector<16xf32>,
        %get3A_355 = arith.index_cast %add3A_236 : i32 to index
        %get3A_356 = arith.constant 64 : index
        %get3A_357 = tpu.vector_load %arg11[%get3A_355, %get3A_356] {strides = array<i32>} : memref<157x128xi32, #tpu.memory_space<vmem>>, vector<16xi32>,
        %shift_right_logical3A_358 = arith.constant 4 : i32
        %shift_right_logical3A_359 = vector.broadcast %shift_right_logical3A_358 : i32 to vector<16xi32>
        %shift_right_logical3A_360 = arith.shrui %get3A_357, %shift_right_logical3A_359 : vector<16xi32>
        %and3A_361 = arith.constant 15 : i32
        %and3A_362 = vector.broadcast %and3A_361 : i32 to vector<16xi32>
        %and3A_363 = arith.andi %get3A_357, %and3A_362 : vector<16xi32>
        tpu.vector_store_idx %arg15[%shift_right_logical3A_360, %and3A_363], %broadcast_in_dim3A_2 {add = true} : memref<640x16xf32, #tpu.memory_space<vmem>>[vector<16xi32>, vector<16xi32>], vector<16xf32>,
        %get3A_364 = arith.index_cast %add3A_236 : i32 to index
        %get3A_365 = arith.constant 80 : index
        %get3A_366 = tpu.vector_load %arg11[%get3A_364, %get3A_365] {strides = array<i32>} : memref<157x128xi32, #tpu.memory_space<vmem>>, vector<16xi32>,
        %shift_right_logical3A_367 = arith.constant 4 : i32
        %shift_right_logical3A_368 = vector.broadcast %shift_right_logical3A_367 : i32 to vector<16xi32>
        %shift_right_logical3A_369 = arith.shrui %get3A_366, %shift_right_logical3A_368 : vector<16xi32>
        %and3A_370 = arith.constant 15 : i32
        %and3A_371 = vector.broadcast %and3A_370 : i32 to vector<16xi32>
        %and3A_372 = arith.andi %get3A_366, %and3A_371 : vector<16xi32>
        tpu.vector_store_idx %arg15[%shift_right_logical3A_369, %and3A_372], %broadcast_in_dim3A_2 {add = true} : memref<640x16xf32, #tpu.memory_space<vmem>>[vector<16xi32>, vector<16xi32>], vector<16xf32>,
        %get3A_373 = arith.index_cast %add3A_236 : i32 to index
        %get3A_374 = arith.constant 96 : index
        %get3A_375 = tpu.vector_load %arg11[%get3A_373, %get3A_374] {strides = array<i32>} : memref<157x128xi32, #tpu.memory_space<vmem>>, vector<16xi32>,
        %shift_right_logical3A_376 = arith.constant 4 : i32
        %shift_right_logical3A_377 = vector.broadcast %shift_right_logical3A_376 : i32 to vector<16xi32>
        %shift_right_logical3A_378 = arith.shrui %get3A_375, %shift_right_logical3A_377 : vector<16xi32>
        %and3A_379 = arith.constant 15 : i32
        %and3A_380 = vector.broadcast %and3A_379 : i32 to vector<16xi32>
        %and3A_381 = arith.andi %get3A_375, %and3A_380 : vector<16xi32>
        tpu.vector_store_idx %arg15[%shift_right_logical3A_378, %and3A_381], %broadcast_in_dim3A_2 {add = true} : memref<640x16xf32, #tpu.memory_space<vmem>>[vector<16xi32>, vector<16xi32>], vector<16xf32>,
        %get3A_382 = arith.index_cast %add3A_236 : i32 to index
        %get3A_383 = arith.constant 112 : index
        %get3A_384 = tpu.vector_load %arg11[%get3A_382, %get3A_383] {strides = array<i32>} : memref<157x128xi32, #tpu.memory_space<vmem>>, vector<16xi32>,
        %shift_right_logical3A_385 = arith.constant 4 : i32
        %shift_right_logical3A_386 = vector.broadcast %shift_right_logical3A_385 : i32 to vector<16xi32>
        %shift_right_logical3A_387 = arith.shrui %get3A_384, %shift_right_logical3A_386 : vector<16xi32>
        %and3A_388 = arith.constant 15 : i32
        %and3A_389 = vector.broadcast %and3A_388 : i32 to vector<16xi32>
        %and3A_390 = arith.andi %get3A_384, %and3A_389 : vector<16xi32>
        tpu.vector_store_idx %arg15[%shift_right_logical3A_387, %and3A_390], %broadcast_in_dim3A_2 {add = true} : memref<640x16xf32, #tpu.memory_space<vmem>>[vector<16xi32>, vector<16xi32>], vector<16xf32>,
      } else {
      }
      %eq3A_265 = arith.constant 0 : i32
      %eq3A_266 = arith.cmpi eq, %arg0, %eq3A_265 : i32
      %convert_element_type3A_267 = arith.extui %eq3A_266 : i1 to i32
      %cond3A_268 = arith.constant 0 : i32
      %cond3A_269 = arith.cmpi ne, %convert_element_type3A_267, %cond3A_268 : i32
      scf.if %cond3A_269 {
        %dma_wait3A = arith.constant 0 : i32
        %dma_wait3A_321 = tpu.memref_slice %arg10[%add3A_236, %dma_wait3A] : memref<157x128xi32, #tpu.memory_space<vmem>> -> memref<1x128xi32, #tpu.memory_space<vmem>>
        %dma_wait3A_322 = tpu.memref_squeeze %dma_wait3A_321 : memref<1x128xi32, #tpu.memory_space<vmem>> -> memref<128xi32, #tpu.memory_space<vmem>>
        %dma_wait3A_323 = arith.constant 0 : i32
        %dma_wait3A_324 = arith.constant 0 : i32
        %dma_wait3A_325 = tpu.memref_slice %arg2[%dma_wait3A_323, %dma_wait3A_324] : memref<10000x64xf32, #tpu.memory_space<hbm>> -> memref<10000x64xf32, #tpu.memory_space<hbm>>
        tpu.wait_indirect_dma semaphore(%arg19 : memref<!tpu.dma_semaphore, #tpu.memory_space<semaphore_mem>>) src(%dma_wait3A_325 : memref<10000x64xf32, #tpu.memory_space<hbm>>) dst(%arg12 : memref<128x64xf32, #tpu.memory_space<vmem>>)
      } else {
      }
      %eq3A_270 = arith.constant 1 : i32
      %eq3A_271 = arith.cmpi eq, %arg0, %eq3A_270 : i32
      %convert_element_type3A_272 = arith.extui %eq3A_271 : i1 to i32
      %cond3A_273 = arith.constant 0 : i32
      %cond3A_274 = arith.cmpi ne, %convert_element_type3A_272, %cond3A_273 : i32
      scf.if %cond3A_274 {
        %dma_wait3A = arith.constant 0 : i32
        %dma_wait3A_321 = tpu.memref_slice %arg10[%add3A_236, %dma_wait3A] : memref<157x128xi32, #tpu.memory_space<vmem>> -> memref<1x128xi32, #tpu.memory_space<vmem>>
        %dma_wait3A_322 = tpu.memref_squeeze %dma_wait3A_321 : memref<1x128xi32, #tpu.memory_space<vmem>> -> memref<128xi32, #tpu.memory_space<vmem>>
        %dma_wait3A_323 = arith.constant 0 : i32
        %dma_wait3A_324 = arith.constant 0 : i32
        %dma_wait3A_325 = tpu.memref_slice %arg3[%dma_wait3A_323, %dma_wait3A_324] : memref<10000x64xf32, #tpu.memory_space<hbm>> -> memref<10000x64xf32, #tpu.memory_space<hbm>>
        tpu.wait_indirect_dma semaphore(%arg19 : memref<!tpu.dma_semaphore, #tpu.memory_space<semaphore_mem>>) src(%dma_wait3A_325 : memref<10000x64xf32, #tpu.memory_space<hbm>>) dst(%arg12 : memref<128x64xf32, #tpu.memory_space<vmem>>)
      } else {
      }
      "tpu.region"() ({
        %run_scoped3A_321 = tpu.sem_alloc : memref<!tpu.dma_semaphore, #tpu.memory_space<semaphore_mem>>
        %dma_start3A = arith.constant 0 : i32
        %dma_start3A_322 = tpu.memref_slice %arg11[%add3A_236, %dma_start3A] : memref<157x128xi32, #tpu.memory_space<vmem>> -> memref<1x128xi32, #tpu.memory_space<vmem>>
        %dma_start3A_323 = tpu.memref_squeeze %dma_start3A_322 : memref<1x128xi32, #tpu.memory_space<vmem>> -> memref<128xi32, #tpu.memory_space<vmem>>
        %dma_start3A_324 = arith.constant 0 : i32
        %dma_start3A_325 = arith.constant 0 : i32
        %dma_start3A_326 = tpu.memref_slice %arg17[%dma_start3A_324, %dma_start3A_325] : memref<10240x64xf32, #tpu.memory_space<vmem_shared>> -> memref<10240x64xf32, #tpu.memory_space<vmem_shared>>
        tpu.enqueue_indirect_dma source(%arg12 : memref<128x64xf32, #tpu.memory_space<vmem>>) target(%dma_start3A_326 : memref<10240x64xf32, #tpu.memory_space<vmem_shared>>) offsets(%dma_start3A_323 : memref<128xi32, #tpu.memory_space<vmem>>) semaphore(%run_scoped3A_321 : memref<!tpu.dma_semaphore, #tpu.memory_space<semaphore_mem>>) {add = true}
        %dma_wait3A = arith.constant 0 : i32
        %dma_wait3A_327 = tpu.memref_slice %arg11[%add3A_236, %dma_wait3A] : memref<157x128xi32, #tpu.memory_space<vmem>> -> memref<1x128xi32, #tpu.memory_space<vmem>>
        %dma_wait3A_328 = tpu.memref_squeeze %dma_wait3A_327 : memref<1x128xi32, #tpu.memory_space<vmem>> -> memref<128xi32, #tpu.memory_space<vmem>>
        %dma_wait3A_329 = arith.constant 0 : i32
        %dma_wait3A_330 = arith.constant 0 : i32
        %dma_wait3A_331 = tpu.memref_slice %arg17[%dma_wait3A_329, %dma_wait3A_330] : memref<10240x64xf32, #tpu.memory_space<vmem_shared>> -> memref<10240x64xf32, #tpu.memory_space<vmem_shared>>
        tpu.wait_indirect_dma semaphore(%run_scoped3A_321 : memref<!tpu.dma_semaphore, #tpu.memory_space<semaphore_mem>>) src(%arg12 : memref<128x64xf32, #tpu.memory_space<vmem>>) dst(%dma_wait3A_331 : memref<10240x64xf32, #tpu.memory_space<vmem_shared>>)
        tpu.yield
      }) : () -> ()
      %mul3A_275 = arith.constant 2 : i32
      %mul3A_276 = arith.muli %scan3A_233, %mul3A_275 : i32
      %add3A_277 = arith.constant 1 : i32
      %add3A_278 = arith.addi %mul3A_276, %add3A_277 : i32
      %add3A_279 = arith.constant 1 : i32
      %add3A_280 = arith.addi %add3A_278, %add3A_279 : i32
      %eq3A_281 = arith.constant 0 : i32
      %eq3A_282 = arith.cmpi eq, %arg0, %eq3A_281 : i32
      %convert_element_type3A_283 = arith.extui %eq3A_282 : i1 to i32
      %cond3A_284 = arith.constant 0 : i32
      %cond3A_285 = arith.cmpi ne, %convert_element_type3A_283, %cond3A_284 : i32
      scf.if %cond3A_285 {
        %dma_start3A = arith.constant 0 : i32
        %dma_start3A_321 = tpu.memref_slice %arg10[%add3A_280, %dma_start3A] : memref<157x128xi32, #tpu.memory_space<vmem>> -> memref<1x128xi32, #tpu.memory_space<vmem>>
        %dma_start3A_322 = tpu.memref_squeeze %dma_start3A_321 : memref<1x128xi32, #tpu.memory_space<vmem>> -> memref<128xi32, #tpu.memory_space<vmem>>
        %dma_start3A_323 = arith.constant 0 : i32
        %dma_start3A_324 = arith.constant 0 : i32
        %dma_start3A_325 = tpu.memref_slice %arg2[%dma_start3A_323, %dma_start3A_324] : memref<10000x64xf32, #tpu.memory_space<hbm>> -> memref<10000x64xf32, #tpu.memory_space<hbm>>
        tpu.enqueue_indirect_dma source(%dma_start3A_325 : memref<10000x64xf32, #tpu.memory_space<hbm>>) target(%arg12 : memref<128x64xf32, #tpu.memory_space<vmem>>) offsets(%dma_start3A_322 : memref<128xi32, #tpu.memory_space<vmem>>) semaphore(%arg19 : memref<!tpu.dma_semaphore, #tpu.memory_space<semaphore_mem>>)
      } else {
      }
      %eq3A_286 = arith.constant 1 : i32
      %eq3A_287 = arith.cmpi eq, %arg0, %eq3A_286 : i32
      %convert_element_type3A_288 = arith.extui %eq3A_287 : i1 to i32
      %cond3A_289 = arith.constant 0 : i32
      %cond3A_290 = arith.cmpi ne, %convert_element_type3A_288, %cond3A_289 : i32
      scf.if %cond3A_290 {
        %dma_start3A = arith.constant 0 : i32
        %dma_start3A_321 = tpu.memref_slice %arg10[%add3A_280, %dma_start3A] : memref<157x128xi32, #tpu.memory_space<vmem>> -> memref<1x128xi32, #tpu.memory_space<vmem>>
        %dma_start3A_322 = tpu.memref_squeeze %dma_start3A_321 : memref<1x128xi32, #tpu.memory_space<vmem>> -> memref<128xi32, #tpu.memory_space<vmem>>
        %dma_start3A_323 = arith.constant 0 : i32
        %dma_start3A_324 = arith.constant 0 : i32
        %dma_start3A_325 = tpu.memref_slice %arg3[%dma_start3A_323, %dma_start3A_324] : memref<10000x64xf32, #tpu.memory_space<hbm>> -> memref<10000x64xf32, #tpu.memory_space<hbm>>
        tpu.enqueue_indirect_dma source(%dma_start3A_325 : memref<10000x64xf32, #tpu.memory_space<hbm>>) target(%arg12 : memref<128x64xf32, #tpu.memory_space<vmem>>) offsets(%dma_start3A_322 : memref<128xi32, #tpu.memory_space<vmem>>) semaphore(%arg19 : memref<!tpu.dma_semaphore, #tpu.memory_space<semaphore_mem>>)
      } else {
      }
      %jit3A_291 = arith.constant 2 : i32
      %eq3A_292 = arith.constant 0 : i32
      %eq3A_293 = arith.cmpi eq, %jit3A_291, %eq3A_292 : i32
      %jit3A_294 = arith.constant 1 : i32
      %select_n3A_295 = arith.select %eq3A_293, %jit3A_294, %jit3A_291 : i32
      %rem3A_296 = arith.remsi %add3A_278, %select_n3A_295 : i32
      %ne3A_297 = arith.constant 0 : i32
      %ne3A_298 = arith.cmpi ne, %rem3A_296, %ne3A_297 : i32
      %lt3A_299 = arith.constant 0 : i32
      %lt3A_300 = arith.cmpi slt, %rem3A_296, %lt3A_299 : i32
      %lt3A_301 = arith.constant 0 : i32
      %lt3A_302 = arith.cmpi slt, %select_n3A_295, %lt3A_301 : i32
      %ne3A_303 = arith.xori %lt3A_300, %lt3A_302 : i1
      %and3A_304 = arith.andi %ne3A_303, %ne3A_298 : i1
      %add3A_305 = arith.addi %rem3A_296, %select_n3A_295 : i32
      %select_n3A_306 = arith.select %and3A_304, %add3A_305, %rem3A_296 : i32
      %eq3A_307 = arith.cmpi eq, %select_n3A_306, %arg0 : i32
      %convert_element_type3A_308 = arith.extui %eq3A_307 : i1 to i32
      %cond3A_309 = arith.constant 0 : i32
      %cond3A_310 = arith.cmpi ne, %convert_element_type3A_308, %cond3A_309 : i32
      scf.if %cond3A_310 {
        %get3A = arith.index_cast %add3A_278 : i32 to index
        %get3A_321 = arith.constant 0 : index
        %get3A_322 = tpu.vector_load %arg11[%get3A, %get3A_321] {strides = array<i32>} : memref<157x128xi32, #tpu.memory_space<vmem>>, vector<16xi32>,
        %shift_right_logical3A = arith.constant 4 : i32
        %shift_right_logical3A_323 = vector.broadcast %shift_right_logical3A : i32 to vector<16xi32>
        %shift_right_logical3A_324 = arith.shrui %get3A_322, %shift_right_logical3A_323 : vector<16xi32>
        %and3A_325 = arith.constant 15 : i32
        %and3A_326 = vector.broadcast %and3A_325 : i32 to vector<16xi32>
        %and3A_327 = arith.andi %get3A_322, %and3A_326 : vector<16xi32>
        tpu.vector_store_idx %arg15[%shift_right_logical3A_324, %and3A_327], %broadcast_in_dim3A_2 {add = true} : memref<640x16xf32, #tpu.memory_space<vmem>>[vector<16xi32>, vector<16xi32>], vector<16xf32>,
        %get3A_328 = arith.index_cast %add3A_278 : i32 to index
        %get3A_329 = arith.constant 16 : index
        %get3A_330 = tpu.vector_load %arg11[%get3A_328, %get3A_329] {strides = array<i32>} : memref<157x128xi32, #tpu.memory_space<vmem>>, vector<16xi32>,
        %shift_right_logical3A_331 = arith.constant 4 : i32
        %shift_right_logical3A_332 = vector.broadcast %shift_right_logical3A_331 : i32 to vector<16xi32>
        %shift_right_logical3A_333 = arith.shrui %get3A_330, %shift_right_logical3A_332 : vector<16xi32>
        %and3A_334 = arith.constant 15 : i32
        %and3A_335 = vector.broadcast %and3A_334 : i32 to vector<16xi32>
        %and3A_336 = arith.andi %get3A_330, %and3A_335 : vector<16xi32>
        tpu.vector_store_idx %arg15[%shift_right_logical3A_333, %and3A_336], %broadcast_in_dim3A_2 {add = true} : memref<640x16xf32, #tpu.memory_space<vmem>>[vector<16xi32>, vector<16xi32>], vector<16xf32>,
        %get3A_337 = arith.index_cast %add3A_278 : i32 to index
        %get3A_338 = arith.constant 32 : index
        %get3A_339 = tpu.vector_load %arg11[%get3A_337, %get3A_338] {strides = array<i32>} : memref<157x128xi32, #tpu.memory_space<vmem>>, vector<16xi32>,
        %shift_right_logical3A_340 = arith.constant 4 : i32
        %shift_right_logical3A_341 = vector.broadcast %shift_right_logical3A_340 : i32 to vector<16xi32>
        %shift_right_logical3A_342 = arith.shrui %get3A_339, %shift_right_logical3A_341 : vector<16xi32>
        %and3A_343 = arith.constant 15 : i32
        %and3A_344 = vector.broadcast %and3A_343 : i32 to vector<16xi32>
        %and3A_345 = arith.andi %get3A_339, %and3A_344 : vector<16xi32>
        tpu.vector_store_idx %arg15[%shift_right_logical3A_342, %and3A_345], %broadcast_in_dim3A_2 {add = true} : memref<640x16xf32, #tpu.memory_space<vmem>>[vector<16xi32>, vector<16xi32>], vector<16xf32>,
        %get3A_346 = arith.index_cast %add3A_278 : i32 to index
        %get3A_347 = arith.constant 48 : index
        %get3A_348 = tpu.vector_load %arg11[%get3A_346, %get3A_347] {strides = array<i32>} : memref<157x128xi32, #tpu.memory_space<vmem>>, vector<16xi32>,
        %shift_right_logical3A_349 = arith.constant 4 : i32
        %shift_right_logical3A_350 = vector.broadcast %shift_right_logical3A_349 : i32 to vector<16xi32>
        %shift_right_logical3A_351 = arith.shrui %get3A_348, %shift_right_logical3A_350 : vector<16xi32>
        %and3A_352 = arith.constant 15 : i32
        %and3A_353 = vector.broadcast %and3A_352 : i32 to vector<16xi32>
        %and3A_354 = arith.andi %get3A_348, %and3A_353 : vector<16xi32>
        tpu.vector_store_idx %arg15[%shift_right_logical3A_351, %and3A_354], %broadcast_in_dim3A_2 {add = true} : memref<640x16xf32, #tpu.memory_space<vmem>>[vector<16xi32>, vector<16xi32>], vector<16xf32>,
        %get3A_355 = arith.index_cast %add3A_278 : i32 to index
        %get3A_356 = arith.constant 64 : index
        %get3A_357 = tpu.vector_load %arg11[%get3A_355, %get3A_356] {strides = array<i32>} : memref<157x128xi32, #tpu.memory_space<vmem>>, vector<16xi32>,
        %shift_right_logical3A_358 = arith.constant 4 : i32
        %shift_right_logical3A_359 = vector.broadcast %shift_right_logical3A_358 : i32 to vector<16xi32>
        %shift_right_logical3A_360 = arith.shrui %get3A_357, %shift_right_logical3A_359 : vector<16xi32>
        %and3A_361 = arith.constant 15 : i32
        %and3A_362 = vector.broadcast %and3A_361 : i32 to vector<16xi32>
        %and3A_363 = arith.andi %get3A_357, %and3A_362 : vector<16xi32>
        tpu.vector_store_idx %arg15[%shift_right_logical3A_360, %and3A_363], %broadcast_in_dim3A_2 {add = true} : memref<640x16xf32, #tpu.memory_space<vmem>>[vector<16xi32>, vector<16xi32>], vector<16xf32>,
        %get3A_364 = arith.index_cast %add3A_278 : i32 to index
        %get3A_365 = arith.constant 80 : index
        %get3A_366 = tpu.vector_load %arg11[%get3A_364, %get3A_365] {strides = array<i32>} : memref<157x128xi32, #tpu.memory_space<vmem>>, vector<16xi32>,
        %shift_right_logical3A_367 = arith.constant 4 : i32
        %shift_right_logical3A_368 = vector.broadcast %shift_right_logical3A_367 : i32 to vector<16xi32>
        %shift_right_logical3A_369 = arith.shrui %get3A_366, %shift_right_logical3A_368 : vector<16xi32>
        %and3A_370 = arith.constant 15 : i32
        %and3A_371 = vector.broadcast %and3A_370 : i32 to vector<16xi32>
        %and3A_372 = arith.andi %get3A_366, %and3A_371 : vector<16xi32>
        tpu.vector_store_idx %arg15[%shift_right_logical3A_369, %and3A_372], %broadcast_in_dim3A_2 {add = true} : memref<640x16xf32, #tpu.memory_space<vmem>>[vector<16xi32>, vector<16xi32>], vector<16xf32>,
        %get3A_373 = arith.index_cast %add3A_278 : i32 to index
        %get3A_374 = arith.constant 96 : index
        %get3A_375 = tpu.vector_load %arg11[%get3A_373, %get3A_374] {strides = array<i32>} : memref<157x128xi32, #tpu.memory_space<vmem>>, vector<16xi32>,
        %shift_right_logical3A_376 = arith.constant 4 : i32
        %shift_right_logical3A_377 = vector.broadcast %shift_right_logical3A_376 : i32 to vector<16xi32>
        %shift_right_logical3A_378 = arith.shrui %get3A_375, %shift_right_logical3A_377 : vector<16xi32>
        %and3A_379 = arith.constant 15 : i32
        %and3A_380 = vector.broadcast %and3A_379 : i32 to vector<16xi32>
        %and3A_381 = arith.andi %get3A_375, %and3A_380 : vector<16xi32>
        tpu.vector_store_idx %arg15[%shift_right_logical3A_378, %and3A_381], %broadcast_in_dim3A_2 {add = true} : memref<640x16xf32, #tpu.memory_space<vmem>>[vector<16xi32>, vector<16xi32>], vector<16xf32>,
        %get3A_382 = arith.index_cast %add3A_278 : i32 to index
        %get3A_383 = arith.constant 112 : index
        %get3A_384 = tpu.vector_load %arg11[%get3A_382, %get3A_383] {strides = array<i32>} : memref<157x128xi32, #tpu.memory_space<vmem>>, vector<16xi32>,
        %shift_right_logical3A_385 = arith.constant 4 : i32
        %shift_right_logical3A_386 = vector.broadcast %shift_right_logical3A_385 : i32 to vector<16xi32>
        %shift_right_logical3A_387 = arith.shrui %get3A_384, %shift_right_logical3A_386 : vector<16xi32>
        %and3A_388 = arith.constant 15 : i32
        %and3A_389 = vector.broadcast %and3A_388 : i32 to vector<16xi32>
        %and3A_390 = arith.andi %get3A_384, %and3A_389 : vector<16xi32>
        tpu.vector_store_idx %arg15[%shift_right_logical3A_387, %and3A_390], %broadcast_in_dim3A_2 {add = true} : memref<640x16xf32, #tpu.memory_space<vmem>>[vector<16xi32>, vector<16xi32>], vector<16xf32>,
      } else {
      }
      %eq3A_311 = arith.constant 0 : i32
      %eq3A_312 = arith.cmpi eq, %arg0, %eq3A_311 : i32
      %convert_element_type3A_313 = arith.extui %eq3A_312 : i1 to i32
      %cond3A_314 = arith.constant 0 : i32
      %cond3A_315 = arith.cmpi ne, %convert_element_type3A_313, %cond3A_314 : i32
      scf.if %cond3A_315 {
        %dma_wait3A = arith.constant 0 : i32
        %dma_wait3A_321 = tpu.memref_slice %arg10[%add3A_278, %dma_wait3A] : memref<157x128xi32, #tpu.memory_space<vmem>> -> memref<1x128xi32, #tpu.memory_space<vmem>>
        %dma_wait3A_322 = tpu.memref_squeeze %dma_wait3A_321 : memref<1x128xi32, #tpu.memory_space<vmem>> -> memref<128xi32, #tpu.memory_space<vmem>>
        %dma_wait3A_323 = arith.constant 0 : i32
        %dma_wait3A_324 = arith.constant 0 : i32
        %dma_wait3A_325 = tpu.memref_slice %arg2[%dma_wait3A_323, %dma_wait3A_324] : memref<10000x64xf32, #tpu.memory_space<hbm>> -> memref<10000x64xf32, #tpu.memory_space<hbm>>
        tpu.wait_indirect_dma semaphore(%arg20 : memref<!tpu.dma_semaphore, #tpu.memory_space<semaphore_mem>>) src(%dma_wait3A_325 : memref<10000x64xf32, #tpu.memory_space<hbm>>) dst(%arg13 : memref<128x64xf32, #tpu.memory_space<vmem>>)
      } else {
      }
      %eq3A_316 = arith.constant 1 : i32
      %eq3A_317 = arith.cmpi eq, %arg0, %eq3A_316 : i32
      %convert_element_type3A_318 = arith.extui %eq3A_317 : i1 to i32
      %cond3A_319 = arith.constant 0 : i32
      %cond3A_320 = arith.cmpi ne, %convert_element_type3A_318, %cond3A_319 : i32
      scf.if %cond3A_320 {
        %dma_wait3A = arith.constant 0 : i32
        %dma_wait3A_321 = tpu.memref_slice %arg10[%add3A_278, %dma_wait3A] : memref<157x128xi32, #tpu.memory_space<vmem>> -> memref<1x128xi32, #tpu.memory_space<vmem>>
        %dma_wait3A_322 = tpu.memref_squeeze %dma_wait3A_321 : memref<1x128xi32, #tpu.memory_space<vmem>> -> memref<128xi32, #tpu.memory_space<vmem>>
        %dma_wait3A_323 = arith.constant 0 : i32
        %dma_wait3A_324 = arith.constant 0 : i32
        %dma_wait3A_325 = tpu.memref_slice %arg3[%dma_wait3A_323, %dma_wait3A_324] : memref<10000x64xf32, #tpu.memory_space<hbm>> -> memref<10000x64xf32, #tpu.memory_space<hbm>>
        tpu.wait_indirect_dma semaphore(%arg20 : memref<!tpu.dma_semaphore, #tpu.memory_space<semaphore_mem>>) src(%dma_wait3A_325 : memref<10000x64xf32, #tpu.memory_space<hbm>>) dst(%arg13 : memref<128x64xf32, #tpu.memory_space<vmem>>)
      } else {
      }
      "tpu.region"() ({
        %run_scoped3A_321 = tpu.sem_alloc : memref<!tpu.dma_semaphore, #tpu.memory_space<semaphore_mem>>
        %dma_start3A = arith.constant 0 : i32
        %dma_start3A_322 = tpu.memref_slice %arg11[%add3A_278, %dma_start3A] : memref<157x128xi32, #tpu.memory_space<vmem>> -> memref<1x128xi32, #tpu.memory_space<vmem>>
        %dma_start3A_323 = tpu.memref_squeeze %dma_start3A_322 : memref<1x128xi32, #tpu.memory_space<vmem>> -> memref<128xi32, #tpu.memory_space<vmem>>
        %dma_start3A_324 = arith.constant 0 : i32
        %dma_start3A_325 = arith.constant 0 : i32
        %dma_start3A_326 = tpu.memref_slice %arg17[%dma_start3A_324, %dma_start3A_325] : memref<10240x64xf32, #tpu.memory_space<vmem_shared>> -> memref<10240x64xf32, #tpu.memory_space<vmem_shared>>
        tpu.enqueue_indirect_dma source(%arg13 : memref<128x64xf32, #tpu.memory_space<vmem>>) target(%dma_start3A_326 : memref<10240x64xf32, #tpu.memory_space<vmem_shared>>) offsets(%dma_start3A_323 : memref<128xi32, #tpu.memory_space<vmem>>) semaphore(%run_scoped3A_321 : memref<!tpu.dma_semaphore, #tpu.memory_space<semaphore_mem>>) {add = true}
        %dma_wait3A = arith.constant 0 : i32
        %dma_wait3A_327 = tpu.memref_slice %arg11[%add3A_278, %dma_wait3A] : memref<157x128xi32, #tpu.memory_space<vmem>> -> memref<1x128xi32, #tpu.memory_space<vmem>>
        %dma_wait3A_328 = tpu.memref_squeeze %dma_wait3A_327 : memref<1x128xi32, #tpu.memory_space<vmem>> -> memref<128xi32, #tpu.memory_space<vmem>>
        %dma_wait3A_329 = arith.constant 0 : i32
        %dma_wait3A_330 = arith.constant 0 : i32
        %dma_wait3A_331 = tpu.memref_slice %arg17[%dma_wait3A_329, %dma_wait3A_330] : memref<10240x64xf32, #tpu.memory_space<vmem_shared>> -> memref<10240x64xf32, #tpu.memory_space<vmem_shared>>
        tpu.wait_indirect_dma semaphore(%run_scoped3A_321 : memref<!tpu.dma_semaphore, #tpu.memory_space<semaphore_mem>>) src(%arg13 : memref<128x64xf32, #tpu.memory_space<vmem>>) dst(%dma_wait3A_331 : memref<10240x64xf32, #tpu.memory_space<vmem_shared>>)
        tpu.yield
      }) : () -> ()
    }
    %scan3A_137 = arith.constant 78 : i32
    %eq3A_138 = arith.constant 0 : i32
    %eq3A_139 = arith.cmpi eq, %arg0, %eq3A_138 : i32
    %convert_element_type3A_140 = arith.extui %eq3A_139 : i1 to i32
    %cond3A_141 = arith.constant 0 : i32
    %cond3A_142 = arith.cmpi ne, %convert_element_type3A_140, %cond3A_141 : i32
    scf.if %cond3A_142 {
      %dma_wait3A = arith.constant 156 : i32
      %dma_wait3A_233 = arith.constant 0 : i32
      %dma_wait3A_234 = tpu.memref_slice %arg10[%dma_wait3A, %dma_wait3A_233] : memref<157x128xi32, #tpu.memory_space<vmem>> -> memref<1x128xi32, #tpu.memory_space<vmem>>
      %dma_wait3A_235 = tpu.memref_squeeze %dma_wait3A_234 : memref<1x128xi32, #tpu.memory_space<vmem>> -> memref<128xi32, #tpu.memory_space<vmem>>
      %dma_wait3A_236 = arith.constant 0 : i32
      %dma_wait3A_237 = arith.constant 0 : i32
      %dma_wait3A_238 = tpu.memref_slice %arg2[%dma_wait3A_236, %dma_wait3A_237] : memref<10000x64xf32, #tpu.memory_space<hbm>> -> memref<10000x64xf32, #tpu.memory_space<hbm>>
      tpu.wait_indirect_dma semaphore(%arg19 : memref<!tpu.dma_semaphore, #tpu.memory_space<semaphore_mem>>) src(%dma_wait3A_238 : memref<10000x64xf32, #tpu.memory_space<hbm>>) dst(%arg12 : memref<128x64xf32, #tpu.memory_space<vmem>>)
    } else {
    }
    %eq3A_143 = arith.constant 1 : i32
    %eq3A_144 = arith.cmpi eq, %arg0, %eq3A_143 : i32
    %convert_element_type3A_145 = arith.extui %eq3A_144 : i1 to i32
    %cond3A_146 = arith.constant 0 : i32
    %cond3A_147 = arith.cmpi ne, %convert_element_type3A_145, %cond3A_146 : i32
    scf.if %cond3A_147 {
      %dma_wait3A = arith.constant 156 : i32
      %dma_wait3A_233 = arith.constant 0 : i32
      %dma_wait3A_234 = tpu.memref_slice %arg10[%dma_wait3A, %dma_wait3A_233] : memref<157x128xi32, #tpu.memory_space<vmem>> -> memref<1x128xi32, #tpu.memory_space<vmem>>
      %dma_wait3A_235 = tpu.memref_squeeze %dma_wait3A_234 : memref<1x128xi32, #tpu.memory_space<vmem>> -> memref<128xi32, #tpu.memory_space<vmem>>
      %dma_wait3A_236 = arith.constant 0 : i32
      %dma_wait3A_237 = arith.constant 0 : i32
      %dma_wait3A_238 = tpu.memref_slice %arg3[%dma_wait3A_236, %dma_wait3A_237] : memref<10000x64xf32, #tpu.memory_space<hbm>> -> memref<10000x64xf32, #tpu.memory_space<hbm>>
      tpu.wait_indirect_dma semaphore(%arg19 : memref<!tpu.dma_semaphore, #tpu.memory_space<semaphore_mem>>) src(%dma_wait3A_238 : memref<10000x64xf32, #tpu.memory_space<hbm>>) dst(%arg12 : memref<128x64xf32, #tpu.memory_space<vmem>>)
    } else {
    }
    %lt3A_148 = arith.constant 4 : i32
    %lt3A_149 = arith.cmpi slt, %arg1, %lt3A_148 : i32
    %convert_element_type3A_150 = arith.extui %lt3A_149 : i1 to i32
    %cond3A_151 = arith.constant 0 : i32
    %cond3A_152 = arith.cmpi ne, %convert_element_type3A_150, %cond3A_151 : i32
    scf.if %cond3A_152 {
      %run_scoped3A_233 = arith.constant 156 : i32
      "tpu.region"() ({
        %run_scoped3A_234 = tpu.sem_alloc : memref<!tpu.dma_semaphore, #tpu.memory_space<semaphore_mem>>
        %dma_start3A = arith.constant 0 : i32
        %dma_start3A_235 = tpu.memref_slice %arg11[%run_scoped3A_233, %dma_start3A] : memref<157x128xi32, #tpu.memory_space<vmem>> -> memref<1x128xi32, #tpu.memory_space<vmem>>
        %dma_start3A_236 = tpu.memref_squeeze %dma_start3A_235 : memref<1x128xi32, #tpu.memory_space<vmem>> -> memref<128xi32, #tpu.memory_space<vmem>>
        %dma_start3A_237 = arith.constant 0 : i32
        %dma_start3A_238 = arith.constant 0 : i32
        %dma_start3A_239 = tpu.memref_slice %arg17[%dma_start3A_237, %dma_start3A_238] : memref<10240x64xf32, #tpu.memory_space<vmem_shared>> -> memref<10240x64xf32, #tpu.memory_space<vmem_shared>>
        tpu.enqueue_indirect_dma source(%arg12 : memref<128x64xf32, #tpu.memory_space<vmem>>) target(%dma_start3A_239 : memref<10240x64xf32, #tpu.memory_space<vmem_shared>>) offsets(%dma_start3A_236 : memref<128xi32, #tpu.memory_space<vmem>>) semaphore(%run_scoped3A_234 : memref<!tpu.dma_semaphore, #tpu.memory_space<semaphore_mem>>) {add = true}
        %dma_wait3A = arith.constant 0 : i32
        %dma_wait3A_240 = tpu.memref_slice %arg11[%run_scoped3A_233, %dma_wait3A] : memref<157x128xi32, #tpu.memory_space<vmem>> -> memref<1x128xi32, #tpu.memory_space<vmem>>
        %dma_wait3A_241 = tpu.memref_squeeze %dma_wait3A_240 : memref<1x128xi32, #tpu.memory_space<vmem>> -> memref<128xi32, #tpu.memory_space<vmem>>
        %dma_wait3A_242 = arith.constant 0 : i32
        %dma_wait3A_243 = arith.constant 0 : i32
        %dma_wait3A_244 = tpu.memref_slice %arg17[%dma_wait3A_242, %dma_wait3A_243] : memref<10240x64xf32, #tpu.memory_space<vmem_shared>> -> memref<10240x64xf32, #tpu.memory_space<vmem_shared>>
        tpu.wait_indirect_dma semaphore(%run_scoped3A_234 : memref<!tpu.dma_semaphore, #tpu.memory_space<semaphore_mem>>) src(%arg12 : memref<128x64xf32, #tpu.memory_space<vmem>>) dst(%dma_wait3A_244 : memref<10240x64xf32, #tpu.memory_space<vmem_shared>>)
        tpu.yield
      }) : () -> ()
    } else {
    }
    %lt3A_153 = arith.constant 4 : i32
    %lt3A_154 = arith.cmpi slt, %arg1, %lt3A_153 : i32
    %eq3A_155 = arith.constant 0 : i32
    %eq3A_156 = arith.cmpi eq, %arg0, %eq3A_155 : i32
    %and3A = arith.andi %lt3A_154, %eq3A_156 : i1
    %convert_element_type3A_157 = arith.extui %and3A : i1 to i32
    %cond3A_158 = arith.constant 0 : i32
    %cond3A_159 = arith.cmpi ne, %convert_element_type3A_157, %cond3A_158 : i32
    scf.if %cond3A_159 {
      %get3A = arith.constant 156 : i32
      %get3A_233 = arith.index_cast %get3A : i32 to index
      %get3A_234 = arith.constant 0 : index
      %get3A_235 = tpu.vector_load %arg11[%get3A_233, %get3A_234] {strides = array<i32>} : memref<157x128xi32, #tpu.memory_space<vmem>>, vector<16xi32>,
      %shift_right_logical3A = arith.constant 4 : i32
      %shift_right_logical3A_236 = vector.broadcast %shift_right_logical3A : i32 to vector<16xi32>
      %shift_right_logical3A_237 = arith.shrui %get3A_235, %shift_right_logical3A_236 : vector<16xi32>
      %and3A_238 = arith.constant 15 : i32
      %and3A_239 = vector.broadcast %and3A_238 : i32 to vector<16xi32>
      %and3A_240 = arith.andi %get3A_235, %and3A_239 : vector<16xi32>
      tpu.vector_store_idx %arg15[%shift_right_logical3A_237, %and3A_240], %broadcast_in_dim3A_2 {add = true} : memref<640x16xf32, #tpu.memory_space<vmem>>[vector<16xi32>, vector<16xi32>], vector<16xf32>,
      %get3A_241 = arith.constant 156 : i32
      %get3A_242 = arith.index_cast %get3A_241 : i32 to index
      %get3A_243 = arith.constant 16 : index
      %get3A_244 = tpu.vector_load %arg11[%get3A_242, %get3A_243] {strides = array<i32>} : memref<157x128xi32, #tpu.memory_space<vmem>>, vector<16xi32>,
      %shift_right_logical3A_245 = arith.constant 4 : i32
      %shift_right_logical3A_246 = vector.broadcast %shift_right_logical3A_245 : i32 to vector<16xi32>
      %shift_right_logical3A_247 = arith.shrui %get3A_244, %shift_right_logical3A_246 : vector<16xi32>
      %and3A_248 = arith.constant 15 : i32
      %and3A_249 = vector.broadcast %and3A_248 : i32 to vector<16xi32>
      %and3A_250 = arith.andi %get3A_244, %and3A_249 : vector<16xi32>
      tpu.vector_store_idx %arg15[%shift_right_logical3A_247, %and3A_250], %broadcast_in_dim3A_2 {add = true} : memref<640x16xf32, #tpu.memory_space<vmem>>[vector<16xi32>, vector<16xi32>], vector<16xf32>,
      %get3A_251 = arith.constant 156 : i32
      %get3A_252 = arith.index_cast %get3A_251 : i32 to index
      %get3A_253 = arith.constant 32 : index
      %get3A_254 = tpu.vector_load %arg11[%get3A_252, %get3A_253] {strides = array<i32>} : memref<157x128xi32, #tpu.memory_space<vmem>>, vector<16xi32>,
      %shift_right_logical3A_255 = arith.constant 4 : i32
      %shift_right_logical3A_256 = vector.broadcast %shift_right_logical3A_255 : i32 to vector<16xi32>
      %shift_right_logical3A_257 = arith.shrui %get3A_254, %shift_right_logical3A_256 : vector<16xi32>
      %and3A_258 = arith.constant 15 : i32
      %and3A_259 = vector.broadcast %and3A_258 : i32 to vector<16xi32>
      %and3A_260 = arith.andi %get3A_254, %and3A_259 : vector<16xi32>
      tpu.vector_store_idx %arg15[%shift_right_logical3A_257, %and3A_260], %broadcast_in_dim3A_2 {add = true} : memref<640x16xf32, #tpu.memory_space<vmem>>[vector<16xi32>, vector<16xi32>], vector<16xf32>,
      %get3A_261 = arith.constant 156 : i32
      %get3A_262 = arith.index_cast %get3A_261 : i32 to index
      %get3A_263 = arith.constant 48 : index
      %get3A_264 = tpu.vector_load %arg11[%get3A_262, %get3A_263] {strides = array<i32>} : memref<157x128xi32, #tpu.memory_space<vmem>>, vector<16xi32>,
      %shift_right_logical3A_265 = arith.constant 4 : i32
      %shift_right_logical3A_266 = vector.broadcast %shift_right_logical3A_265 : i32 to vector<16xi32>
      %shift_right_logical3A_267 = arith.shrui %get3A_264, %shift_right_logical3A_266 : vector<16xi32>
      %and3A_268 = arith.constant 15 : i32
      %and3A_269 = vector.broadcast %and3A_268 : i32 to vector<16xi32>
      %and3A_270 = arith.andi %get3A_264, %and3A_269 : vector<16xi32>
      tpu.vector_store_idx %arg15[%shift_right_logical3A_267, %and3A_270], %broadcast_in_dim3A_2 {add = true} : memref<640x16xf32, #tpu.memory_space<vmem>>[vector<16xi32>, vector<16xi32>], vector<16xf32>,
      %get3A_271 = arith.constant 156 : i32
      %get3A_272 = arith.index_cast %get3A_271 : i32 to index
      %get3A_273 = arith.constant 64 : index
      %get3A_274 = tpu.vector_load %arg11[%get3A_272, %get3A_273] {strides = array<i32>} : memref<157x128xi32, #tpu.memory_space<vmem>>, vector<16xi32>,
      %shift_right_logical3A_275 = arith.constant 4 : i32
      %shift_right_logical3A_276 = vector.broadcast %shift_right_logical3A_275 : i32 to vector<16xi32>
      %shift_right_logical3A_277 = arith.shrui %get3A_274, %shift_right_logical3A_276 : vector<16xi32>
      %and3A_278 = arith.constant 15 : i32
      %and3A_279 = vector.broadcast %and3A_278 : i32 to vector<16xi32>
      %and3A_280 = arith.andi %get3A_274, %and3A_279 : vector<16xi32>
      tpu.vector_store_idx %arg15[%shift_right_logical3A_277, %and3A_280], %broadcast_in_dim3A_2 {add = true} : memref<640x16xf32, #tpu.memory_space<vmem>>[vector<16xi32>, vector<16xi32>], vector<16xf32>,
      %get3A_281 = arith.constant 156 : i32
      %get3A_282 = arith.index_cast %get3A_281 : i32 to index
      %get3A_283 = arith.constant 80 : index
      %get3A_284 = tpu.vector_load %arg11[%get3A_282, %get3A_283] {strides = array<i32>} : memref<157x128xi32, #tpu.memory_space<vmem>>, vector<16xi32>,
      %shift_right_logical3A_285 = arith.constant 4 : i32
      %shift_right_logical3A_286 = vector.broadcast %shift_right_logical3A_285 : i32 to vector<16xi32>
      %shift_right_logical3A_287 = arith.shrui %get3A_284, %shift_right_logical3A_286 : vector<16xi32>
      %and3A_288 = arith.constant 15 : i32
      %and3A_289 = vector.broadcast %and3A_288 : i32 to vector<16xi32>
      %and3A_290 = arith.andi %get3A_284, %and3A_289 : vector<16xi32>
      tpu.vector_store_idx %arg15[%shift_right_logical3A_287, %and3A_290], %broadcast_in_dim3A_2 {add = true} : memref<640x16xf32, #tpu.memory_space<vmem>>[vector<16xi32>, vector<16xi32>], vector<16xf32>,
      %get3A_291 = arith.constant 156 : i32
      %get3A_292 = arith.index_cast %get3A_291 : i32 to index
      %get3A_293 = arith.constant 96 : index
      %get3A_294 = tpu.vector_load %arg11[%get3A_292, %get3A_293] {strides = array<i32>} : memref<157x128xi32, #tpu.memory_space<vmem>>, vector<16xi32>,
      %shift_right_logical3A_295 = arith.constant 4 : i32
      %shift_right_logical3A_296 = vector.broadcast %shift_right_logical3A_295 : i32 to vector<16xi32>
      %shift_right_logical3A_297 = arith.shrui %get3A_294, %shift_right_logical3A_296 : vector<16xi32>
      %and3A_298 = arith.constant 15 : i32
      %and3A_299 = vector.broadcast %and3A_298 : i32 to vector<16xi32>
      %and3A_300 = arith.andi %get3A_294, %and3A_299 : vector<16xi32>
      tpu.vector_store_idx %arg15[%shift_right_logical3A_297, %and3A_300], %broadcast_in_dim3A_2 {add = true} : memref<640x16xf32, #tpu.memory_space<vmem>>[vector<16xi32>, vector<16xi32>], vector<16xf32>,
      %get3A_301 = arith.constant 156 : i32
      %get3A_302 = arith.index_cast %get3A_301 : i32 to index
      %get3A_303 = arith.constant 112 : index
      %get3A_304 = tpu.vector_load %arg11[%get3A_302, %get3A_303] {strides = array<i32>} : memref<157x128xi32, #tpu.memory_space<vmem>>, vector<16xi32>,
      %shift_right_logical3A_305 = arith.constant 4 : i32
      %shift_right_logical3A_306 = vector.broadcast %shift_right_logical3A_305 : i32 to vector<16xi32>
      %shift_right_logical3A_307 = arith.shrui %get3A_304, %shift_right_logical3A_306 : vector<16xi32>
      %and3A_308 = arith.constant 15 : i32
      %and3A_309 = vector.broadcast %and3A_308 : i32 to vector<16xi32>
      %and3A_310 = arith.andi %get3A_304, %and3A_309 : vector<16xi32>
      tpu.vector_store_idx %arg15[%shift_right_logical3A_307, %and3A_310], %broadcast_in_dim3A_2 {add = true} : memref<640x16xf32, #tpu.memory_space<vmem>>[vector<16xi32>, vector<16xi32>], vector<16xf32>,
    } else {
    }
    "tpu.region"() ({
      %run_scoped3A_233 = tpu.sem_alloc : memref<!tpu.dma_semaphore, #tpu.memory_space<semaphore_mem>>
      %dma_start3A = arith.constant 0 : i32
      %dma_start3A_234 = arith.constant 0 : i32
      %dma_start3A_235 = tpu.memref_slice %arg18[%arg1, %dma_start3A, %dma_start3A_234] : memref<16x640x16xf32, #tpu.memory_space<vmem_shared>> -> memref<1x640x16xf32, #tpu.memory_space<vmem_shared>>
      %dma_start3A_236 = tpu.memref_squeeze %dma_start3A_235 : memref<1x640x16xf32, #tpu.memory_space<vmem_shared>> -> memref<640x16xf32, #tpu.memory_space<vmem_shared>>
      %dma_start3A_237 = arith.constant 0 : i32
      %dma_start3A_238 = arith.constant 0 : i32
      %dma_start3A_239 = tpu.memref_slice %arg18[%arg1, %dma_start3A_237, %dma_start3A_238] : memref<16x640x16xf32, #tpu.memory_space<vmem_shared>> -> memref<1x640x16xf32, #tpu.memory_space<vmem_shared>>
      %dma_start3A_240 = tpu.memref_squeeze %dma_start3A_239 : memref<1x640x16xf32, #tpu.memory_space<vmem_shared>> -> memref<640x16xf32, #tpu.memory_space<vmem_shared>>
      tpu.enqueue_dma source(%arg15 : memref<640x16xf32, #tpu.memory_space<vmem>>) target(%dma_start3A_240 : memref<640x16xf32, #tpu.memory_space<vmem_shared>>) target_semaphore(%run_scoped3A_233 : memref<!tpu.dma_semaphore, #tpu.memory_space<semaphore_mem>>)
      %dma_wait3A = arith.constant 0 : i32
      %dma_wait3A_241 = arith.constant 0 : i32
      %dma_wait3A_242 = tpu.memref_slice %arg18[%arg1, %dma_wait3A, %dma_wait3A_241] : memref<16x640x16xf32, #tpu.memory_space<vmem_shared>> -> memref<1x640x16xf32, #tpu.memory_space<vmem_shared>>
      %dma_wait3A_243 = tpu.memref_squeeze %dma_wait3A_242 : memref<1x640x16xf32, #tpu.memory_space<vmem_shared>> -> memref<640x16xf32, #tpu.memory_space<vmem_shared>>
      %dma_wait3A_244 = arith.constant 0 : i32
      %dma_wait3A_245 = arith.constant 0 : i32
      %dma_wait3A_246 = tpu.memref_slice %arg18[%arg1, %dma_wait3A_244, %dma_wait3A_245] : memref<16x640x16xf32, #tpu.memory_space<vmem_shared>> -> memref<1x640x16xf32, #tpu.memory_space<vmem_shared>>
      %dma_wait3A_247 = tpu.memref_squeeze %dma_wait3A_246 : memref<1x640x16xf32, #tpu.memory_space<vmem_shared>> -> memref<640x16xf32, #tpu.memory_space<vmem_shared>>
      tpu.wait_dma2 semaphore(%run_scoped3A_233 : memref<!tpu.dma_semaphore, #tpu.memory_space<semaphore_mem>>) src(%arg15 : memref<640x16xf32, #tpu.memory_space<vmem>>) dst(%dma_wait3A_247 : memref<640x16xf32, #tpu.memory_space<vmem_shared>>)
      tpu.yield
    }) : () -> ()
    %barrier3A_160 = arith.constant 0 : index
    tpu.barrier barrier_id(%barrier3A_160)
    %mul3A = arith.constant 40 : i32
    %mul3A_161 = arith.muli %arg1, %mul3A : i32
    %run_scoped3A = arith.constant 0 : i32
    %run_scoped3A_162 = arith.constant 0 : i32
    "tpu.region"() ({
      %run_scoped3A_233 = tpu.sem_alloc : memref<!tpu.dma_semaphore, #tpu.memory_space<semaphore_mem>>
      %dma_start3A = arith.constant 0 : i32
      %dma_start3A_234 = arith.constant 0 : i32
      %dma_start3A_235 = tpu.memref_slice %arg16[%run_scoped3A_162, %dma_start3A, %dma_start3A_234] : memref<16x40x16xf32, #tpu.memory_space<vmem>> -> memref<1x40x16xf32, #tpu.memory_space<vmem>>
      %dma_start3A_236 = tpu.memref_squeeze %dma_start3A_235 : memref<1x40x16xf32, #tpu.memory_space<vmem>> -> memref<40x16xf32, #tpu.memory_space<vmem>>
      %dma_start3A_237 = arith.constant 0 : i32
      %dma_start3A_238 = tpu.memref_slice %arg18[%run_scoped3A, %mul3A_161, %dma_start3A_237] : memref<16x640x16xf32, #tpu.memory_space<vmem_shared>> -> memref<1x40x16xf32, #tpu.memory_space<vmem_shared>>
      %dma_start3A_239 = tpu.memref_squeeze %dma_start3A_238 : memref<1x40x16xf32, #tpu.memory_space<vmem_shared>> -> memref<40x16xf32, #tpu.memory_space<vmem_shared>>
      %dma_start3A_240 = arith.constant 0 : i32
      %dma_start3A_241 = arith.constant 0 : i32
      %dma_start3A_242 = tpu.memref_slice %arg16[%run_scoped3A_162, %dma_start3A_240, %dma_start3A_241] : memref<16x40x16xf32, #tpu.memory_space<vmem>> -> memref<1x40x16xf32, #tpu.memory_space<vmem>>
      %dma_start3A_243 = tpu.memref_squeeze %dma_start3A_242 : memref<1x40x16xf32, #tpu.memory_space<vmem>> -> memref<40x16xf32, #tpu.memory_space<vmem>>
      %dma_start3A_244 = arith.constant 0 : i32
      %dma_start3A_245 = tpu.memref_slice %arg18[%run_scoped3A, %mul3A_161, %dma_start3A_244] : memref<16x640x16xf32, #tpu.memory_space<vmem_shared>> -> memref<1x40x16xf32, #tpu.memory_space<vmem_shared>>
      %dma_start3A_246 = tpu.memref_squeeze %dma_start3A_245 : memref<1x40x16xf32, #tpu.memory_space<vmem_shared>> -> memref<40x16xf32, #tpu.memory_space<vmem_shared>>
      tpu.enqueue_dma source(%dma_start3A_246 : memref<40x16xf32, #tpu.memory_space<vmem_shared>>) target(%dma_start3A_243 : memref<40x16xf32, #tpu.memory_space<vmem>>) target_semaphore(%run_scoped3A_233 : memref<!tpu.dma_semaphore, #tpu.memory_space<semaphore_mem>>)
      %dma_wait3A = arith.constant 0 : i32
      %dma_wait3A_247 = arith.constant 0 : i32
      %dma_wait3A_248 = tpu.memref_slice %arg16[%run_scoped3A_162, %dma_wait3A, %dma_wait3A_247] : memref<16x40x16xf32, #tpu.memory_space<vmem>> -> memref<1x40x16xf32, #tpu.memory_space<vmem>>
      %dma_wait3A_249 = tpu.memref_squeeze %dma_wait3A_248 : memref<1x40x16xf32, #tpu.memory_space<vmem>> -> memref<40x16xf32, #tpu.memory_space<vmem>>
      %dma_wait3A_250 = arith.constant 0 : i32
      %dma_wait3A_251 = tpu.memref_slice %arg18[%run_scoped3A, %mul3A_161, %dma_wait3A_250] : memref<16x640x16xf32, #tpu.memory_space<vmem_shared>> -> memref<1x40x16xf32, #tpu.memory_space<vmem_shared>>
      %dma_wait3A_252 = tpu.memref_squeeze %dma_wait3A_251 : memref<1x40x16xf32, #tpu.memory_space<vmem_shared>> -> memref<40x16xf32, #tpu.memory_space<vmem_shared>>
      %dma_wait3A_253 = arith.constant 0 : i32
      %dma_wait3A_254 = arith.constant 0 : i32
      %dma_wait3A_255 = tpu.memref_slice %arg16[%run_scoped3A_162, %dma_wait3A_253, %dma_wait3A_254] : memref<16x40x16xf32, #tpu.memory_space<vmem>> -> memref<1x40x16xf32, #tpu.memory_space<vmem>>
      %dma_wait3A_256 = tpu.memref_squeeze %dma_wait3A_255 : memref<1x40x16xf32, #tpu.memory_space<vmem>> -> memref<40x16xf32, #tpu.memory_space<vmem>>
      %dma_wait3A_257 = arith.constant 0 : i32
      %dma_wait3A_258 = tpu.memref_slice %arg18[%run_scoped3A, %mul3A_161, %dma_wait3A_257] : memref<16x640x16xf32, #tpu.memory_space<vmem_shared>> -> memref<1x40x16xf32, #tpu.memory_space<vmem_shared>>
      %dma_wait3A_259 = tpu.memref_squeeze %dma_wait3A_258 : memref<1x40x16xf32, #tpu.memory_space<vmem_shared>> -> memref<40x16xf32, #tpu.memory_space<vmem_shared>>
      tpu.wait_dma2 semaphore(%run_scoped3A_233 : memref<!tpu.dma_semaphore, #tpu.memory_space<semaphore_mem>>) src(%dma_wait3A_259 : memref<40x16xf32, #tpu.memory_space<vmem_shared>>) dst(%dma_wait3A_256 : memref<40x16xf32, #tpu.memory_space<vmem>>)
      tpu.yield
    }) : () -> ()
    %mul3A_163 = arith.constant 40 : i32
    %mul3A_164 = arith.muli %arg1, %mul3A_163 : i32
    %run_scoped3A_165 = arith.constant 1 : i32
    %run_scoped3A_166 = arith.constant 1 : i32
    "tpu.region"() ({
      %run_scoped3A_233 = tpu.sem_alloc : memref<!tpu.dma_semaphore, #tpu.memory_space<semaphore_mem>>
      %dma_start3A = arith.constant 0 : i32
      %dma_start3A_234 = arith.constant 0 : i32
      %dma_start3A_235 = tpu.memref_slice %arg16[%run_scoped3A_166, %dma_start3A, %dma_start3A_234] : memref<16x40x16xf32, #tpu.memory_space<vmem>> -> memref<1x40x16xf32, #tpu.memory_space<vmem>>
      %dma_start3A_236 = tpu.memref_squeeze %dma_start3A_235 : memref<1x40x16xf32, #tpu.memory_space<vmem>> -> memref<40x16xf32, #tpu.memory_space<vmem>>
      %dma_start3A_237 = arith.constant 0 : i32
      %dma_start3A_238 = tpu.memref_slice %arg18[%run_scoped3A_165, %mul3A_164, %dma_start3A_237] : memref<16x640x16xf32, #tpu.memory_space<vmem_shared>> -> memref<1x40x16xf32, #tpu.memory_space<vmem_shared>>
      %dma_start3A_239 = tpu.memref_squeeze %dma_start3A_238 : memref<1x40x16xf32, #tpu.memory_space<vmem_shared>> -> memref<40x16xf32, #tpu.memory_space<vmem_shared>>
      %dma_start3A_240 = arith.constant 0 : i32
      %dma_start3A_241 = arith.constant 0 : i32
      %dma_start3A_242 = tpu.memref_slice %arg16[%run_scoped3A_166, %dma_start3A_240, %dma_start3A_241] : memref<16x40x16xf32, #tpu.memory_space<vmem>> -> memref<1x40x16xf32, #tpu.memory_space<vmem>>
      %dma_start3A_243 = tpu.memref_squeeze %dma_start3A_242 : memref<1x40x16xf32, #tpu.memory_space<vmem>> -> memref<40x16xf32, #tpu.memory_space<vmem>>
      %dma_start3A_244 = arith.constant 0 : i32
      %dma_start3A_245 = tpu.memref_slice %arg18[%run_scoped3A_165, %mul3A_164, %dma_start3A_244] : memref<16x640x16xf32, #tpu.memory_space<vmem_shared>> -> memref<1x40x16xf32, #tpu.memory_space<vmem_shared>>
      %dma_start3A_246 = tpu.memref_squeeze %dma_start3A_245 : memref<1x40x16xf32, #tpu.memory_space<vmem_shared>> -> memref<40x16xf32, #tpu.memory_space<vmem_shared>>
      tpu.enqueue_dma source(%dma_start3A_246 : memref<40x16xf32, #tpu.memory_space<vmem_shared>>) target(%dma_start3A_243 : memref<40x16xf32, #tpu.memory_space<vmem>>) target_semaphore(%run_scoped3A_233 : memref<!tpu.dma_semaphore, #tpu.memory_space<semaphore_mem>>)
      %dma_wait3A = arith.constant 0 : i32
      %dma_wait3A_247 = arith.constant 0 : i32
      %dma_wait3A_248 = tpu.memref_slice %arg16[%run_scoped3A_166, %dma_wait3A, %dma_wait3A_247] : memref<16x40x16xf32, #tpu.memory_space<vmem>> -> memref<1x40x16xf32, #tpu.memory_space<vmem>>
      %dma_wait3A_249 = tpu.memref_squeeze %dma_wait3A_248 : memref<1x40x16xf32, #tpu.memory_space<vmem>> -> memref<40x16xf32, #tpu.memory_space<vmem>>
      %dma_wait3A_250 = arith.constant 0 : i32
      %dma_wait3A_251 = tpu.memref_slice %arg18[%run_scoped3A_165, %mul3A_164, %dma_wait3A_250] : memref<16x640x16xf32, #tpu.memory_space<vmem_shared>> -> memref<1x40x16xf32, #tpu.memory_space<vmem_shared>>
      %dma_wait3A_252 = tpu.memref_squeeze %dma_wait3A_251 : memref<1x40x16xf32, #tpu.memory_space<vmem_shared>> -> memref<40x16xf32, #tpu.memory_space<vmem_shared>>
      %dma_wait3A_253 = arith.constant 0 : i32
      %dma_wait3A_254 = arith.constant 0 : i32
      %dma_wait3A_255 = tpu.memref_slice %arg16[%run_scoped3A_166, %dma_wait3A_253, %dma_wait3A_254] : memref<16x40x16xf32, #tpu.memory_space<vmem>> -> memref<1x40x16xf32, #tpu.memory_space<vmem>>
      %dma_wait3A_256 = tpu.memref_squeeze %dma_wait3A_255 : memref<1x40x16xf32, #tpu.memory_space<vmem>> -> memref<40x16xf32, #tpu.memory_space<vmem>>
      %dma_wait3A_257 = arith.constant 0 : i32
      %dma_wait3A_258 = tpu.memref_slice %arg18[%run_scoped3A_165, %mul3A_164, %dma_wait3A_257] : memref<16x640x16xf32, #tpu.memory_space<vmem_shared>> -> memref<1x40x16xf32, #tpu.memory_space<vmem_shared>>
      %dma_wait3A_259 = tpu.memref_squeeze %dma_wait3A_258 : memref<1x40x16xf32, #tpu.memory_space<vmem_shared>> -> memref<40x16xf32, #tpu.memory_space<vmem_shared>>
      tpu.wait_dma2 semaphore(%run_scoped3A_233 : memref<!tpu.dma_semaphore, #tpu.memory_space<semaphore_mem>>) src(%dma_wait3A_259 : memref<40x16xf32, #tpu.memory_space<vmem_shared>>) dst(%dma_wait3A_256 : memref<40x16xf32, #tpu.memory_space<vmem>>)
      tpu.yield
    }) : () -> ()
    %mul3A_167 = arith.constant 40 : i32
    %mul3A_168 = arith.muli %arg1, %mul3A_167 : i32
    %run_scoped3A_169 = arith.constant 2 : i32
    %run_scoped3A_170 = arith.constant 2 : i32
    "tpu.region"() ({
      %run_scoped3A_233 = tpu.sem_alloc : memref<!tpu.dma_semaphore, #tpu.memory_space<semaphore_mem>>
      %dma_start3A = arith.constant 0 : i32
      %dma_start3A_234 = arith.constant 0 : i32
      %dma_start3A_235 = tpu.memref_slice %arg16[%run_scoped3A_170, %dma_start3A, %dma_start3A_234] : memref<16x40x16xf32, #tpu.memory_space<vmem>> -> memref<1x40x16xf32, #tpu.memory_space<vmem>>
      %dma_start3A_236 = tpu.memref_squeeze %dma_start3A_235 : memref<1x40x16xf32, #tpu.memory_space<vmem>> -> memref<40x16xf32, #tpu.memory_space<vmem>>
      %dma_start3A_237 = arith.constant 0 : i32
      %dma_start3A_238 = tpu.memref_slice %arg18[%run_scoped3A_169, %mul3A_168, %dma_start3A_237] : memref<16x640x16xf32, #tpu.memory_space<vmem_shared>> -> memref<1x40x16xf32, #tpu.memory_space<vmem_shared>>
      %dma_start3A_239 = tpu.memref_squeeze %dma_start3A_238 : memref<1x40x16xf32, #tpu.memory_space<vmem_shared>> -> memref<40x16xf32, #tpu.memory_space<vmem_shared>>
      %dma_start3A_240 = arith.constant 0 : i32
      %dma_start3A_241 = arith.constant 0 : i32
      %dma_start3A_242 = tpu.memref_slice %arg16[%run_scoped3A_170, %dma_start3A_240, %dma_start3A_241] : memref<16x40x16xf32, #tpu.memory_space<vmem>> -> memref<1x40x16xf32, #tpu.memory_space<vmem>>
      %dma_start3A_243 = tpu.memref_squeeze %dma_start3A_242 : memref<1x40x16xf32, #tpu.memory_space<vmem>> -> memref<40x16xf32, #tpu.memory_space<vmem>>
      %dma_start3A_244 = arith.constant 0 : i32
      %dma_start3A_245 = tpu.memref_slice %arg18[%run_scoped3A_169, %mul3A_168, %dma_start3A_244] : memref<16x640x16xf32, #tpu.memory_space<vmem_shared>> -> memref<1x40x16xf32, #tpu.memory_space<vmem_shared>>
      %dma_start3A_246 = tpu.memref_squeeze %dma_start3A_245 : memref<1x40x16xf32, #tpu.memory_space<vmem_shared>> -> memref<40x16xf32, #tpu.memory_space<vmem_shared>>
      tpu.enqueue_dma source(%dma_start3A_246 : memref<40x16xf32, #tpu.memory_space<vmem_shared>>) target(%dma_start3A_243 : memref<40x16xf32, #tpu.memory_space<vmem>>) target_semaphore(%run_scoped3A_233 : memref<!tpu.dma_semaphore, #tpu.memory_space<semaphore_mem>>)
      %dma_wait3A = arith.constant 0 : i32
      %dma_wait3A_247 = arith.constant 0 : i32
      %dma_wait3A_248 = tpu.memref_slice %arg16[%run_scoped3A_170, %dma_wait3A, %dma_wait3A_247] : memref<16x40x16xf32, #tpu.memory_space<vmem>> -> memref<1x40x16xf32, #tpu.memory_space<vmem>>
      %dma_wait3A_249 = tpu.memref_squeeze %dma_wait3A_248 : memref<1x40x16xf32, #tpu.memory_space<vmem>> -> memref<40x16xf32, #tpu.memory_space<vmem>>
      %dma_wait3A_250 = arith.constant 0 : i32
      %dma_wait3A_251 = tpu.memref_slice %arg18[%run_scoped3A_169, %mul3A_168, %dma_wait3A_250] : memref<16x640x16xf32, #tpu.memory_space<vmem_shared>> -> memref<1x40x16xf32, #tpu.memory_space<vmem_shared>>
      %dma_wait3A_252 = tpu.memref_squeeze %dma_wait3A_251 : memref<1x40x16xf32, #tpu.memory_space<vmem_shared>> -> memref<40x16xf32, #tpu.memory_space<vmem_shared>>
      %dma_wait3A_253 = arith.constant 0 : i32
      %dma_wait3A_254 = arith.constant 0 : i32
      %dma_wait3A_255 = tpu.memref_slice %arg16[%run_scoped3A_170, %dma_wait3A_253, %dma_wait3A_254] : memref<16x40x16xf32, #tpu.memory_space<vmem>> -> memref<1x40x16xf32, #tpu.memory_space<vmem>>
      %dma_wait3A_256 = tpu.memref_squeeze %dma_wait3A_255 : memref<1x40x16xf32, #tpu.memory_space<vmem>> -> memref<40x16xf32, #tpu.memory_space<vmem>>
      %dma_wait3A_257 = arith.constant 0 : i32
      %dma_wait3A_258 = tpu.memref_slice %arg18[%run_scoped3A_169, %mul3A_168, %dma_wait3A_257] : memref<16x640x16xf32, #tpu.memory_space<vmem_shared>> -> memref<1x40x16xf32, #tpu.memory_space<vmem_shared>>
      %dma_wait3A_259 = tpu.memref_squeeze %dma_wait3A_258 : memref<1x40x16xf32, #tpu.memory_space<vmem_shared>> -> memref<40x16xf32, #tpu.memory_space<vmem_shared>>
      tpu.wait_dma2 semaphore(%run_scoped3A_233 : memref<!tpu.dma_semaphore, #tpu.memory_space<semaphore_mem>>) src(%dma_wait3A_259 : memref<40x16xf32, #tpu.memory_space<vmem_shared>>) dst(%dma_wait3A_256 : memref<40x16xf32, #tpu.memory_space<vmem>>)
      tpu.yield
    }) : () -> ()
    %mul3A_171 = arith.constant 40 : i32
    %mul3A_172 = arith.muli %arg1, %mul3A_171 : i32
    %run_scoped3A_173 = arith.constant 3 : i32
    %run_scoped3A_174 = arith.constant 3 : i32
    "tpu.region"() ({
      %run_scoped3A_233 = tpu.sem_alloc : memref<!tpu.dma_semaphore, #tpu.memory_space<semaphore_mem>>
      %dma_start3A = arith.constant 0 : i32
      %dma_start3A_234 = arith.constant 0 : i32
      %dma_start3A_235 = tpu.memref_slice %arg16[%run_scoped3A_174, %dma_start3A, %dma_start3A_234] : memref<16x40x16xf32, #tpu.memory_space<vmem>> -> memref<1x40x16xf32, #tpu.memory_space<vmem>>
      %dma_start3A_236 = tpu.memref_squeeze %dma_start3A_235 : memref<1x40x16xf32, #tpu.memory_space<vmem>> -> memref<40x16xf32, #tpu.memory_space<vmem>>
      %dma_start3A_237 = arith.constant 0 : i32
      %dma_start3A_238 = tpu.memref_slice %arg18[%run_scoped3A_173, %mul3A_172, %dma_start3A_237] : memref<16x640x16xf32, #tpu.memory_space<vmem_shared>> -> memref<1x40x16xf32, #tpu.memory_space<vmem_shared>>
      %dma_start3A_239 = tpu.memref_squeeze %dma_start3A_238 : memref<1x40x16xf32, #tpu.memory_space<vmem_shared>> -> memref<40x16xf32, #tpu.memory_space<vmem_shared>>
      %dma_start3A_240 = arith.constant 0 : i32
      %dma_start3A_241 = arith.constant 0 : i32
      %dma_start3A_242 = tpu.memref_slice %arg16[%run_scoped3A_174, %dma_start3A_240, %dma_start3A_241] : memref<16x40x16xf32, #tpu.memory_space<vmem>> -> memref<1x40x16xf32, #tpu.memory_space<vmem>>
      %dma_start3A_243 = tpu.memref_squeeze %dma_start3A_242 : memref<1x40x16xf32, #tpu.memory_space<vmem>> -> memref<40x16xf32, #tpu.memory_space<vmem>>
      %dma_start3A_244 = arith.constant 0 : i32
      %dma_start3A_245 = tpu.memref_slice %arg18[%run_scoped3A_173, %mul3A_172, %dma_start3A_244] : memref<16x640x16xf32, #tpu.memory_space<vmem_shared>> -> memref<1x40x16xf32, #tpu.memory_space<vmem_shared>>
      %dma_start3A_246 = tpu.memref_squeeze %dma_start3A_245 : memref<1x40x16xf32, #tpu.memory_space<vmem_shared>> -> memref<40x16xf32, #tpu.memory_space<vmem_shared>>
      tpu.enqueue_dma source(%dma_start3A_246 : memref<40x16xf32, #tpu.memory_space<vmem_shared>>) target(%dma_start3A_243 : memref<40x16xf32, #tpu.memory_space<vmem>>) target_semaphore(%run_scoped3A_233 : memref<!tpu.dma_semaphore, #tpu.memory_space<semaphore_mem>>)
      %dma_wait3A = arith.constant 0 : i32
      %dma_wait3A_247 = arith.constant 0 : i32
      %dma_wait3A_248 = tpu.memref_slice %arg16[%run_scoped3A_174, %dma_wait3A, %dma_wait3A_247] : memref<16x40x16xf32, #tpu.memory_space<vmem>> -> memref<1x40x16xf32, #tpu.memory_space<vmem>>
      %dma_wait3A_249 = tpu.memref_squeeze %dma_wait3A_248 : memref<1x40x16xf32, #tpu.memory_space<vmem>> -> memref<40x16xf32, #tpu.memory_space<vmem>>
      %dma_wait3A_250 = arith.constant 0 : i32
      %dma_wait3A_251 = tpu.memref_slice %arg18[%run_scoped3A_173, %mul3A_172, %dma_wait3A_250] : memref<16x640x16xf32, #tpu.memory_space<vmem_shared>> -> memref<1x40x16xf32, #tpu.memory_space<vmem_shared>>
      %dma_wait3A_252 = tpu.memref_squeeze %dma_wait3A_251 : memref<1x40x16xf32, #tpu.memory_space<vmem_shared>> -> memref<40x16xf32, #tpu.memory_space<vmem_shared>>
      %dma_wait3A_253 = arith.constant 0 : i32
      %dma_wait3A_254 = arith.constant 0 : i32
      %dma_wait3A_255 = tpu.memref_slice %arg16[%run_scoped3A_174, %dma_wait3A_253, %dma_wait3A_254] : memref<16x40x16xf32, #tpu.memory_space<vmem>> -> memref<1x40x16xf32, #tpu.memory_space<vmem>>
      %dma_wait3A_256 = tpu.memref_squeeze %dma_wait3A_255 : memref<1x40x16xf32, #tpu.memory_space<vmem>> -> memref<40x16xf32, #tpu.memory_space<vmem>>
      %dma_wait3A_257 = arith.constant 0 : i32
      %dma_wait3A_258 = tpu.memref_slice %arg18[%run_scoped3A_173, %mul3A_172, %dma_wait3A_257] : memref<16x640x16xf32, #tpu.memory_space<vmem_shared>> -> memref<1x40x16xf32, #tpu.memory_space<vmem_shared>>
      %dma_wait3A_259 = tpu.memref_squeeze %dma_wait3A_258 : memref<1x40x16xf32, #tpu.memory_space<vmem_shared>> -> memref<40x16xf32, #tpu.memory_space<vmem_shared>>
      tpu.wait_dma2 semaphore(%run_scoped3A_233 : memref<!tpu.dma_semaphore, #tpu.memory_space<semaphore_mem>>) src(%dma_wait3A_259 : memref<40x16xf32, #tpu.memory_space<vmem_shared>>) dst(%dma_wait3A_256 : memref<40x16xf32, #tpu.memory_space<vmem>>)
      tpu.yield
    }) : () -> ()
    %mul3A_175 = arith.constant 40 : i32
    %mul3A_176 = arith.muli %arg1, %mul3A_175 : i32
    %run_scoped3A_177 = arith.constant 4 : i32
    %run_scoped3A_178 = arith.constant 4 : i32
    "tpu.region"() ({
      %run_scoped3A_233 = tpu.sem_alloc : memref<!tpu.dma_semaphore, #tpu.memory_space<semaphore_mem>>
      %dma_start3A = arith.constant 0 : i32
      %dma_start3A_234 = arith.constant 0 : i32
      %dma_start3A_235 = tpu.memref_slice %arg16[%run_scoped3A_178, %dma_start3A, %dma_start3A_234] : memref<16x40x16xf32, #tpu.memory_space<vmem>> -> memref<1x40x16xf32, #tpu.memory_space<vmem>>
      %dma_start3A_236 = tpu.memref_squeeze %dma_start3A_235 : memref<1x40x16xf32, #tpu.memory_space<vmem>> -> memref<40x16xf32, #tpu.memory_space<vmem>>
      %dma_start3A_237 = arith.constant 0 : i32
      %dma_start3A_238 = tpu.memref_slice %arg18[%run_scoped3A_177, %mul3A_176, %dma_start3A_237] : memref<16x640x16xf32, #tpu.memory_space<vmem_shared>> -> memref<1x40x16xf32, #tpu.memory_space<vmem_shared>>
      %dma_start3A_239 = tpu.memref_squeeze %dma_start3A_238 : memref<1x40x16xf32, #tpu.memory_space<vmem_shared>> -> memref<40x16xf32, #tpu.memory_space<vmem_shared>>
      %dma_start3A_240 = arith.constant 0 : i32
      %dma_start3A_241 = arith.constant 0 : i32
      %dma_start3A_242 = tpu.memref_slice %arg16[%run_scoped3A_178, %dma_start3A_240, %dma_start3A_241] : memref<16x40x16xf32, #tpu.memory_space<vmem>> -> memref<1x40x16xf32, #tpu.memory_space<vmem>>
      %dma_start3A_243 = tpu.memref_squeeze %dma_start3A_242 : memref<1x40x16xf32, #tpu.memory_space<vmem>> -> memref<40x16xf32, #tpu.memory_space<vmem>>
      %dma_start3A_244 = arith.constant 0 : i32
      %dma_start3A_245 = tpu.memref_slice %arg18[%run_scoped3A_177, %mul3A_176, %dma_start3A_244] : memref<16x640x16xf32, #tpu.memory_space<vmem_shared>> -> memref<1x40x16xf32, #tpu.memory_space<vmem_shared>>
      %dma_start3A_246 = tpu.memref_squeeze %dma_start3A_245 : memref<1x40x16xf32, #tpu.memory_space<vmem_shared>> -> memref<40x16xf32, #tpu.memory_space<vmem_shared>>
      tpu.enqueue_dma source(%dma_start3A_246 : memref<40x16xf32, #tpu.memory_space<vmem_shared>>) target(%dma_start3A_243 : memref<40x16xf32, #tpu.memory_space<vmem>>) target_semaphore(%run_scoped3A_233 : memref<!tpu.dma_semaphore, #tpu.memory_space<semaphore_mem>>)
      %dma_wait3A = arith.constant 0 : i32
      %dma_wait3A_247 = arith.constant 0 : i32
      %dma_wait3A_248 = tpu.memref_slice %arg16[%run_scoped3A_178, %dma_wait3A, %dma_wait3A_247] : memref<16x40x16xf32, #tpu.memory_space<vmem>> -> memref<1x40x16xf32, #tpu.memory_space<vmem>>
      %dma_wait3A_249 = tpu.memref_squeeze %dma_wait3A_248 : memref<1x40x16xf32, #tpu.memory_space<vmem>> -> memref<40x16xf32, #tpu.memory_space<vmem>>
      %dma_wait3A_250 = arith.constant 0 : i32
      %dma_wait3A_251 = tpu.memref_slice %arg18[%run_scoped3A_177, %mul3A_176, %dma_wait3A_250] : memref<16x640x16xf32, #tpu.memory_space<vmem_shared>> -> memref<1x40x16xf32, #tpu.memory_space<vmem_shared>>
      %dma_wait3A_252 = tpu.memref_squeeze %dma_wait3A_251 : memref<1x40x16xf32, #tpu.memory_space<vmem_shared>> -> memref<40x16xf32, #tpu.memory_space<vmem_shared>>
      %dma_wait3A_253 = arith.constant 0 : i32
      %dma_wait3A_254 = arith.constant 0 : i32
      %dma_wait3A_255 = tpu.memref_slice %arg16[%run_scoped3A_178, %dma_wait3A_253, %dma_wait3A_254] : memref<16x40x16xf32, #tpu.memory_space<vmem>> -> memref<1x40x16xf32, #tpu.memory_space<vmem>>
      %dma_wait3A_256 = tpu.memref_squeeze %dma_wait3A_255 : memref<1x40x16xf32, #tpu.memory_space<vmem>> -> memref<40x16xf32, #tpu.memory_space<vmem>>
      %dma_wait3A_257 = arith.constant 0 : i32
      %dma_wait3A_258 = tpu.memref_slice %arg18[%run_scoped3A_177, %mul3A_176, %dma_wait3A_257] : memref<16x640x16xf32, #tpu.memory_space<vmem_shared>> -> memref<1x40x16xf32, #tpu.memory_space<vmem_shared>>
      %dma_wait3A_259 = tpu.memref_squeeze %dma_wait3A_258 : memref<1x40x16xf32, #tpu.memory_space<vmem_shared>> -> memref<40x16xf32, #tpu.memory_space<vmem_shared>>
      tpu.wait_dma2 semaphore(%run_scoped3A_233 : memref<!tpu.dma_semaphore, #tpu.memory_space<semaphore_mem>>) src(%dma_wait3A_259 : memref<40x16xf32, #tpu.memory_space<vmem_shared>>) dst(%dma_wait3A_256 : memref<40x16xf32, #tpu.memory_space<vmem>>)
      tpu.yield
    }) : () -> ()
    %mul3A_179 = arith.constant 40 : i32
    %mul3A_180 = arith.muli %arg1, %mul3A_179 : i32
    %run_scoped3A_181 = arith.constant 5 : i32
    %run_scoped3A_182 = arith.constant 5 : i32
    "tpu.region"() ({
      %run_scoped3A_233 = tpu.sem_alloc : memref<!tpu.dma_semaphore, #tpu.memory_space<semaphore_mem>>
      %dma_start3A = arith.constant 0 : i32
      %dma_start3A_234 = arith.constant 0 : i32
      %dma_start3A_235 = tpu.memref_slice %arg16[%run_scoped3A_182, %dma_start3A, %dma_start3A_234] : memref<16x40x16xf32, #tpu.memory_space<vmem>> -> memref<1x40x16xf32, #tpu.memory_space<vmem>>
      %dma_start3A_236 = tpu.memref_squeeze %dma_start3A_235 : memref<1x40x16xf32, #tpu.memory_space<vmem>> -> memref<40x16xf32, #tpu.memory_space<vmem>>
      %dma_start3A_237 = arith.constant 0 : i32
      %dma_start3A_238 = tpu.memref_slice %arg18[%run_scoped3A_181, %mul3A_180, %dma_start3A_237] : memref<16x640x16xf32, #tpu.memory_space<vmem_shared>> -> memref<1x40x16xf32, #tpu.memory_space<vmem_shared>>
      %dma_start3A_239 = tpu.memref_squeeze %dma_start3A_238 : memref<1x40x16xf32, #tpu.memory_space<vmem_shared>> -> memref<40x16xf32, #tpu.memory_space<vmem_shared>>
      %dma_start3A_240 = arith.constant 0 : i32
      %dma_start3A_241 = arith.constant 0 : i32
      %dma_start3A_242 = tpu.memref_slice %arg16[%run_scoped3A_182, %dma_start3A_240, %dma_start3A_241] : memref<16x40x16xf32, #tpu.memory_space<vmem>> -> memref<1x40x16xf32, #tpu.memory_space<vmem>>
      %dma_start3A_243 = tpu.memref_squeeze %dma_start3A_242 : memref<1x40x16xf32, #tpu.memory_space<vmem>> -> memref<40x16xf32, #tpu.memory_space<vmem>>
      %dma_start3A_244 = arith.constant 0 : i32
      %dma_start3A_245 = tpu.memref_slice %arg18[%run_scoped3A_181, %mul3A_180, %dma_start3A_244] : memref<16x640x16xf32, #tpu.memory_space<vmem_shared>> -> memref<1x40x16xf32, #tpu.memory_space<vmem_shared>>
      %dma_start3A_246 = tpu.memref_squeeze %dma_start3A_245 : memref<1x40x16xf32, #tpu.memory_space<vmem_shared>> -> memref<40x16xf32, #tpu.memory_space<vmem_shared>>
      tpu.enqueue_dma source(%dma_start3A_246 : memref<40x16xf32, #tpu.memory_space<vmem_shared>>) target(%dma_start3A_243 : memref<40x16xf32, #tpu.memory_space<vmem>>) target_semaphore(%run_scoped3A_233 : memref<!tpu.dma_semaphore, #tpu.memory_space<semaphore_mem>>)
      %dma_wait3A = arith.constant 0 : i32
      %dma_wait3A_247 = arith.constant 0 : i32
      %dma_wait3A_248 = tpu.memref_slice %arg16[%run_scoped3A_182, %dma_wait3A, %dma_wait3A_247] : memref<16x40x16xf32, #tpu.memory_space<vmem>> -> memref<1x40x16xf32, #tpu.memory_space<vmem>>
      %dma_wait3A_249 = tpu.memref_squeeze %dma_wait3A_248 : memref<1x40x16xf32, #tpu.memory_space<vmem>> -> memref<40x16xf32, #tpu.memory_space<vmem>>
      %dma_wait3A_250 = arith.constant 0 : i32
      %dma_wait3A_251 = tpu.memref_slice %arg18[%run_scoped3A_181, %mul3A_180, %dma_wait3A_250] : memref<16x640x16xf32, #tpu.memory_space<vmem_shared>> -> memref<1x40x16xf32, #tpu.memory_space<vmem_shared>>
      %dma_wait3A_252 = tpu.memref_squeeze %dma_wait3A_251 : memref<1x40x16xf32, #tpu.memory_space<vmem_shared>> -> memref<40x16xf32, #tpu.memory_space<vmem_shared>>
      %dma_wait3A_253 = arith.constant 0 : i32
      %dma_wait3A_254 = arith.constant 0 : i32
      %dma_wait3A_255 = tpu.memref_slice %arg16[%run_scoped3A_182, %dma_wait3A_253, %dma_wait3A_254] : memref<16x40x16xf32, #tpu.memory_space<vmem>> -> memref<1x40x16xf32, #tpu.memory_space<vmem>>
      %dma_wait3A_256 = tpu.memref_squeeze %dma_wait3A_255 : memref<1x40x16xf32, #tpu.memory_space<vmem>> -> memref<40x16xf32, #tpu.memory_space<vmem>>
      %dma_wait3A_257 = arith.constant 0 : i32
      %dma_wait3A_258 = tpu.memref_slice %arg18[%run_scoped3A_181, %mul3A_180, %dma_wait3A_257] : memref<16x640x16xf32, #tpu.memory_space<vmem_shared>> -> memref<1x40x16xf32, #tpu.memory_space<vmem_shared>>
      %dma_wait3A_259 = tpu.memref_squeeze %dma_wait3A_258 : memref<1x40x16xf32, #tpu.memory_space<vmem_shared>> -> memref<40x16xf32, #tpu.memory_space<vmem_shared>>
      tpu.wait_dma2 semaphore(%run_scoped3A_233 : memref<!tpu.dma_semaphore, #tpu.memory_space<semaphore_mem>>) src(%dma_wait3A_259 : memref<40x16xf32, #tpu.memory_space<vmem_shared>>) dst(%dma_wait3A_256 : memref<40x16xf32, #tpu.memory_space<vmem>>)
      tpu.yield
    }) : () -> ()
    %mul3A_183 = arith.constant 40 : i32
    %mul3A_184 = arith.muli %arg1, %mul3A_183 : i32
    %run_scoped3A_185 = arith.constant 6 : i32
    %run_scoped3A_186 = arith.constant 6 : i32
    "tpu.region"() ({
      %run_scoped3A_233 = tpu.sem_alloc : memref<!tpu.dma_semaphore, #tpu.memory_space<semaphore_mem>>
      %dma_start3A = arith.constant 0 : i32
      %dma_start3A_234 = arith.constant 0 : i32
      %dma_start3A_235 = tpu.memref_slice %arg16[%run_scoped3A_186, %dma_start3A, %dma_start3A_234] : memref<16x40x16xf32, #tpu.memory_space<vmem>> -> memref<1x40x16xf32, #tpu.memory_space<vmem>>
      %dma_start3A_236 = tpu.memref_squeeze %dma_start3A_235 : memref<1x40x16xf32, #tpu.memory_space<vmem>> -> memref<40x16xf32, #tpu.memory_space<vmem>>
      %dma_start3A_237 = arith.constant 0 : i32
      %dma_start3A_238 = tpu.memref_slice %arg18[%run_scoped3A_185, %mul3A_184, %dma_start3A_237] : memref<16x640x16xf32, #tpu.memory_space<vmem_shared>> -> memref<1x40x16xf32, #tpu.memory_space<vmem_shared>>
      %dma_start3A_239 = tpu.memref_squeeze %dma_start3A_238 : memref<1x40x16xf32, #tpu.memory_space<vmem_shared>> -> memref<40x16xf32, #tpu.memory_space<vmem_shared>>
      %dma_start3A_240 = arith.constant 0 : i32
      %dma_start3A_241 = arith.constant 0 : i32
      %dma_start3A_242 = tpu.memref_slice %arg16[%run_scoped3A_186, %dma_start3A_240, %dma_start3A_241] : memref<16x40x16xf32, #tpu.memory_space<vmem>> -> memref<1x40x16xf32, #tpu.memory_space<vmem>>
      %dma_start3A_243 = tpu.memref_squeeze %dma_start3A_242 : memref<1x40x16xf32, #tpu.memory_space<vmem>> -> memref<40x16xf32, #tpu.memory_space<vmem>>
      %dma_start3A_244 = arith.constant 0 : i32
      %dma_start3A_245 = tpu.memref_slice %arg18[%run_scoped3A_185, %mul3A_184, %dma_start3A_244] : memref<16x640x16xf32, #tpu.memory_space<vmem_shared>> -> memref<1x40x16xf32, #tpu.memory_space<vmem_shared>>
      %dma_start3A_246 = tpu.memref_squeeze %dma_start3A_245 : memref<1x40x16xf32, #tpu.memory_space<vmem_shared>> -> memref<40x16xf32, #tpu.memory_space<vmem_shared>>
      tpu.enqueue_dma source(%dma_start3A_246 : memref<40x16xf32, #tpu.memory_space<vmem_shared>>) target(%dma_start3A_243 : memref<40x16xf32, #tpu.memory_space<vmem>>) target_semaphore(%run_scoped3A_233 : memref<!tpu.dma_semaphore, #tpu.memory_space<semaphore_mem>>)
      %dma_wait3A = arith.constant 0 : i32
      %dma_wait3A_247 = arith.constant 0 : i32
      %dma_wait3A_248 = tpu.memref_slice %arg16[%run_scoped3A_186, %dma_wait3A, %dma_wait3A_247] : memref<16x40x16xf32, #tpu.memory_space<vmem>> -> memref<1x40x16xf32, #tpu.memory_space<vmem>>
      %dma_wait3A_249 = tpu.memref_squeeze %dma_wait3A_248 : memref<1x40x16xf32, #tpu.memory_space<vmem>> -> memref<40x16xf32, #tpu.memory_space<vmem>>
      %dma_wait3A_250 = arith.constant 0 : i32
      %dma_wait3A_251 = tpu.memref_slice %arg18[%run_scoped3A_185, %mul3A_184, %dma_wait3A_250] : memref<16x640x16xf32, #tpu.memory_space<vmem_shared>> -> memref<1x40x16xf32, #tpu.memory_space<vmem_shared>>
      %dma_wait3A_252 = tpu.memref_squeeze %dma_wait3A_251 : memref<1x40x16xf32, #tpu.memory_space<vmem_shared>> -> memref<40x16xf32, #tpu.memory_space<vmem_shared>>
      %dma_wait3A_253 = arith.constant 0 : i32
      %dma_wait3A_254 = arith.constant 0 : i32
      %dma_wait3A_255 = tpu.memref_slice %arg16[%run_scoped3A_186, %dma_wait3A_253, %dma_wait3A_254] : memref<16x40x16xf32, #tpu.memory_space<vmem>> -> memref<1x40x16xf32, #tpu.memory_space<vmem>>
      %dma_wait3A_256 = tpu.memref_squeeze %dma_wait3A_255 : memref<1x40x16xf32, #tpu.memory_space<vmem>> -> memref<40x16xf32, #tpu.memory_space<vmem>>
      %dma_wait3A_257 = arith.constant 0 : i32
      %dma_wait3A_258 = tpu.memref_slice %arg18[%run_scoped3A_185, %mul3A_184, %dma_wait3A_257] : memref<16x640x16xf32, #tpu.memory_space<vmem_shared>> -> memref<1x40x16xf32, #tpu.memory_space<vmem_shared>>
      %dma_wait3A_259 = tpu.memref_squeeze %dma_wait3A_258 : memref<1x40x16xf32, #tpu.memory_space<vmem_shared>> -> memref<40x16xf32, #tpu.memory_space<vmem_shared>>
      tpu.wait_dma2 semaphore(%run_scoped3A_233 : memref<!tpu.dma_semaphore, #tpu.memory_space<semaphore_mem>>) src(%dma_wait3A_259 : memref<40x16xf32, #tpu.memory_space<vmem_shared>>) dst(%dma_wait3A_256 : memref<40x16xf32, #tpu.memory_space<vmem>>)
      tpu.yield
    }) : () -> ()
    %mul3A_187 = arith.constant 40 : i32
    %mul3A_188 = arith.muli %arg1, %mul3A_187 : i32
    %run_scoped3A_189 = arith.constant 7 : i32
    %run_scoped3A_190 = arith.constant 7 : i32
    "tpu.region"() ({
      %run_scoped3A_233 = tpu.sem_alloc : memref<!tpu.dma_semaphore, #tpu.memory_space<semaphore_mem>>
      %dma_start3A = arith.constant 0 : i32
      %dma_start3A_234 = arith.constant 0 : i32
      %dma_start3A_235 = tpu.memref_slice %arg16[%run_scoped3A_190, %dma_start3A, %dma_start3A_234] : memref<16x40x16xf32, #tpu.memory_space<vmem>> -> memref<1x40x16xf32, #tpu.memory_space<vmem>>
      %dma_start3A_236 = tpu.memref_squeeze %dma_start3A_235 : memref<1x40x16xf32, #tpu.memory_space<vmem>> -> memref<40x16xf32, #tpu.memory_space<vmem>>
      %dma_start3A_237 = arith.constant 0 : i32
      %dma_start3A_238 = tpu.memref_slice %arg18[%run_scoped3A_189, %mul3A_188, %dma_start3A_237] : memref<16x640x16xf32, #tpu.memory_space<vmem_shared>> -> memref<1x40x16xf32, #tpu.memory_space<vmem_shared>>
      %dma_start3A_239 = tpu.memref_squeeze %dma_start3A_238 : memref<1x40x16xf32, #tpu.memory_space<vmem_shared>> -> memref<40x16xf32, #tpu.memory_space<vmem_shared>>
      %dma_start3A_240 = arith.constant 0 : i32
      %dma_start3A_241 = arith.constant 0 : i32
      %dma_start3A_242 = tpu.memref_slice %arg16[%run_scoped3A_190, %dma_start3A_240, %dma_start3A_241] : memref<16x40x16xf32, #tpu.memory_space<vmem>> -> memref<1x40x16xf32, #tpu.memory_space<vmem>>
      %dma_start3A_243 = tpu.memref_squeeze %dma_start3A_242 : memref<1x40x16xf32, #tpu.memory_space<vmem>> -> memref<40x16xf32, #tpu.memory_space<vmem>>
      %dma_start3A_244 = arith.constant 0 : i32
      %dma_start3A_245 = tpu.memref_slice %arg18[%run_scoped3A_189, %mul3A_188, %dma_start3A_244] : memref<16x640x16xf32, #tpu.memory_space<vmem_shared>> -> memref<1x40x16xf32, #tpu.memory_space<vmem_shared>>
      %dma_start3A_246 = tpu.memref_squeeze %dma_start3A_245 : memref<1x40x16xf32, #tpu.memory_space<vmem_shared>> -> memref<40x16xf32, #tpu.memory_space<vmem_shared>>
      tpu.enqueue_dma source(%dma_start3A_246 : memref<40x16xf32, #tpu.memory_space<vmem_shared>>) target(%dma_start3A_243 : memref<40x16xf32, #tpu.memory_space<vmem>>) target_semaphore(%run_scoped3A_233 : memref<!tpu.dma_semaphore, #tpu.memory_space<semaphore_mem>>)
      %dma_wait3A = arith.constant 0 : i32
      %dma_wait3A_247 = arith.constant 0 : i32
      %dma_wait3A_248 = tpu.memref_slice %arg16[%run_scoped3A_190, %dma_wait3A, %dma_wait3A_247] : memref<16x40x16xf32, #tpu.memory_space<vmem>> -> memref<1x40x16xf32, #tpu.memory_space<vmem>>
      %dma_wait3A_249 = tpu.memref_squeeze %dma_wait3A_248 : memref<1x40x16xf32, #tpu.memory_space<vmem>> -> memref<40x16xf32, #tpu.memory_space<vmem>>
      %dma_wait3A_250 = arith.constant 0 : i32
      %dma_wait3A_251 = tpu.memref_slice %arg18[%run_scoped3A_189, %mul3A_188, %dma_wait3A_250] : memref<16x640x16xf32, #tpu.memory_space<vmem_shared>> -> memref<1x40x16xf32, #tpu.memory_space<vmem_shared>>
      %dma_wait3A_252 = tpu.memref_squeeze %dma_wait3A_251 : memref<1x40x16xf32, #tpu.memory_space<vmem_shared>> -> memref<40x16xf32, #tpu.memory_space<vmem_shared>>
      %dma_wait3A_253 = arith.constant 0 : i32
      %dma_wait3A_254 = arith.constant 0 : i32
      %dma_wait3A_255 = tpu.memref_slice %arg16[%run_scoped3A_190, %dma_wait3A_253, %dma_wait3A_254] : memref<16x40x16xf32, #tpu.memory_space<vmem>> -> memref<1x40x16xf32, #tpu.memory_space<vmem>>
      %dma_wait3A_256 = tpu.memref_squeeze %dma_wait3A_255 : memref<1x40x16xf32, #tpu.memory_space<vmem>> -> memref<40x16xf32, #tpu.memory_space<vmem>>
      %dma_wait3A_257 = arith.constant 0 : i32
      %dma_wait3A_258 = tpu.memref_slice %arg18[%run_scoped3A_189, %mul3A_188, %dma_wait3A_257] : memref<16x640x16xf32, #tpu.memory_space<vmem_shared>> -> memref<1x40x16xf32, #tpu.memory_space<vmem_shared>>
      %dma_wait3A_259 = tpu.memref_squeeze %dma_wait3A_258 : memref<1x40x16xf32, #tpu.memory_space<vmem_shared>> -> memref<40x16xf32, #tpu.memory_space<vmem_shared>>
      tpu.wait_dma2 semaphore(%run_scoped3A_233 : memref<!tpu.dma_semaphore, #tpu.memory_space<semaphore_mem>>) src(%dma_wait3A_259 : memref<40x16xf32, #tpu.memory_space<vmem_shared>>) dst(%dma_wait3A_256 : memref<40x16xf32, #tpu.memory_space<vmem>>)
      tpu.yield
    }) : () -> ()
    %mul3A_191 = arith.constant 40 : i32
    %mul3A_192 = arith.muli %arg1, %mul3A_191 : i32
    %run_scoped3A_193 = arith.constant 8 : i32
    %run_scoped3A_194 = arith.constant 8 : i32
    "tpu.region"() ({
      %run_scoped3A_233 = tpu.sem_alloc : memref<!tpu.dma_semaphore, #tpu.memory_space<semaphore_mem>>
      %dma_start3A = arith.constant 0 : i32
      %dma_start3A_234 = arith.constant 0 : i32
      %dma_start3A_235 = tpu.memref_slice %arg16[%run_scoped3A_194, %dma_start3A, %dma_start3A_234] : memref<16x40x16xf32, #tpu.memory_space<vmem>> -> memref<1x40x16xf32, #tpu.memory_space<vmem>>
      %dma_start3A_236 = tpu.memref_squeeze %dma_start3A_235 : memref<1x40x16xf32, #tpu.memory_space<vmem>> -> memref<40x16xf32, #tpu.memory_space<vmem>>
      %dma_start3A_237 = arith.constant 0 : i32
      %dma_start3A_238 = tpu.memref_slice %arg18[%run_scoped3A_193, %mul3A_192, %dma_start3A_237] : memref<16x640x16xf32, #tpu.memory_space<vmem_shared>> -> memref<1x40x16xf32, #tpu.memory_space<vmem_shared>>
      %dma_start3A_239 = tpu.memref_squeeze %dma_start3A_238 : memref<1x40x16xf32, #tpu.memory_space<vmem_shared>> -> memref<40x16xf32, #tpu.memory_space<vmem_shared>>
      %dma_start3A_240 = arith.constant 0 : i32
      %dma_start3A_241 = arith.constant 0 : i32
      %dma_start3A_242 = tpu.memref_slice %arg16[%run_scoped3A_194, %dma_start3A_240, %dma_start3A_241] : memref<16x40x16xf32, #tpu.memory_space<vmem>> -> memref<1x40x16xf32, #tpu.memory_space<vmem>>
      %dma_start3A_243 = tpu.memref_squeeze %dma_start3A_242 : memref<1x40x16xf32, #tpu.memory_space<vmem>> -> memref<40x16xf32, #tpu.memory_space<vmem>>
      %dma_start3A_244 = arith.constant 0 : i32
      %dma_start3A_245 = tpu.memref_slice %arg18[%run_scoped3A_193, %mul3A_192, %dma_start3A_244] : memref<16x640x16xf32, #tpu.memory_space<vmem_shared>> -> memref<1x40x16xf32, #tpu.memory_space<vmem_shared>>
      %dma_start3A_246 = tpu.memref_squeeze %dma_start3A_245 : memref<1x40x16xf32, #tpu.memory_space<vmem_shared>> -> memref<40x16xf32, #tpu.memory_space<vmem_shared>>
      tpu.enqueue_dma source(%dma_start3A_246 : memref<40x16xf32, #tpu.memory_space<vmem_shared>>) target(%dma_start3A_243 : memref<40x16xf32, #tpu.memory_space<vmem>>) target_semaphore(%run_scoped3A_233 : memref<!tpu.dma_semaphore, #tpu.memory_space<semaphore_mem>>)
      %dma_wait3A = arith.constant 0 : i32
      %dma_wait3A_247 = arith.constant 0 : i32
      %dma_wait3A_248 = tpu.memref_slice %arg16[%run_scoped3A_194, %dma_wait3A, %dma_wait3A_247] : memref<16x40x16xf32, #tpu.memory_space<vmem>> -> memref<1x40x16xf32, #tpu.memory_space<vmem>>
      %dma_wait3A_249 = tpu.memref_squeeze %dma_wait3A_248 : memref<1x40x16xf32, #tpu.memory_space<vmem>> -> memref<40x16xf32, #tpu.memory_space<vmem>>
      %dma_wait3A_250 = arith.constant 0 : i32
      %dma_wait3A_251 = tpu.memref_slice %arg18[%run_scoped3A_193, %mul3A_192, %dma_wait3A_250] : memref<16x640x16xf32, #tpu.memory_space<vmem_shared>> -> memref<1x40x16xf32, #tpu.memory_space<vmem_shared>>
      %dma_wait3A_252 = tpu.memref_squeeze %dma_wait3A_251 : memref<1x40x16xf32, #tpu.memory_space<vmem_shared>> -> memref<40x16xf32, #tpu.memory_space<vmem_shared>>
      %dma_wait3A_253 = arith.constant 0 : i32
      %dma_wait3A_254 = arith.constant 0 : i32
      %dma_wait3A_255 = tpu.memref_slice %arg16[%run_scoped3A_194, %dma_wait3A_253, %dma_wait3A_254] : memref<16x40x16xf32, #tpu.memory_space<vmem>> -> memref<1x40x16xf32, #tpu.memory_space<vmem>>
      %dma_wait3A_256 = tpu.memref_squeeze %dma_wait3A_255 : memref<1x40x16xf32, #tpu.memory_space<vmem>> -> memref<40x16xf32, #tpu.memory_space<vmem>>
      %dma_wait3A_257 = arith.constant 0 : i32
      %dma_wait3A_258 = tpu.memref_slice %arg18[%run_scoped3A_193, %mul3A_192, %dma_wait3A_257] : memref<16x640x16xf32, #tpu.memory_space<vmem_shared>> -> memref<1x40x16xf32, #tpu.memory_space<vmem_shared>>
      %dma_wait3A_259 = tpu.memref_squeeze %dma_wait3A_258 : memref<1x40x16xf32, #tpu.memory_space<vmem_shared>> -> memref<40x16xf32, #tpu.memory_space<vmem_shared>>
      tpu.wait_dma2 semaphore(%run_scoped3A_233 : memref<!tpu.dma_semaphore, #tpu.memory_space<semaphore_mem>>) src(%dma_wait3A_259 : memref<40x16xf32, #tpu.memory_space<vmem_shared>>) dst(%dma_wait3A_256 : memref<40x16xf32, #tpu.memory_space<vmem>>)
      tpu.yield
    }) : () -> ()
    %mul3A_195 = arith.constant 40 : i32
    %mul3A_196 = arith.muli %arg1, %mul3A_195 : i32
    %run_scoped3A_197 = arith.constant 9 : i32
    %run_scoped3A_198 = arith.constant 9 : i32
    "tpu.region"() ({
      %run_scoped3A_233 = tpu.sem_alloc : memref<!tpu.dma_semaphore, #tpu.memory_space<semaphore_mem>>
      %dma_start3A = arith.constant 0 : i32
      %dma_start3A_234 = arith.constant 0 : i32
      %dma_start3A_235 = tpu.memref_slice %arg16[%run_scoped3A_198, %dma_start3A, %dma_start3A_234] : memref<16x40x16xf32, #tpu.memory_space<vmem>> -> memref<1x40x16xf32, #tpu.memory_space<vmem>>
      %dma_start3A_236 = tpu.memref_squeeze %dma_start3A_235 : memref<1x40x16xf32, #tpu.memory_space<vmem>> -> memref<40x16xf32, #tpu.memory_space<vmem>>
      %dma_start3A_237 = arith.constant 0 : i32
      %dma_start3A_238 = tpu.memref_slice %arg18[%run_scoped3A_197, %mul3A_196, %dma_start3A_237] : memref<16x640x16xf32, #tpu.memory_space<vmem_shared>> -> memref<1x40x16xf32, #tpu.memory_space<vmem_shared>>
      %dma_start3A_239 = tpu.memref_squeeze %dma_start3A_238 : memref<1x40x16xf32, #tpu.memory_space<vmem_shared>> -> memref<40x16xf32, #tpu.memory_space<vmem_shared>>
      %dma_start3A_240 = arith.constant 0 : i32
      %dma_start3A_241 = arith.constant 0 : i32
      %dma_start3A_242 = tpu.memref_slice %arg16[%run_scoped3A_198, %dma_start3A_240, %dma_start3A_241] : memref<16x40x16xf32, #tpu.memory_space<vmem>> -> memref<1x40x16xf32, #tpu.memory_space<vmem>>
      %dma_start3A_243 = tpu.memref_squeeze %dma_start3A_242 : memref<1x40x16xf32, #tpu.memory_space<vmem>> -> memref<40x16xf32, #tpu.memory_space<vmem>>
      %dma_start3A_244 = arith.constant 0 : i32
      %dma_start3A_245 = tpu.memref_slice %arg18[%run_scoped3A_197, %mul3A_196, %dma_start3A_244] : memref<16x640x16xf32, #tpu.memory_space<vmem_shared>> -> memref<1x40x16xf32, #tpu.memory_space<vmem_shared>>
      %dma_start3A_246 = tpu.memref_squeeze %dma_start3A_245 : memref<1x40x16xf32, #tpu.memory_space<vmem_shared>> -> memref<40x16xf32, #tpu.memory_space<vmem_shared>>
      tpu.enqueue_dma source(%dma_start3A_246 : memref<40x16xf32, #tpu.memory_space<vmem_shared>>) target(%dma_start3A_243 : memref<40x16xf32, #tpu.memory_space<vmem>>) target_semaphore(%run_scoped3A_233 : memref<!tpu.dma_semaphore, #tpu.memory_space<semaphore_mem>>)
      %dma_wait3A = arith.constant 0 : i32
      %dma_wait3A_247 = arith.constant 0 : i32
      %dma_wait3A_248 = tpu.memref_slice %arg16[%run_scoped3A_198, %dma_wait3A, %dma_wait3A_247] : memref<16x40x16xf32, #tpu.memory_space<vmem>> -> memref<1x40x16xf32, #tpu.memory_space<vmem>>
      %dma_wait3A_249 = tpu.memref_squeeze %dma_wait3A_248 : memref<1x40x16xf32, #tpu.memory_space<vmem>> -> memref<40x16xf32, #tpu.memory_space<vmem>>
      %dma_wait3A_250 = arith.constant 0 : i32
      %dma_wait3A_251 = tpu.memref_slice %arg18[%run_scoped3A_197, %mul3A_196, %dma_wait3A_250] : memref<16x640x16xf32, #tpu.memory_space<vmem_shared>> -> memref<1x40x16xf32, #tpu.memory_space<vmem_shared>>
      %dma_wait3A_252 = tpu.memref_squeeze %dma_wait3A_251 : memref<1x40x16xf32, #tpu.memory_space<vmem_shared>> -> memref<40x16xf32, #tpu.memory_space<vmem_shared>>
      %dma_wait3A_253 = arith.constant 0 : i32
      %dma_wait3A_254 = arith.constant 0 : i32
      %dma_wait3A_255 = tpu.memref_slice %arg16[%run_scoped3A_198, %dma_wait3A_253, %dma_wait3A_254] : memref<16x40x16xf32, #tpu.memory_space<vmem>> -> memref<1x40x16xf32, #tpu.memory_space<vmem>>
      %dma_wait3A_256 = tpu.memref_squeeze %dma_wait3A_255 : memref<1x40x16xf32, #tpu.memory_space<vmem>> -> memref<40x16xf32, #tpu.memory_space<vmem>>
      %dma_wait3A_257 = arith.constant 0 : i32
      %dma_wait3A_258 = tpu.memref_slice %arg18[%run_scoped3A_197, %mul3A_196, %dma_wait3A_257] : memref<16x640x16xf32, #tpu.memory_space<vmem_shared>> -> memref<1x40x16xf32, #tpu.memory_space<vmem_shared>>
      %dma_wait3A_259 = tpu.memref_squeeze %dma_wait3A_258 : memref<1x40x16xf32, #tpu.memory_space<vmem_shared>> -> memref<40x16xf32, #tpu.memory_space<vmem_shared>>
      tpu.wait_dma2 semaphore(%run_scoped3A_233 : memref<!tpu.dma_semaphore, #tpu.memory_space<semaphore_mem>>) src(%dma_wait3A_259 : memref<40x16xf32, #tpu.memory_space<vmem_shared>>) dst(%dma_wait3A_256 : memref<40x16xf32, #tpu.memory_space<vmem>>)
      tpu.yield
    }) : () -> ()
    %mul3A_199 = arith.constant 40 : i32
    %mul3A_200 = arith.muli %arg1, %mul3A_199 : i32
    %run_scoped3A_201 = arith.constant 10 : i32
    %run_scoped3A_202 = arith.constant 10 : i32
    "tpu.region"() ({
      %run_scoped3A_233 = tpu.sem_alloc : memref<!tpu.dma_semaphore, #tpu.memory_space<semaphore_mem>>
      %dma_start3A = arith.constant 0 : i32
      %dma_start3A_234 = arith.constant 0 : i32
      %dma_start3A_235 = tpu.memref_slice %arg16[%run_scoped3A_202, %dma_start3A, %dma_start3A_234] : memref<16x40x16xf32, #tpu.memory_space<vmem>> -> memref<1x40x16xf32, #tpu.memory_space<vmem>>
      %dma_start3A_236 = tpu.memref_squeeze %dma_start3A_235 : memref<1x40x16xf32, #tpu.memory_space<vmem>> -> memref<40x16xf32, #tpu.memory_space<vmem>>
      %dma_start3A_237 = arith.constant 0 : i32
      %dma_start3A_238 = tpu.memref_slice %arg18[%run_scoped3A_201, %mul3A_200, %dma_start3A_237] : memref<16x640x16xf32, #tpu.memory_space<vmem_shared>> -> memref<1x40x16xf32, #tpu.memory_space<vmem_shared>>
      %dma_start3A_239 = tpu.memref_squeeze %dma_start3A_238 : memref<1x40x16xf32, #tpu.memory_space<vmem_shared>> -> memref<40x16xf32, #tpu.memory_space<vmem_shared>>
      %dma_start3A_240 = arith.constant 0 : i32
      %dma_start3A_241 = arith.constant 0 : i32
      %dma_start3A_242 = tpu.memref_slice %arg16[%run_scoped3A_202, %dma_start3A_240, %dma_start3A_241] : memref<16x40x16xf32, #tpu.memory_space<vmem>> -> memref<1x40x16xf32, #tpu.memory_space<vmem>>
      %dma_start3A_243 = tpu.memref_squeeze %dma_start3A_242 : memref<1x40x16xf32, #tpu.memory_space<vmem>> -> memref<40x16xf32, #tpu.memory_space<vmem>>
      %dma_start3A_244 = arith.constant 0 : i32
      %dma_start3A_245 = tpu.memref_slice %arg18[%run_scoped3A_201, %mul3A_200, %dma_start3A_244] : memref<16x640x16xf32, #tpu.memory_space<vmem_shared>> -> memref<1x40x16xf32, #tpu.memory_space<vmem_shared>>
      %dma_start3A_246 = tpu.memref_squeeze %dma_start3A_245 : memref<1x40x16xf32, #tpu.memory_space<vmem_shared>> -> memref<40x16xf32, #tpu.memory_space<vmem_shared>>
      tpu.enqueue_dma source(%dma_start3A_246 : memref<40x16xf32, #tpu.memory_space<vmem_shared>>) target(%dma_start3A_243 : memref<40x16xf32, #tpu.memory_space<vmem>>) target_semaphore(%run_scoped3A_233 : memref<!tpu.dma_semaphore, #tpu.memory_space<semaphore_mem>>)
      %dma_wait3A = arith.constant 0 : i32
      %dma_wait3A_247 = arith.constant 0 : i32
      %dma_wait3A_248 = tpu.memref_slice %arg16[%run_scoped3A_202, %dma_wait3A, %dma_wait3A_247] : memref<16x40x16xf32, #tpu.memory_space<vmem>> -> memref<1x40x16xf32, #tpu.memory_space<vmem>>
      %dma_wait3A_249 = tpu.memref_squeeze %dma_wait3A_248 : memref<1x40x16xf32, #tpu.memory_space<vmem>> -> memref<40x16xf32, #tpu.memory_space<vmem>>
      %dma_wait3A_250 = arith.constant 0 : i32
      %dma_wait3A_251 = tpu.memref_slice %arg18[%run_scoped3A_201, %mul3A_200, %dma_wait3A_250] : memref<16x640x16xf32, #tpu.memory_space<vmem_shared>> -> memref<1x40x16xf32, #tpu.memory_space<vmem_shared>>
      %dma_wait3A_252 = tpu.memref_squeeze %dma_wait3A_251 : memref<1x40x16xf32, #tpu.memory_space<vmem_shared>> -> memref<40x16xf32, #tpu.memory_space<vmem_shared>>
      %dma_wait3A_253 = arith.constant 0 : i32
      %dma_wait3A_254 = arith.constant 0 : i32
      %dma_wait3A_255 = tpu.memref_slice %arg16[%run_scoped3A_202, %dma_wait3A_253, %dma_wait3A_254] : memref<16x40x16xf32, #tpu.memory_space<vmem>> -> memref<1x40x16xf32, #tpu.memory_space<vmem>>
      %dma_wait3A_256 = tpu.memref_squeeze %dma_wait3A_255 : memref<1x40x16xf32, #tpu.memory_space<vmem>> -> memref<40x16xf32, #tpu.memory_space<vmem>>
      %dma_wait3A_257 = arith.constant 0 : i32
      %dma_wait3A_258 = tpu.memref_slice %arg18[%run_scoped3A_201, %mul3A_200, %dma_wait3A_257] : memref<16x640x16xf32, #tpu.memory_space<vmem_shared>> -> memref<1x40x16xf32, #tpu.memory_space<vmem_shared>>
      %dma_wait3A_259 = tpu.memref_squeeze %dma_wait3A_258 : memref<1x40x16xf32, #tpu.memory_space<vmem_shared>> -> memref<40x16xf32, #tpu.memory_space<vmem_shared>>
      tpu.wait_dma2 semaphore(%run_scoped3A_233 : memref<!tpu.dma_semaphore, #tpu.memory_space<semaphore_mem>>) src(%dma_wait3A_259 : memref<40x16xf32, #tpu.memory_space<vmem_shared>>) dst(%dma_wait3A_256 : memref<40x16xf32, #tpu.memory_space<vmem>>)
      tpu.yield
    }) : () -> ()
    %mul3A_203 = arith.constant 40 : i32
    %mul3A_204 = arith.muli %arg1, %mul3A_203 : i32
    %run_scoped3A_205 = arith.constant 11 : i32
    %run_scoped3A_206 = arith.constant 11 : i32
    "tpu.region"() ({
      %run_scoped3A_233 = tpu.sem_alloc : memref<!tpu.dma_semaphore, #tpu.memory_space<semaphore_mem>>
      %dma_start3A = arith.constant 0 : i32
      %dma_start3A_234 = arith.constant 0 : i32
      %dma_start3A_235 = tpu.memref_slice %arg16[%run_scoped3A_206, %dma_start3A, %dma_start3A_234] : memref<16x40x16xf32, #tpu.memory_space<vmem>> -> memref<1x40x16xf32, #tpu.memory_space<vmem>>
      %dma_start3A_236 = tpu.memref_squeeze %dma_start3A_235 : memref<1x40x16xf32, #tpu.memory_space<vmem>> -> memref<40x16xf32, #tpu.memory_space<vmem>>
      %dma_start3A_237 = arith.constant 0 : i32
      %dma_start3A_238 = tpu.memref_slice %arg18[%run_scoped3A_205, %mul3A_204, %dma_start3A_237] : memref<16x640x16xf32, #tpu.memory_space<vmem_shared>> -> memref<1x40x16xf32, #tpu.memory_space<vmem_shared>>
      %dma_start3A_239 = tpu.memref_squeeze %dma_start3A_238 : memref<1x40x16xf32, #tpu.memory_space<vmem_shared>> -> memref<40x16xf32, #tpu.memory_space<vmem_shared>>
      %dma_start3A_240 = arith.constant 0 : i32
      %dma_start3A_241 = arith.constant 0 : i32
      %dma_start3A_242 = tpu.memref_slice %arg16[%run_scoped3A_206, %dma_start3A_240, %dma_start3A_241] : memref<16x40x16xf32, #tpu.memory_space<vmem>> -> memref<1x40x16xf32, #tpu.memory_space<vmem>>
      %dma_start3A_243 = tpu.memref_squeeze %dma_start3A_242 : memref<1x40x16xf32, #tpu.memory_space<vmem>> -> memref<40x16xf32, #tpu.memory_space<vmem>>
      %dma_start3A_244 = arith.constant 0 : i32
      %dma_start3A_245 = tpu.memref_slice %arg18[%run_scoped3A_205, %mul3A_204, %dma_start3A_244] : memref<16x640x16xf32, #tpu.memory_space<vmem_shared>> -> memref<1x40x16xf32, #tpu.memory_space<vmem_shared>>
      %dma_start3A_246 = tpu.memref_squeeze %dma_start3A_245 : memref<1x40x16xf32, #tpu.memory_space<vmem_shared>> -> memref<40x16xf32, #tpu.memory_space<vmem_shared>>
      tpu.enqueue_dma source(%dma_start3A_246 : memref<40x16xf32, #tpu.memory_space<vmem_shared>>) target(%dma_start3A_243 : memref<40x16xf32, #tpu.memory_space<vmem>>) target_semaphore(%run_scoped3A_233 : memref<!tpu.dma_semaphore, #tpu.memory_space<semaphore_mem>>)
      %dma_wait3A = arith.constant 0 : i32
      %dma_wait3A_247 = arith.constant 0 : i32
      %dma_wait3A_248 = tpu.memref_slice %arg16[%run_scoped3A_206, %dma_wait3A, %dma_wait3A_247] : memref<16x40x16xf32, #tpu.memory_space<vmem>> -> memref<1x40x16xf32, #tpu.memory_space<vmem>>
      %dma_wait3A_249 = tpu.memref_squeeze %dma_wait3A_248 : memref<1x40x16xf32, #tpu.memory_space<vmem>> -> memref<40x16xf32, #tpu.memory_space<vmem>>
      %dma_wait3A_250 = arith.constant 0 : i32
      %dma_wait3A_251 = tpu.memref_slice %arg18[%run_scoped3A_205, %mul3A_204, %dma_wait3A_250] : memref<16x640x16xf32, #tpu.memory_space<vmem_shared>> -> memref<1x40x16xf32, #tpu.memory_space<vmem_shared>>
      %dma_wait3A_252 = tpu.memref_squeeze %dma_wait3A_251 : memref<1x40x16xf32, #tpu.memory_space<vmem_shared>> -> memref<40x16xf32, #tpu.memory_space<vmem_shared>>
      %dma_wait3A_253 = arith.constant 0 : i32
      %dma_wait3A_254 = arith.constant 0 : i32
      %dma_wait3A_255 = tpu.memref_slice %arg16[%run_scoped3A_206, %dma_wait3A_253, %dma_wait3A_254] : memref<16x40x16xf32, #tpu.memory_space<vmem>> -> memref<1x40x16xf32, #tpu.memory_space<vmem>>
      %dma_wait3A_256 = tpu.memref_squeeze %dma_wait3A_255 : memref<1x40x16xf32, #tpu.memory_space<vmem>> -> memref<40x16xf32, #tpu.memory_space<vmem>>
      %dma_wait3A_257 = arith.constant 0 : i32
      %dma_wait3A_258 = tpu.memref_slice %arg18[%run_scoped3A_205, %mul3A_204, %dma_wait3A_257] : memref<16x640x16xf32, #tpu.memory_space<vmem_shared>> -> memref<1x40x16xf32, #tpu.memory_space<vmem_shared>>
      %dma_wait3A_259 = tpu.memref_squeeze %dma_wait3A_258 : memref<1x40x16xf32, #tpu.memory_space<vmem_shared>> -> memref<40x16xf32, #tpu.memory_space<vmem_shared>>
      tpu.wait_dma2 semaphore(%run_scoped3A_233 : memref<!tpu.dma_semaphore, #tpu.memory_space<semaphore_mem>>) src(%dma_wait3A_259 : memref<40x16xf32, #tpu.memory_space<vmem_shared>>) dst(%dma_wait3A_256 : memref<40x16xf32, #tpu.memory_space<vmem>>)
      tpu.yield
    }) : () -> ()
    %mul3A_207 = arith.constant 40 : i32
    %mul3A_208 = arith.muli %arg1, %mul3A_207 : i32
    %run_scoped3A_209 = arith.constant 12 : i32
    %run_scoped3A_210 = arith.constant 12 : i32
    "tpu.region"() ({
      %run_scoped3A_233 = tpu.sem_alloc : memref<!tpu.dma_semaphore, #tpu.memory_space<semaphore_mem>>
      %dma_start3A = arith.constant 0 : i32
      %dma_start3A_234 = arith.constant 0 : i32
      %dma_start3A_235 = tpu.memref_slice %arg16[%run_scoped3A_210, %dma_start3A, %dma_start3A_234] : memref<16x40x16xf32, #tpu.memory_space<vmem>> -> memref<1x40x16xf32, #tpu.memory_space<vmem>>
      %dma_start3A_236 = tpu.memref_squeeze %dma_start3A_235 : memref<1x40x16xf32, #tpu.memory_space<vmem>> -> memref<40x16xf32, #tpu.memory_space<vmem>>
      %dma_start3A_237 = arith.constant 0 : i32
      %dma_start3A_238 = tpu.memref_slice %arg18[%run_scoped3A_209, %mul3A_208, %dma_start3A_237] : memref<16x640x16xf32, #tpu.memory_space<vmem_shared>> -> memref<1x40x16xf32, #tpu.memory_space<vmem_shared>>
      %dma_start3A_239 = tpu.memref_squeeze %dma_start3A_238 : memref<1x40x16xf32, #tpu.memory_space<vmem_shared>> -> memref<40x16xf32, #tpu.memory_space<vmem_shared>>
      %dma_start3A_240 = arith.constant 0 : i32
      %dma_start3A_241 = arith.constant 0 : i32
      %dma_start3A_242 = tpu.memref_slice %arg16[%run_scoped3A_210, %dma_start3A_240, %dma_start3A_241] : memref<16x40x16xf32, #tpu.memory_space<vmem>> -> memref<1x40x16xf32, #tpu.memory_space<vmem>>
      %dma_start3A_243 = tpu.memref_squeeze %dma_start3A_242 : memref<1x40x16xf32, #tpu.memory_space<vmem>> -> memref<40x16xf32, #tpu.memory_space<vmem>>
      %dma_start3A_244 = arith.constant 0 : i32
      %dma_start3A_245 = tpu.memref_slice %arg18[%run_scoped3A_209, %mul3A_208, %dma_start3A_244] : memref<16x640x16xf32, #tpu.memory_space<vmem_shared>> -> memref<1x40x16xf32, #tpu.memory_space<vmem_shared>>
      %dma_start3A_246 = tpu.memref_squeeze %dma_start3A_245 : memref<1x40x16xf32, #tpu.memory_space<vmem_shared>> -> memref<40x16xf32, #tpu.memory_space<vmem_shared>>
      tpu.enqueue_dma source(%dma_start3A_246 : memref<40x16xf32, #tpu.memory_space<vmem_shared>>) target(%dma_start3A_243 : memref<40x16xf32, #tpu.memory_space<vmem>>) target_semaphore(%run_scoped3A_233 : memref<!tpu.dma_semaphore, #tpu.memory_space<semaphore_mem>>)
      %dma_wait3A = arith.constant 0 : i32
      %dma_wait3A_247 = arith.constant 0 : i32
      %dma_wait3A_248 = tpu.memref_slice %arg16[%run_scoped3A_210, %dma_wait3A, %dma_wait3A_247] : memref<16x40x16xf32, #tpu.memory_space<vmem>> -> memref<1x40x16xf32, #tpu.memory_space<vmem>>
      %dma_wait3A_249 = tpu.memref_squeeze %dma_wait3A_248 : memref<1x40x16xf32, #tpu.memory_space<vmem>> -> memref<40x16xf32, #tpu.memory_space<vmem>>
      %dma_wait3A_250 = arith.constant 0 : i32
      %dma_wait3A_251 = tpu.memref_slice %arg18[%run_scoped3A_209, %mul3A_208, %dma_wait3A_250] : memref<16x640x16xf32, #tpu.memory_space<vmem_shared>> -> memref<1x40x16xf32, #tpu.memory_space<vmem_shared>>
      %dma_wait3A_252 = tpu.memref_squeeze %dma_wait3A_251 : memref<1x40x16xf32, #tpu.memory_space<vmem_shared>> -> memref<40x16xf32, #tpu.memory_space<vmem_shared>>
      %dma_wait3A_253 = arith.constant 0 : i32
      %dma_wait3A_254 = arith.constant 0 : i32
      %dma_wait3A_255 = tpu.memref_slice %arg16[%run_scoped3A_210, %dma_wait3A_253, %dma_wait3A_254] : memref<16x40x16xf32, #tpu.memory_space<vmem>> -> memref<1x40x16xf32, #tpu.memory_space<vmem>>
      %dma_wait3A_256 = tpu.memref_squeeze %dma_wait3A_255 : memref<1x40x16xf32, #tpu.memory_space<vmem>> -> memref<40x16xf32, #tpu.memory_space<vmem>>
      %dma_wait3A_257 = arith.constant 0 : i32
      %dma_wait3A_258 = tpu.memref_slice %arg18[%run_scoped3A_209, %mul3A_208, %dma_wait3A_257] : memref<16x640x16xf32, #tpu.memory_space<vmem_shared>> -> memref<1x40x16xf32, #tpu.memory_space<vmem_shared>>
      %dma_wait3A_259 = tpu.memref_squeeze %dma_wait3A_258 : memref<1x40x16xf32, #tpu.memory_space<vmem_shared>> -> memref<40x16xf32, #tpu.memory_space<vmem_shared>>
      tpu.wait_dma2 semaphore(%run_scoped3A_233 : memref<!tpu.dma_semaphore, #tpu.memory_space<semaphore_mem>>) src(%dma_wait3A_259 : memref<40x16xf32, #tpu.memory_space<vmem_shared>>) dst(%dma_wait3A_256 : memref<40x16xf32, #tpu.memory_space<vmem>>)
      tpu.yield
    }) : () -> ()
    %mul3A_211 = arith.constant 40 : i32
    %mul3A_212 = arith.muli %arg1, %mul3A_211 : i32
    %run_scoped3A_213 = arith.constant 13 : i32
    %run_scoped3A_214 = arith.constant 13 : i32
    "tpu.region"() ({
      %run_scoped3A_233 = tpu.sem_alloc : memref<!tpu.dma_semaphore, #tpu.memory_space<semaphore_mem>>
      %dma_start3A = arith.constant 0 : i32
      %dma_start3A_234 = arith.constant 0 : i32
      %dma_start3A_235 = tpu.memref_slice %arg16[%run_scoped3A_214, %dma_start3A, %dma_start3A_234] : memref<16x40x16xf32, #tpu.memory_space<vmem>> -> memref<1x40x16xf32, #tpu.memory_space<vmem>>
      %dma_start3A_236 = tpu.memref_squeeze %dma_start3A_235 : memref<1x40x16xf32, #tpu.memory_space<vmem>> -> memref<40x16xf32, #tpu.memory_space<vmem>>
      %dma_start3A_237 = arith.constant 0 : i32
      %dma_start3A_238 = tpu.memref_slice %arg18[%run_scoped3A_213, %mul3A_212, %dma_start3A_237] : memref<16x640x16xf32, #tpu.memory_space<vmem_shared>> -> memref<1x40x16xf32, #tpu.memory_space<vmem_shared>>
      %dma_start3A_239 = tpu.memref_squeeze %dma_start3A_238 : memref<1x40x16xf32, #tpu.memory_space<vmem_shared>> -> memref<40x16xf32, #tpu.memory_space<vmem_shared>>
      %dma_start3A_240 = arith.constant 0 : i32
      %dma_start3A_241 = arith.constant 0 : i32
      %dma_start3A_242 = tpu.memref_slice %arg16[%run_scoped3A_214, %dma_start3A_240, %dma_start3A_241] : memref<16x40x16xf32, #tpu.memory_space<vmem>> -> memref<1x40x16xf32, #tpu.memory_space<vmem>>
      %dma_start3A_243 = tpu.memref_squeeze %dma_start3A_242 : memref<1x40x16xf32, #tpu.memory_space<vmem>> -> memref<40x16xf32, #tpu.memory_space<vmem>>
      %dma_start3A_244 = arith.constant 0 : i32
      %dma_start3A_245 = tpu.memref_slice %arg18[%run_scoped3A_213, %mul3A_212, %dma_start3A_244] : memref<16x640x16xf32, #tpu.memory_space<vmem_shared>> -> memref<1x40x16xf32, #tpu.memory_space<vmem_shared>>
      %dma_start3A_246 = tpu.memref_squeeze %dma_start3A_245 : memref<1x40x16xf32, #tpu.memory_space<vmem_shared>> -> memref<40x16xf32, #tpu.memory_space<vmem_shared>>
      tpu.enqueue_dma source(%dma_start3A_246 : memref<40x16xf32, #tpu.memory_space<vmem_shared>>) target(%dma_start3A_243 : memref<40x16xf32, #tpu.memory_space<vmem>>) target_semaphore(%run_scoped3A_233 : memref<!tpu.dma_semaphore, #tpu.memory_space<semaphore_mem>>)
      %dma_wait3A = arith.constant 0 : i32
      %dma_wait3A_247 = arith.constant 0 : i32
      %dma_wait3A_248 = tpu.memref_slice %arg16[%run_scoped3A_214, %dma_wait3A, %dma_wait3A_247] : memref<16x40x16xf32, #tpu.memory_space<vmem>> -> memref<1x40x16xf32, #tpu.memory_space<vmem>>
      %dma_wait3A_249 = tpu.memref_squeeze %dma_wait3A_248 : memref<1x40x16xf32, #tpu.memory_space<vmem>> -> memref<40x16xf32, #tpu.memory_space<vmem>>
      %dma_wait3A_250 = arith.constant 0 : i32
      %dma_wait3A_251 = tpu.memref_slice %arg18[%run_scoped3A_213, %mul3A_212, %dma_wait3A_250] : memref<16x640x16xf32, #tpu.memory_space<vmem_shared>> -> memref<1x40x16xf32, #tpu.memory_space<vmem_shared>>
      %dma_wait3A_252 = tpu.memref_squeeze %dma_wait3A_251 : memref<1x40x16xf32, #tpu.memory_space<vmem_shared>> -> memref<40x16xf32, #tpu.memory_space<vmem_shared>>
      %dma_wait3A_253 = arith.constant 0 : i32
      %dma_wait3A_254 = arith.constant 0 : i32
      %dma_wait3A_255 = tpu.memref_slice %arg16[%run_scoped3A_214, %dma_wait3A_253, %dma_wait3A_254] : memref<16x40x16xf32, #tpu.memory_space<vmem>> -> memref<1x40x16xf32, #tpu.memory_space<vmem>>
      %dma_wait3A_256 = tpu.memref_squeeze %dma_wait3A_255 : memref<1x40x16xf32, #tpu.memory_space<vmem>> -> memref<40x16xf32, #tpu.memory_space<vmem>>
      %dma_wait3A_257 = arith.constant 0 : i32
      %dma_wait3A_258 = tpu.memref_slice %arg18[%run_scoped3A_213, %mul3A_212, %dma_wait3A_257] : memref<16x640x16xf32, #tpu.memory_space<vmem_shared>> -> memref<1x40x16xf32, #tpu.memory_space<vmem_shared>>
      %dma_wait3A_259 = tpu.memref_squeeze %dma_wait3A_258 : memref<1x40x16xf32, #tpu.memory_space<vmem_shared>> -> memref<40x16xf32, #tpu.memory_space<vmem_shared>>
      tpu.wait_dma2 semaphore(%run_scoped3A_233 : memref<!tpu.dma_semaphore, #tpu.memory_space<semaphore_mem>>) src(%dma_wait3A_259 : memref<40x16xf32, #tpu.memory_space<vmem_shared>>) dst(%dma_wait3A_256 : memref<40x16xf32, #tpu.memory_space<vmem>>)
      tpu.yield
    }) : () -> ()
    %mul3A_215 = arith.constant 40 : i32
    %mul3A_216 = arith.muli %arg1, %mul3A_215 : i32
    %run_scoped3A_217 = arith.constant 14 : i32
    %run_scoped3A_218 = arith.constant 14 : i32
    "tpu.region"() ({
      %run_scoped3A_233 = tpu.sem_alloc : memref<!tpu.dma_semaphore, #tpu.memory_space<semaphore_mem>>
      %dma_start3A = arith.constant 0 : i32
      %dma_start3A_234 = arith.constant 0 : i32
      %dma_start3A_235 = tpu.memref_slice %arg16[%run_scoped3A_218, %dma_start3A, %dma_start3A_234] : memref<16x40x16xf32, #tpu.memory_space<vmem>> -> memref<1x40x16xf32, #tpu.memory_space<vmem>>
      %dma_start3A_236 = tpu.memref_squeeze %dma_start3A_235 : memref<1x40x16xf32, #tpu.memory_space<vmem>> -> memref<40x16xf32, #tpu.memory_space<vmem>>
      %dma_start3A_237 = arith.constant 0 : i32
      %dma_start3A_238 = tpu.memref_slice %arg18[%run_scoped3A_217, %mul3A_216, %dma_start3A_237] : memref<16x640x16xf32, #tpu.memory_space<vmem_shared>> -> memref<1x40x16xf32, #tpu.memory_space<vmem_shared>>
      %dma_start3A_239 = tpu.memref_squeeze %dma_start3A_238 : memref<1x40x16xf32, #tpu.memory_space<vmem_shared>> -> memref<40x16xf32, #tpu.memory_space<vmem_shared>>
      %dma_start3A_240 = arith.constant 0 : i32
      %dma_start3A_241 = arith.constant 0 : i32
      %dma_start3A_242 = tpu.memref_slice %arg16[%run_scoped3A_218, %dma_start3A_240, %dma_start3A_241] : memref<16x40x16xf32, #tpu.memory_space<vmem>> -> memref<1x40x16xf32, #tpu.memory_space<vmem>>
      %dma_start3A_243 = tpu.memref_squeeze %dma_start3A_242 : memref<1x40x16xf32, #tpu.memory_space<vmem>> -> memref<40x16xf32, #tpu.memory_space<vmem>>
      %dma_start3A_244 = arith.constant 0 : i32
      %dma_start3A_245 = tpu.memref_slice %arg18[%run_scoped3A_217, %mul3A_216, %dma_start3A_244] : memref<16x640x16xf32, #tpu.memory_space<vmem_shared>> -> memref<1x40x16xf32, #tpu.memory_space<vmem_shared>>
      %dma_start3A_246 = tpu.memref_squeeze %dma_start3A_245 : memref<1x40x16xf32, #tpu.memory_space<vmem_shared>> -> memref<40x16xf32, #tpu.memory_space<vmem_shared>>
      tpu.enqueue_dma source(%dma_start3A_246 : memref<40x16xf32, #tpu.memory_space<vmem_shared>>) target(%dma_start3A_243 : memref<40x16xf32, #tpu.memory_space<vmem>>) target_semaphore(%run_scoped3A_233 : memref<!tpu.dma_semaphore, #tpu.memory_space<semaphore_mem>>)
      %dma_wait3A = arith.constant 0 : i32
      %dma_wait3A_247 = arith.constant 0 : i32
      %dma_wait3A_248 = tpu.memref_slice %arg16[%run_scoped3A_218, %dma_wait3A, %dma_wait3A_247] : memref<16x40x16xf32, #tpu.memory_space<vmem>> -> memref<1x40x16xf32, #tpu.memory_space<vmem>>
      %dma_wait3A_249 = tpu.memref_squeeze %dma_wait3A_248 : memref<1x40x16xf32, #tpu.memory_space<vmem>> -> memref<40x16xf32, #tpu.memory_space<vmem>>
      %dma_wait3A_250 = arith.constant 0 : i32
      %dma_wait3A_251 = tpu.memref_slice %arg18[%run_scoped3A_217, %mul3A_216, %dma_wait3A_250] : memref<16x640x16xf32, #tpu.memory_space<vmem_shared>> -> memref<1x40x16xf32, #tpu.memory_space<vmem_shared>>
      %dma_wait3A_252 = tpu.memref_squeeze %dma_wait3A_251 : memref<1x40x16xf32, #tpu.memory_space<vmem_shared>> -> memref<40x16xf32, #tpu.memory_space<vmem_shared>>
      %dma_wait3A_253 = arith.constant 0 : i32
      %dma_wait3A_254 = arith.constant 0 : i32
      %dma_wait3A_255 = tpu.memref_slice %arg16[%run_scoped3A_218, %dma_wait3A_253, %dma_wait3A_254] : memref<16x40x16xf32, #tpu.memory_space<vmem>> -> memref<1x40x16xf32, #tpu.memory_space<vmem>>
      %dma_wait3A_256 = tpu.memref_squeeze %dma_wait3A_255 : memref<1x40x16xf32, #tpu.memory_space<vmem>> -> memref<40x16xf32, #tpu.memory_space<vmem>>
      %dma_wait3A_257 = arith.constant 0 : i32
      %dma_wait3A_258 = tpu.memref_slice %arg18[%run_scoped3A_217, %mul3A_216, %dma_wait3A_257] : memref<16x640x16xf32, #tpu.memory_space<vmem_shared>> -> memref<1x40x16xf32, #tpu.memory_space<vmem_shared>>
      %dma_wait3A_259 = tpu.memref_squeeze %dma_wait3A_258 : memref<1x40x16xf32, #tpu.memory_space<vmem_shared>> -> memref<40x16xf32, #tpu.memory_space<vmem_shared>>
      tpu.wait_dma2 semaphore(%run_scoped3A_233 : memref<!tpu.dma_semaphore, #tpu.memory_space<semaphore_mem>>) src(%dma_wait3A_259 : memref<40x16xf32, #tpu.memory_space<vmem_shared>>) dst(%dma_wait3A_256 : memref<40x16xf32, #tpu.memory_space<vmem>>)
      tpu.yield
    }) : () -> ()
    %mul3A_219 = arith.constant 40 : i32
    %mul3A_220 = arith.muli %arg1, %mul3A_219 : i32
    %run_scoped3A_221 = arith.constant 15 : i32
    %run_scoped3A_222 = arith.constant 15 : i32
    "tpu.region"() ({
      %run_scoped3A_233 = tpu.sem_alloc : memref<!tpu.dma_semaphore, #tpu.memory_space<semaphore_mem>>
      %dma_start3A = arith.constant 0 : i32
      %dma_start3A_234 = arith.constant 0 : i32
      %dma_start3A_235 = tpu.memref_slice %arg16[%run_scoped3A_222, %dma_start3A, %dma_start3A_234] : memref<16x40x16xf32, #tpu.memory_space<vmem>> -> memref<1x40x16xf32, #tpu.memory_space<vmem>>
      %dma_start3A_236 = tpu.memref_squeeze %dma_start3A_235 : memref<1x40x16xf32, #tpu.memory_space<vmem>> -> memref<40x16xf32, #tpu.memory_space<vmem>>
      %dma_start3A_237 = arith.constant 0 : i32
      %dma_start3A_238 = tpu.memref_slice %arg18[%run_scoped3A_221, %mul3A_220, %dma_start3A_237] : memref<16x640x16xf32, #tpu.memory_space<vmem_shared>> -> memref<1x40x16xf32, #tpu.memory_space<vmem_shared>>
      %dma_start3A_239 = tpu.memref_squeeze %dma_start3A_238 : memref<1x40x16xf32, #tpu.memory_space<vmem_shared>> -> memref<40x16xf32, #tpu.memory_space<vmem_shared>>
      %dma_start3A_240 = arith.constant 0 : i32
      %dma_start3A_241 = arith.constant 0 : i32
      %dma_start3A_242 = tpu.memref_slice %arg16[%run_scoped3A_222, %dma_start3A_240, %dma_start3A_241] : memref<16x40x16xf32, #tpu.memory_space<vmem>> -> memref<1x40x16xf32, #tpu.memory_space<vmem>>
      %dma_start3A_243 = tpu.memref_squeeze %dma_start3A_242 : memref<1x40x16xf32, #tpu.memory_space<vmem>> -> memref<40x16xf32, #tpu.memory_space<vmem>>
      %dma_start3A_244 = arith.constant 0 : i32
      %dma_start3A_245 = tpu.memref_slice %arg18[%run_scoped3A_221, %mul3A_220, %dma_start3A_244] : memref<16x640x16xf32, #tpu.memory_space<vmem_shared>> -> memref<1x40x16xf32, #tpu.memory_space<vmem_shared>>
      %dma_start3A_246 = tpu.memref_squeeze %dma_start3A_245 : memref<1x40x16xf32, #tpu.memory_space<vmem_shared>> -> memref<40x16xf32, #tpu.memory_space<vmem_shared>>
      tpu.enqueue_dma source(%dma_start3A_246 : memref<40x16xf32, #tpu.memory_space<vmem_shared>>) target(%dma_start3A_243 : memref<40x16xf32, #tpu.memory_space<vmem>>) target_semaphore(%run_scoped3A_233 : memref<!tpu.dma_semaphore, #tpu.memory_space<semaphore_mem>>)
      %dma_wait3A = arith.constant 0 : i32
      %dma_wait3A_247 = arith.constant 0 : i32
      %dma_wait3A_248 = tpu.memref_slice %arg16[%run_scoped3A_222, %dma_wait3A, %dma_wait3A_247] : memref<16x40x16xf32, #tpu.memory_space<vmem>> -> memref<1x40x16xf32, #tpu.memory_space<vmem>>
      %dma_wait3A_249 = tpu.memref_squeeze %dma_wait3A_248 : memref<1x40x16xf32, #tpu.memory_space<vmem>> -> memref<40x16xf32, #tpu.memory_space<vmem>>
      %dma_wait3A_250 = arith.constant 0 : i32
      %dma_wait3A_251 = tpu.memref_slice %arg18[%run_scoped3A_221, %mul3A_220, %dma_wait3A_250] : memref<16x640x16xf32, #tpu.memory_space<vmem_shared>> -> memref<1x40x16xf32, #tpu.memory_space<vmem_shared>>
      %dma_wait3A_252 = tpu.memref_squeeze %dma_wait3A_251 : memref<1x40x16xf32, #tpu.memory_space<vmem_shared>> -> memref<40x16xf32, #tpu.memory_space<vmem_shared>>
      %dma_wait3A_253 = arith.constant 0 : i32
      %dma_wait3A_254 = arith.constant 0 : i32
      %dma_wait3A_255 = tpu.memref_slice %arg16[%run_scoped3A_222, %dma_wait3A_253, %dma_wait3A_254] : memref<16x40x16xf32, #tpu.memory_space<vmem>> -> memref<1x40x16xf32, #tpu.memory_space<vmem>>
      %dma_wait3A_256 = tpu.memref_squeeze %dma_wait3A_255 : memref<1x40x16xf32, #tpu.memory_space<vmem>> -> memref<40x16xf32, #tpu.memory_space<vmem>>
      %dma_wait3A_257 = arith.constant 0 : i32
      %dma_wait3A_258 = tpu.memref_slice %arg18[%run_scoped3A_221, %mul3A_220, %dma_wait3A_257] : memref<16x640x16xf32, #tpu.memory_space<vmem_shared>> -> memref<1x40x16xf32, #tpu.memory_space<vmem_shared>>
      %dma_wait3A_259 = tpu.memref_squeeze %dma_wait3A_258 : memref<1x40x16xf32, #tpu.memory_space<vmem_shared>> -> memref<40x16xf32, #tpu.memory_space<vmem_shared>>
      tpu.wait_dma2 semaphore(%run_scoped3A_233 : memref<!tpu.dma_semaphore, #tpu.memory_space<semaphore_mem>>) src(%dma_wait3A_259 : memref<40x16xf32, #tpu.memory_space<vmem_shared>>) dst(%dma_wait3A_256 : memref<40x16xf32, #tpu.memory_space<vmem>>)
      tpu.yield
    }) : () -> ()
    %scan3A_223 = arith.constant 0 : i32
    %scan3A_224 = arith.constant 0 : i32
    %scan3A_225 = arith.constant 40 : i32
    %scan3A_226 = arith.addi %scan3A_224, %scan3A_225 : i32
    %scan3A_227 = arith.constant 1 : i32
    scf.for %scan3A_233 = %scan3A_224 to %scan3A_226 step %scan3A_227  : i32 {
      %get3A = arith.constant 0 : i32
      %get3A_234 = arith.index_cast %get3A : i32 to index
      %get3A_235 = arith.index_cast %scan3A_233 : i32 to index
      %get3A_236 = arith.constant 0 : index
      %get3A_237 = tpu.vector_load %arg16[%get3A_234, %get3A_235, %get3A_236] {strides = array<i32>} : memref<16x40x16xf32, #tpu.memory_space<vmem>>, vector<16xf32>,
      %get3A_238 = arith.constant 1 : i32
      %get3A_239 = arith.index_cast %get3A_238 : i32 to index
      %get3A_240 = arith.index_cast %scan3A_233 : i32 to index
      %get3A_241 = arith.constant 0 : index
      %get3A_242 = tpu.vector_load %arg16[%get3A_239, %get3A_240, %get3A_241] {strides = array<i32>} : memref<16x40x16xf32, #tpu.memory_space<vmem>>, vector<16xf32>,
      %add3A = arith.addf %get3A_237, %get3A_242 : vector<16xf32>
      %get3A_243 = arith.constant 2 : i32
      %get3A_244 = arith.index_cast %get3A_243 : i32 to index
      %get3A_245 = arith.index_cast %scan3A_233 : i32 to index
      %get3A_246 = arith.constant 0 : index
      %get3A_247 = tpu.vector_load %arg16[%get3A_244, %get3A_245, %get3A_246] {strides = array<i32>} : memref<16x40x16xf32, #tpu.memory_space<vmem>>, vector<16xf32>,
      %add3A_248 = arith.addf %add3A, %get3A_247 : vector<16xf32>
      %get3A_249 = arith.constant 3 : i32
      %get3A_250 = arith.index_cast %get3A_249 : i32 to index
      %get3A_251 = arith.index_cast %scan3A_233 : i32 to index
      %get3A_252 = arith.constant 0 : index
      %get3A_253 = tpu.vector_load %arg16[%get3A_250, %get3A_251, %get3A_252] {strides = array<i32>} : memref<16x40x16xf32, #tpu.memory_space<vmem>>, vector<16xf32>,
      %add3A_254 = arith.addf %add3A_248, %get3A_253 : vector<16xf32>
      %get3A_255 = arith.constant 4 : i32
      %get3A_256 = arith.index_cast %get3A_255 : i32 to index
      %get3A_257 = arith.index_cast %scan3A_233 : i32 to index
      %get3A_258 = arith.constant 0 : index
      %get3A_259 = tpu.vector_load %arg16[%get3A_256, %get3A_257, %get3A_258] {strides = array<i32>} : memref<16x40x16xf32, #tpu.memory_space<vmem>>, vector<16xf32>,
      %add3A_260 = arith.addf %add3A_254, %get3A_259 : vector<16xf32>
      %get3A_261 = arith.constant 5 : i32
      %get3A_262 = arith.index_cast %get3A_261 : i32 to index
      %get3A_263 = arith.index_cast %scan3A_233 : i32 to index
      %get3A_264 = arith.constant 0 : index
      %get3A_265 = tpu.vector_load %arg16[%get3A_262, %get3A_263, %get3A_264] {strides = array<i32>} : memref<16x40x16xf32, #tpu.memory_space<vmem>>, vector<16xf32>,
      %add3A_266 = arith.addf %add3A_260, %get3A_265 : vector<16xf32>
      %get3A_267 = arith.constant 6 : i32
      %get3A_268 = arith.index_cast %get3A_267 : i32 to index
      %get3A_269 = arith.index_cast %scan3A_233 : i32 to index
      %get3A_270 = arith.constant 0 : index
      %get3A_271 = tpu.vector_load %arg16[%get3A_268, %get3A_269, %get3A_270] {strides = array<i32>} : memref<16x40x16xf32, #tpu.memory_space<vmem>>, vector<16xf32>,
      %add3A_272 = arith.addf %add3A_266, %get3A_271 : vector<16xf32>
      %get3A_273 = arith.constant 7 : i32
      %get3A_274 = arith.index_cast %get3A_273 : i32 to index
      %get3A_275 = arith.index_cast %scan3A_233 : i32 to index
      %get3A_276 = arith.constant 0 : index
      %get3A_277 = tpu.vector_load %arg16[%get3A_274, %get3A_275, %get3A_276] {strides = array<i32>} : memref<16x40x16xf32, #tpu.memory_space<vmem>>, vector<16xf32>,
      %add3A_278 = arith.addf %add3A_272, %get3A_277 : vector<16xf32>
      %get3A_279 = arith.constant 8 : i32
      %get3A_280 = arith.index_cast %get3A_279 : i32 to index
      %get3A_281 = arith.index_cast %scan3A_233 : i32 to index
      %get3A_282 = arith.constant 0 : index
      %get3A_283 = tpu.vector_load %arg16[%get3A_280, %get3A_281, %get3A_282] {strides = array<i32>} : memref<16x40x16xf32, #tpu.memory_space<vmem>>, vector<16xf32>,
      %add3A_284 = arith.addf %add3A_278, %get3A_283 : vector<16xf32>
      %get3A_285 = arith.constant 9 : i32
      %get3A_286 = arith.index_cast %get3A_285 : i32 to index
      %get3A_287 = arith.index_cast %scan3A_233 : i32 to index
      %get3A_288 = arith.constant 0 : index
      %get3A_289 = tpu.vector_load %arg16[%get3A_286, %get3A_287, %get3A_288] {strides = array<i32>} : memref<16x40x16xf32, #tpu.memory_space<vmem>>, vector<16xf32>,
      %add3A_290 = arith.addf %add3A_284, %get3A_289 : vector<16xf32>
      %get3A_291 = arith.constant 10 : i32
      %get3A_292 = arith.index_cast %get3A_291 : i32 to index
      %get3A_293 = arith.index_cast %scan3A_233 : i32 to index
      %get3A_294 = arith.constant 0 : index
      %get3A_295 = tpu.vector_load %arg16[%get3A_292, %get3A_293, %get3A_294] {strides = array<i32>} : memref<16x40x16xf32, #tpu.memory_space<vmem>>, vector<16xf32>,
      %add3A_296 = arith.addf %add3A_290, %get3A_295 : vector<16xf32>
      %get3A_297 = arith.constant 11 : i32
      %get3A_298 = arith.index_cast %get3A_297 : i32 to index
      %get3A_299 = arith.index_cast %scan3A_233 : i32 to index
      %get3A_300 = arith.constant 0 : index
      %get3A_301 = tpu.vector_load %arg16[%get3A_298, %get3A_299, %get3A_300] {strides = array<i32>} : memref<16x40x16xf32, #tpu.memory_space<vmem>>, vector<16xf32>,
      %add3A_302 = arith.addf %add3A_296, %get3A_301 : vector<16xf32>
      %get3A_303 = arith.constant 12 : i32
      %get3A_304 = arith.index_cast %get3A_303 : i32 to index
      %get3A_305 = arith.index_cast %scan3A_233 : i32 to index
      %get3A_306 = arith.constant 0 : index
      %get3A_307 = tpu.vector_load %arg16[%get3A_304, %get3A_305, %get3A_306] {strides = array<i32>} : memref<16x40x16xf32, #tpu.memory_space<vmem>>, vector<16xf32>,
      %add3A_308 = arith.addf %add3A_302, %get3A_307 : vector<16xf32>
      %get3A_309 = arith.constant 13 : i32
      %get3A_310 = arith.index_cast %get3A_309 : i32 to index
      %get3A_311 = arith.index_cast %scan3A_233 : i32 to index
      %get3A_312 = arith.constant 0 : index
      %get3A_313 = tpu.vector_load %arg16[%get3A_310, %get3A_311, %get3A_312] {strides = array<i32>} : memref<16x40x16xf32, #tpu.memory_space<vmem>>, vector<16xf32>,
      %add3A_314 = arith.addf %add3A_308, %get3A_313 : vector<16xf32>
      %get3A_315 = arith.constant 14 : i32
      %get3A_316 = arith.index_cast %get3A_315 : i32 to index
      %get3A_317 = arith.index_cast %scan3A_233 : i32 to index
      %get3A_318 = arith.constant 0 : index
      %get3A_319 = tpu.vector_load %arg16[%get3A_316, %get3A_317, %get3A_318] {strides = array<i32>} : memref<16x40x16xf32, #tpu.memory_space<vmem>>, vector<16xf32>,
      %add3A_320 = arith.addf %add3A_314, %get3A_319 : vector<16xf32>
      %get3A_321 = arith.constant 15 : i32
      %get3A_322 = arith.index_cast %get3A_321 : i32 to index
      %get3A_323 = arith.index_cast %scan3A_233 : i32 to index
      %get3A_324 = arith.constant 0 : index
      %get3A_325 = tpu.vector_load %arg16[%get3A_322, %get3A_323, %get3A_324] {strides = array<i32>} : memref<16x40x16xf32, #tpu.memory_space<vmem>>, vector<16xf32>,
      %add3A_326 = arith.addf %add3A_320, %get3A_325 : vector<16xf32>
      %mul3A_327 = arith.constant 16 : i32
      %mul3A_328 = arith.muli %scan3A_233, %mul3A_327 : i32
      %add3A_329 = vector.broadcast %mul3A_328 : i32 to vector<16xi32>
      %add3A_330 = arith.addi %add3A_329, %iota3A : vector<16xi32>
      tpu.vector_store_idx %arg15[%add3A_330, %broadcast_in_dim3A_0], %add3A_326 : memref<640x16xf32, #tpu.memory_space<vmem>>[vector<16xi32>, vector<16xi32>], vector<16xf32>,
    }
    %scan3A_228 = arith.constant 40 : i32
    %mul3A_229 = arith.constant 640 : i32
    %mul3A_230 = arith.muli %arg1, %mul3A_229 : i32
    "tpu.region"() ({
      %run_scoped3A_233 = tpu.sem_alloc : memref<!tpu.dma_semaphore, #tpu.memory_space<semaphore_mem>>
      %dma_start3A = arith.constant 0 : i32
      %dma_start3A_234 = tpu.memref_slice %arg8[%arg0, %mul3A_230, %dma_start3A] : memref<2x10240x64xf32, #tpu.memory_space<hbm>> -> memref<1x640x64xf32, #tpu.memory_space<hbm>>
      %dma_start3A_235 = tpu.memref_squeeze %dma_start3A_234 : memref<1x640x64xf32, #tpu.memory_space<hbm>> -> memref<640x64xf32, #tpu.memory_space<hbm>>
      %dma_start3A_236 = arith.constant 0 : i32
      %dma_start3A_237 = tpu.memref_slice %arg17[%mul3A_230, %dma_start3A_236] : memref<10240x64xf32, #tpu.memory_space<vmem_shared>> -> memref<640x64xf32, #tpu.memory_space<vmem_shared>>
      tpu.enqueue_dma source(%dma_start3A_237 : memref<640x64xf32, #tpu.memory_space<vmem_shared>>) target(%dma_start3A_235 : memref<640x64xf32, #tpu.memory_space<hbm>>) target_semaphore(%run_scoped3A_233 : memref<!tpu.dma_semaphore, #tpu.memory_space<semaphore_mem>>)
      %dma_wait3A = arith.constant 0 : i32
      %dma_wait3A_238 = tpu.memref_slice %arg8[%arg0, %mul3A_230, %dma_wait3A] : memref<2x10240x64xf32, #tpu.memory_space<hbm>> -> memref<1x640x64xf32, #tpu.memory_space<hbm>>
      %dma_wait3A_239 = tpu.memref_squeeze %dma_wait3A_238 : memref<1x640x64xf32, #tpu.memory_space<hbm>> -> memref<640x64xf32, #tpu.memory_space<hbm>>
      %dma_wait3A_240 = arith.constant 0 : i32
      %dma_wait3A_241 = tpu.memref_slice %arg17[%mul3A_230, %dma_wait3A_240] : memref<10240x64xf32, #tpu.memory_space<vmem_shared>> -> memref<640x64xf32, #tpu.memory_space<vmem_shared>>
      tpu.wait_dma2 semaphore(%run_scoped3A_233 : memref<!tpu.dma_semaphore, #tpu.memory_space<semaphore_mem>>) src(%dma_wait3A_241 : memref<640x64xf32, #tpu.memory_space<vmem_shared>>) dst(%dma_wait3A_239 : memref<640x64xf32, #tpu.memory_space<hbm>>)
      tpu.yield
    }) : () -> ()
    %mul3A_231 = arith.constant 640 : i32
    %mul3A_232 = arith.muli %arg1, %mul3A_231 : i32
    "tpu.region"() ({
      %run_scoped3A_233 = tpu.sem_alloc : memref<!tpu.dma_semaphore, #tpu.memory_space<semaphore_mem>>
      %dma_start3A = arith.constant 0 : i32
      %dma_start3A_234 = arith.constant 0 : i32
      %dma_start3A_235 = tpu.memref_slice %arg15[%dma_start3A, %dma_start3A_234] : memref<640x16xf32, #tpu.memory_space<vmem>> -> memref<640x16xf32, #tpu.memory_space<vmem>>
      %dma_start3A_236 = arith.constant 0 : i32
      %dma_start3A_237 = tpu.memref_slice %arg9[%arg0, %mul3A_232, %dma_start3A_236] : memref<2x10240x16xf32, #tpu.memory_space<hbm>> -> memref<1x640x16xf32, #tpu.memory_space<hbm>>
      %dma_start3A_238 = tpu.memref_squeeze %dma_start3A_237 : memref<1x640x16xf32, #tpu.memory_space<hbm>> -> memref<640x16xf32, #tpu.memory_space<hbm>>
      %dma_start3A_239 = arith.constant 0 : i32
      %dma_start3A_240 = tpu.memref_slice %arg9[%arg0, %mul3A_232, %dma_start3A_239] : memref<2x10240x16xf32, #tpu.memory_space<hbm>> -> memref<1x640x16xf32, #tpu.memory_space<hbm>>
      %dma_start3A_241 = tpu.memref_squeeze %dma_start3A_240 : memref<1x640x16xf32, #tpu.memory_space<hbm>> -> memref<640x16xf32, #tpu.memory_space<hbm>>
      %dma_start3A_242 = arith.constant 0 : i32
      %dma_start3A_243 = arith.constant 0 : i32
      %dma_start3A_244 = tpu.memref_slice %arg15[%dma_start3A_242, %dma_start3A_243] : memref<640x16xf32, #tpu.memory_space<vmem>> -> memref<640x16xf32, #tpu.memory_space<vmem>>
      tpu.enqueue_dma source(%dma_start3A_244 : memref<640x16xf32, #tpu.memory_space<vmem>>) target(%dma_start3A_241 : memref<640x16xf32, #tpu.memory_space<hbm>>) target_semaphore(%run_scoped3A_233 : memref<!tpu.dma_semaphore, #tpu.memory_space<semaphore_mem>>)
      %dma_wait3A = arith.constant 0 : i32
      %dma_wait3A_245 = arith.constant 0 : i32
      %dma_wait3A_246 = tpu.memref_slice %arg15[%dma_wait3A, %dma_wait3A_245] : memref<640x16xf32, #tpu.memory_space<vmem>> -> memref<640x16xf32, #tpu.memory_space<vmem>>
      %dma_wait3A_247 = arith.constant 0 : i32
      %dma_wait3A_248 = tpu.memref_slice %arg9[%arg0, %mul3A_232, %dma_wait3A_247] : memref<2x10240x16xf32, #tpu.memory_space<hbm>> -> memref<1x640x16xf32, #tpu.memory_space<hbm>>
      %dma_wait3A_249 = tpu.memref_squeeze %dma_wait3A_248 : memref<1x640x16xf32, #tpu.memory_space<hbm>> -> memref<640x16xf32, #tpu.memory_space<hbm>>
      %dma_wait3A_250 = arith.constant 0 : i32
      %dma_wait3A_251 = tpu.memref_slice %arg9[%arg0, %mul3A_232, %dma_wait3A_250] : memref<2x10240x16xf32, #tpu.memory_space<hbm>> -> memref<1x640x16xf32, #tpu.memory_space<hbm>>
      %dma_wait3A_252 = tpu.memref_squeeze %dma_wait3A_251 : memref<1x640x16xf32, #tpu.memory_space<hbm>> -> memref<640x16xf32, #tpu.memory_space<hbm>>
      %dma_wait3A_253 = arith.constant 0 : i32
      %dma_wait3A_254 = arith.constant 0 : i32
      %dma_wait3A_255 = tpu.memref_slice %arg15[%dma_wait3A_253, %dma_wait3A_254] : memref<640x16xf32, #tpu.memory_space<vmem>> -> memref<640x16xf32, #tpu.memory_space<vmem>>
      tpu.wait_dma2 semaphore(%run_scoped3A_233 : memref<!tpu.dma_semaphore, #tpu.memory_space<semaphore_mem>>) src(%dma_wait3A_255 : memref<640x16xf32, #tpu.memory_space<vmem>>) dst(%dma_wait3A_252 : memref<640x16xf32, #tpu.memory_space<hbm>>)
      tpu.yield
    }) : () -> ()
    return
  }
}

module attributes {stable_mosaic.version = 14 : i64} {
  func.func @body(%arg0: i32, %arg1: memref<2000x128xf32, #tpu.memory_space<vmem>>, %arg2: memref<2x2000x64xf32, #tpu.memory_space<vmem>>, %arg3: memref<2x2000x16xf32, #tpu.memory_space<vmem>>, %arg4: memref<256x64xf32, #tpu.memory_space<vmem>>, %arg5: memref<1x64xf32, #tpu.memory_space<vmem>>, %arg6: memref<64x32xf32, #tpu.memory_space<vmem>>, %arg7: memref<1x32xf32, #tpu.memory_space<vmem>>, %arg8: memref<32x16xf32, #tpu.memory_space<vmem>>, %arg9: memref<1x16xf32, #tpu.memory_space<vmem>>, %arg10: memref<2000x16xf32, #tpu.memory_space<vmem>>) attributes {dimension_semantics = [#tpu.dimension_semantics<arbitrary>], iteration_bounds = array<i64: 5>, scalar_prefetch = 0 : i64, scratch_operands = 0 : i64, tpu.core_type = #tpu.core_type<tc>, window_params = [{transform_indices = @transform_0, window_bounds = array<i64: 2000, 128>}, {transform_indices = @transform_1, window_bounds = array<i64: 2, 2000, 64>}, {transform_indices = @transform_2, window_bounds = array<i64: 2, 2000, 16>}, {pipeline_mode = #tpu.pipeline_mode<synchronous>, transform_indices = @transform_3, window_bounds = array<i64: 256, 64>}, {pipeline_mode = #tpu.pipeline_mode<synchronous>, transform_indices = @transform_4, window_bounds = array<i64: 1, 64>}, {pipeline_mode = #tpu.pipeline_mode<synchronous>, transform_indices = @transform_5, window_bounds = array<i64: 64, 32>}, {pipeline_mode = #tpu.pipeline_mode<synchronous>, transform_indices = @transform_6, window_bounds = array<i64: 1, 32>}, {pipeline_mode = #tpu.pipeline_mode<synchronous>, transform_indices = @transform_7, window_bounds = array<i64: 32, 16>}, {pipeline_mode = #tpu.pipeline_mode<synchronous>, transform_indices = @transform_8, window_bounds = array<i64: 1, 16>}, {transform_indices = @transform_9, window_bounds = array<i64: 2000, 16>}]} {
    %get3A = arith.constant 0 : index
    %get3A_0 = arith.constant 0 : index
    %get3A_1 = vector.load %arg1[%get3A, %get3A_0] : memref<2000x128xf32, #tpu.memory_space<vmem>>, vector<2000x128xf32>
    %get3A_2 = arith.constant 0 : index
    %get3A_3 = arith.constant 0 : index
    %get3A_4 = arith.constant 0 : index
    %get3A_5 = vector.load %arg2[%get3A_2, %get3A_3, %get3A_4] : memref<2x2000x64xf32, #tpu.memory_space<vmem>>, vector<1x2000x64xf32>
    %get3A_6 = vector.shape_cast %get3A_5 : vector<1x2000x64xf32> to vector<2000x64xf32>
    %get3A_7 = arith.constant 1 : index
    %get3A_8 = arith.constant 0 : index
    %get3A_9 = arith.constant 0 : index
    %get3A_10 = vector.load %arg2[%get3A_7, %get3A_8, %get3A_9] : memref<2x2000x64xf32, #tpu.memory_space<vmem>>, vector<1x2000x64xf32>
    %get3A_11 = vector.shape_cast %get3A_10 : vector<1x2000x64xf32> to vector<2000x64xf32>
    %concatenate3A = tpu.concatenate %get3A_6, %get3A_11 in 1 : vector<2000x64xf32>, vector<2000x64xf32> -> vector<2000x128xf32>
    %get3A_12 = arith.constant 0 : index
    %get3A_13 = arith.constant 0 : index
    %get3A_14 = arith.constant 0 : index
    %get3A_15 = vector.load %arg3[%get3A_12, %get3A_13, %get3A_14] : memref<2x2000x16xf32, #tpu.memory_space<vmem>>, vector<1x2000x1xf32>
    %get3A_16 = vector.shape_cast %get3A_15 : vector<1x2000x1xf32> to vector<2000x1xf32>
    %get3A_17 = arith.constant 1 : index
    %get3A_18 = arith.constant 0 : index
    %get3A_19 = arith.constant 0 : index
    %get3A_20 = vector.load %arg3[%get3A_17, %get3A_18, %get3A_19] : memref<2x2000x16xf32, #tpu.memory_space<vmem>>, vector<1x2000x1xf32>
    %get3A_21 = vector.shape_cast %get3A_20 : vector<1x2000x1xf32> to vector<2000x1xf32>
    %add3A = arith.addf %get3A_16, %get3A_21 : vector<2000x1xf32>
    %max3A = arith.constant 1.000000e+00 : f32
    %max3A_22 = vector.broadcast %max3A : f32 to vector<2000x1xf32>
    %max3A_23 = arith.maximumf %add3A, %max3A_22 : vector<2000x1xf32>
    %div3A = vector.broadcast %max3A_23 : vector<2000x1xf32> to vector<2000x128xf32>
    %div3A_24 = arith.divf %concatenate3A, %div3A : vector<2000x128xf32>
    %get3A_25 = arith.constant 0 : index
    %get3A_26 = arith.constant 0 : index
    %get3A_27 = vector.load %arg4[%get3A_25, %get3A_26] : memref<256x64xf32, #tpu.memory_space<vmem>>, vector<256x64xf32>
    %slice3A = vector.extract_strided_slice %get3A_27 {offsets = [0, 0], sizes = [128, 64], strides = [1, 1]} : vector<256x64xf32> to vector<128x64xf32>
    %dot_general3A = arith.constant dense<0.000000e+00> : vector<2000x64xf32>
    %dot_general3A_28 = tpu.matmul %get3A_1, %slice3A, %dot_general3A {dimension_numbers = #tpu.dot_dimension_numbers<[1], [0], [0], [1], [0, 0, 1, 1], [], []>, transpose_lhs_hint = false} : vector<2000x128xf32>, vector<128x64xf32>, vector<2000x64xf32> -> vector<2000x64xf32>
    %slice3A_29 = vector.extract_strided_slice %get3A_27 {offsets = [128, 0], sizes = [128, 64], strides = [1, 1]} : vector<256x64xf32> to vector<128x64xf32>
    %dot_general3A_30 = arith.constant dense<0.000000e+00> : vector<2000x64xf32>
    %dot_general3A_31 = tpu.matmul %div3A_24, %slice3A_29, %dot_general3A_30 {dimension_numbers = #tpu.dot_dimension_numbers<[1], [0], [0], [1], [0, 0, 1, 1], [], []>, transpose_lhs_hint = false} : vector<2000x128xf32>, vector<128x64xf32>, vector<2000x64xf32> -> vector<2000x64xf32>
    %add3A_32 = arith.addf %dot_general3A_28, %dot_general3A_31 : vector<2000x64xf32>
    %get3A_33 = arith.constant 0 : index
    %get3A_34 = arith.constant 0 : index
    %get3A_35 = vector.load %arg5[%get3A_33, %get3A_34] : memref<1x64xf32, #tpu.memory_space<vmem>>, vector<1x64xf32>
    %add3A_36 = vector.broadcast %get3A_35 : vector<1x64xf32> to vector<2000x64xf32>
    %add3A_37 = arith.addf %add3A_32, %add3A_36 : vector<2000x64xf32>
    %max3A_38 = arith.constant 0.000000e+00 : f32
    %max3A_39 = vector.broadcast %max3A_38 : f32 to vector<2000x64xf32>
    %max3A_40 = arith.maximumf %add3A_37, %max3A_39 : vector<2000x64xf32>
    %get3A_41 = arith.constant 0 : index
    %get3A_42 = arith.constant 0 : index
    %get3A_43 = vector.load %arg6[%get3A_41, %get3A_42] : memref<64x32xf32, #tpu.memory_space<vmem>>, vector<64x32xf32>
    %dot_general3A_44 = arith.constant dense<0.000000e+00> : vector<2000x32xf32>
    %dot_general3A_45 = tpu.matmul %max3A_40, %get3A_43, %dot_general3A_44 {dimension_numbers = #tpu.dot_dimension_numbers<[1], [0], [0], [1], [0, 0, 1, 1], [], []>, transpose_lhs_hint = false} : vector<2000x64xf32>, vector<64x32xf32>, vector<2000x32xf32> -> vector<2000x32xf32>
    %get3A_46 = arith.constant 0 : index
    %get3A_47 = arith.constant 0 : index
    %get3A_48 = vector.load %arg7[%get3A_46, %get3A_47] : memref<1x32xf32, #tpu.memory_space<vmem>>, vector<1x32xf32>
    %add3A_49 = vector.broadcast %get3A_48 : vector<1x32xf32> to vector<2000x32xf32>
    %add3A_50 = arith.addf %dot_general3A_45, %add3A_49 : vector<2000x32xf32>
    %max3A_51 = arith.constant 0.000000e+00 : f32
    %max3A_52 = vector.broadcast %max3A_51 : f32 to vector<2000x32xf32>
    %max3A_53 = arith.maximumf %add3A_50, %max3A_52 : vector<2000x32xf32>
    %get3A_54 = arith.constant 0 : index
    %get3A_55 = arith.constant 0 : index
    %get3A_56 = vector.load %arg8[%get3A_54, %get3A_55] : memref<32x16xf32, #tpu.memory_space<vmem>>, vector<32x16xf32>
    %dot_general3A_57 = arith.constant dense<0.000000e+00> : vector<2000x16xf32>
    %dot_general3A_58 = tpu.matmul %max3A_53, %get3A_56, %dot_general3A_57 {dimension_numbers = #tpu.dot_dimension_numbers<[1], [0], [0], [1], [0, 0, 1, 1], [], []>, transpose_lhs_hint = false} : vector<2000x32xf32>, vector<32x16xf32>, vector<2000x16xf32> -> vector<2000x16xf32>
    %get3A_59 = arith.constant 0 : index
    %get3A_60 = arith.constant 0 : index
    %get3A_61 = vector.load %arg9[%get3A_59, %get3A_60] : memref<1x16xf32, #tpu.memory_space<vmem>>, vector<1x16xf32>
    %add3A_62 = vector.broadcast %get3A_61 : vector<1x16xf32> to vector<2000x16xf32>
    %add3A_63 = arith.addf %dot_general3A_58, %add3A_62 : vector<2000x16xf32>
    %swap3A = arith.constant 0 : index
    %swap3A_64 = arith.constant 0 : index
    %swap3A_65 = vector.load %arg10[%swap3A, %swap3A_64] : memref<2000x16xf32, #tpu.memory_space<vmem>>, vector<2000x16xf32>
    tpu.vector_store %arg10[%swap3A, %swap3A_64], %add3A_63 {strides = array<i32>} : memref<2000x16xf32, #tpu.memory_space<vmem>>, vector<2000x16xf32>,
    return
  }
  func.func @transform_0(%arg0: i32) -> (i32, i32) {
    %c0_i32 = arith.constant 0 : i32
    %c0_i32_0 = arith.constant 0 : i32
    return %arg0, %c0_i32 : i32, i32
  }
  func.func @transform_1(%arg0: i32) -> (i32, i32, i32) {
    %c0_i32 = arith.constant 0 : i32
    %c0_i32_0 = arith.constant 0 : i32
    %c0_i32_1 = arith.constant 0 : i32
    return %c0_i32, %arg0, %c0_i32_0 : i32, i32, i32
  }
  func.func @transform_2(%arg0: i32) -> (i32, i32, i32) {
    %c0_i32 = arith.constant 0 : i32
    %c0_i32_0 = arith.constant 0 : i32
    %c0_i32_1 = arith.constant 0 : i32
    return %c0_i32, %arg0, %c0_i32_0 : i32, i32, i32
  }
  func.func @transform_3(%arg0: i32) -> (i32, i32) {
    %c0_i32 = arith.constant 0 : i32
    %c0_i32_0 = arith.constant 0 : i32
    %c0_i32_1 = arith.constant 0 : i32
    return %c0_i32, %c0_i32_0 : i32, i32
  }
  func.func @transform_4(%arg0: i32) -> (i32, i32) {
    %c0_i32 = arith.constant 0 : i32
    %c0_i32_0 = arith.constant 0 : i32
    %c0_i32_1 = arith.constant 0 : i32
    return %c0_i32, %c0_i32_0 : i32, i32
  }
  func.func @transform_5(%arg0: i32) -> (i32, i32) {
    %c0_i32 = arith.constant 0 : i32
    %c0_i32_0 = arith.constant 0 : i32
    %c0_i32_1 = arith.constant 0 : i32
    return %c0_i32, %c0_i32_0 : i32, i32
  }
  func.func @transform_6(%arg0: i32) -> (i32, i32) {
    %c0_i32 = arith.constant 0 : i32
    %c0_i32_0 = arith.constant 0 : i32
    %c0_i32_1 = arith.constant 0 : i32
    return %c0_i32, %c0_i32_0 : i32, i32
  }
  func.func @transform_7(%arg0: i32) -> (i32, i32) {
    %c0_i32 = arith.constant 0 : i32
    %c0_i32_0 = arith.constant 0 : i32
    %c0_i32_1 = arith.constant 0 : i32
    return %c0_i32, %c0_i32_0 : i32, i32
  }
  func.func @transform_8(%arg0: i32) -> (i32, i32) {
    %c0_i32 = arith.constant 0 : i32
    %c0_i32_0 = arith.constant 0 : i32
    %c0_i32_1 = arith.constant 0 : i32
    return %c0_i32, %c0_i32_0 : i32, i32
  }
  func.func @transform_9(%arg0: i32) -> (i32, i32) {
    %c0_i32 = arith.constant 0 : i32
    %c0_i32_0 = arith.constant 0 : i32
    return %arg0, %c0_i32 : i32, i32
  }
}

</mosaic_0001>

<sc_bundles>
// kernel: kernel.4.cloned.1.call-start
scs
__scs_entry_jumppad:
0x0: {  	(pc) =	sbr.rel $0x88, $3  }
0x1: {  	(tag) =	ssettag $0x0;
	lr =	simm.s32 $0x1  }
0x2: {  	[smem:$0x3F99] =	sst lr;
	_ =	strace $0xD0000000  }
0x3: {  	_ = 	snop  }
0x4: {  	_ = 	snop  }
0x5: {  	_ = 	snop  }
0x6: {  	_ = 	snop  }
0x7: {  	_ = 	snop  }
__scs_overlays_trampoline_lowered:
0x8: {  	[smem:$0x3FA8] =	sst s0  }
0x9: {  	[smem:$0x3FA9] =	sst s1  }
0xa: {  	[smem:$0x3FAA] =	sst s2  }
0xb: {  	[smem:$0x3FAB] =	sst s3  }
0xc: {  	[smem:$0x3FAC] =	sst s4  }
0xd: {  	[smem:$0x3FAD] =	sst s5  }
0xe: {  	[smem:$0x3FAE] =	sst s6  }
0xf: {  	[smem:$0x3FAF] =	sst s7  }
0x10: {  	[smem:$0x3FB0] =	sst s8  }
0x11: {  	[smem:$0x3FB1] =	sst s9;
	s0 =	simm.s32 @!p0 $0x0  }
0x12: {  	s1 =	sld [smem:$0x3F97];
	s0 =	simm.s32 @p0 $0x1  }
0x13: {  	[smem:$0x3FB2] =	sst s0;
	s0 =	simm.s32 @!p1 $0x0  }
0x14: {  	s2 =	sld [smem:$0x3F96];
	s0 =	simm.s32 @p1 $0x1  }
0x15: {  	[smem:$0x3FB3] =	sst s0;
	s0 =	simm.s32 @!p2 $0x0  }
0x16: {  	s3 =	sld [smem:$0x3FDB];
	s0 =	simm.s32 @p2 $0x1  }
0x17: {  	s4 =	simm.s32 $0x1BF5;
	[smem:$0x3FB5] =	sst s0  }
0x18: {  	s0 =	sld [smem:$0x3F98];
	_ =	swait.ge [sflag:s4], $0x0  }
0x19: {  	s7 =	sld [smem:$0x3F99]  }
0x1a: {  	s8 =	sadd.s32 $0xFFFFE003, lr  }
0x1b: {  	s9 =	sadd.s32 $0xFFFFFEF7, lr;
	s5 =	simm.s32 $0xFFFFFFFF;
	p2 =	slt.u32 s8, $0xFFFFF086  }
0x1c: {  	p1 =	slt.u32 s9, $0xF7A;
	s5 =	simm.s32 @!p2 $0x0  }
0x1d: {  	s5 =	simm.s32 @p1 $0x1;
	p0 =	seq.s32 s7, s2  }
0x1e: {  	s7 =	smul.u32 @!p0 $0xF7A, s2;
	p2 =	seq.s32 @!p0 s5, $0x0  }
0x1f: {  	s9 =	smul.u32 $0xF7A, s1;
	s8 =	simm.s32 @!p0 $0x1BF5;
	p2 =	por !p2, p0  }
0x20: {  	[sflag:s8] =	ssyncset.s32 @!p0 $0xFFFFF086;
	s6 =	sadd.s32 @!p0 s3, s7;
	s7 =	simm.s32 @!p0 $0x108  }
0x21: {  	s3 =	sadd.s32 s3, s9;
	s6 =	sadd.s32 @!p0 $0x88, s6;
	s7 =	simm.s32 @p2 $0x1082  }
0x22: {  	[simem:s7], [sflag:s8] =	dma.local @!p0 [hbm:s6], $0xF7A  }
0x23: {  	s9 =	sor.u32 $0xD0000000, s2;
	s6 =	simm.s32 $0x108;
	_ =	swait.ge @!p0 [sflag:s8], $0x0  }
0x24: {  	s3 =	sadd.s32 $0x88, s3;
	s6 =	simm.s32 @!p1 $0x1082;
	[sflag:s4] =	ssyncset.s32 $0xFFFFF086  }
0x25: {  	[simem:s6], [sflag:s4] =	dma.local [hbm:s3], $0xF7A  }
0x26: {  	[smem:$0x3F99] =	sst s1;
	(tag) =	ssettag s2;
	_ =	strace s9  }
0x27: {  	s1 =	sld [smem:$0x3FA9]  }
0x28: {  	s2 =	sld [smem:$0x3FAA]  }
0x29: {  	s4 =	sld [smem:$0x3FAC]  }
0x2a: {  	p0 =	seq.s32 s5, $0x0;
	s5 =	sld [smem:$0x3FAD]  }
0x2b: {  	s6 =	sld [smem:$0x3FAE]  }
0x2c: {  	s7 =	sld [smem:$0x3FAF]  }
0x2d: {  	s3 =	simm.s32 $0x108;
	s8 =	sld [smem:$0x3FB0]  }
0x2e: {  	s3 =	simm.s32 @!p0 $0x1082;
	s9 =	sld [smem:$0x3FB1]  }
0x2f: {  	lr =	sadd.s32 s0, s3;
	s0 =	sld [smem:$0x3FA8]  }
0x30: {  	s3 =	sld [smem:$0x3FAB]  }
0x31: {  	[smem:$0x3FB4] =	sst s10  }
0x32: {  	s10 =	sld [smem:$0x3FB2];
	_ =	sdelay $0x3  }
0x33: {  	p0 =	seq.s32 s10, $0x1;
	s10 =	sld [smem:$0x3FB4];
	_ =	sdelay $0x3  }
0x34: {  	[smem:$0x3FB4] =	sst s10  }
0x35: {  	s10 =	sld [smem:$0x3FB3];
	_ =	sdelay $0x3  }
0x36: {  	p1 =	seq.s32 s10, $0x1;
	s10 =	sld [smem:$0x3FB4];
	_ =	sdelay $0x3  }
0x37: {  	[smem:$0x3FB4] =	sst s10  }
0x38: {  	s10 =	sld [smem:$0x3FB5]  }
0x39: {  	_ = 	snop;
	(pc) =	sbr.ind lr, $3  }
0x3a: {  	_ = 	snop  }
0x3b: {  	_ = 	snop  }
0x3c: {  	p2 =	seq.s32 s10, $0x1;
	s10 =	sld [smem:$0x3FB4]  }
0x3d: {  	_ =	shalt  }
0x3e: {  	_ =	shalt  }
0x3f: {  	_ =	shalt  }
0x40: {  	_ =	shalt  }
0x41: {  	_ =	shalt  }
0x42: {  	_ =	shalt  }
0x43: {  	_ =	shalt  }
0x44: {  	_ =	shalt  }
0x45: {  	_ =	shalt  }
0x46: {  	_ =	shalt  }
0x47: {  	_ =	shalt  }
0x48: {  	_ =	shalt  }
0x49: {  	_ =	shalt  }
0x4a: {  	_ =	shalt  }
0x4b: {  	_ =	shalt  }
0x4c: {  	_ =	shalt  }
0x4d: {  	_ =	shalt  }
0x4e: {  	_ =	shalt  }
0x4f: {  	_ =	shalt  }
0x50: {  	_ =	shalt  }
0x51: {  	_ =	shalt  }
0x52: {  	_ =	shalt  }
0x53: {  	_ =	shalt  }
0x54: {  	_ =	shalt  }
0x55: {  	_ =	shalt  }
0x56: {  	_ =	shalt  }
0x57: {  	_ =	shalt  }
0x58: {  	_ =	shalt  }
0x59: {  	_ =	shalt  }
0x5a: {  	_ =	shalt  }
0x5b: {  	_ =	shalt  }
0x5c: {  	_ =	shalt  }
0x5d: {  	_ =	shalt  }
0x5e: {  	_ =	shalt  }
0x5f: {  	_ =	shalt  }
0x60: {  	_ =	shalt  }
0x61: {  	_ =	shalt  }
0x62: {  	_ =	shalt  }
0x63: {  	_ =	shalt  }
0x64: {  	_ =	shalt  }
0x65: {  	_ =	shalt  }
0x66: {  	_ =	shalt  }
0x67: {  	_ =	shalt  }
0x68: {  	_ =	shalt  }
0x69: {  	_ =	shalt  }
0x6a: {  	_ =	shalt  }
0x6b: {  	_ =	shalt  }
0x6c: {  	_ =	shalt  }
0x6d: {  	_ =	shalt  }
0x6e: {  	_ =	shalt  }
0x6f: {  	_ =	shalt  }
0x70: {  	_ =	shalt  }
0x71: {  	_ =	shalt  }
0x72: {  	_ =	shalt  }
0x73: {  	_ =	shalt  }
0x74: {  	_ =	shalt  }
0x75: {  	_ =	shalt  }
0x76: {  	_ =	shalt  }
0x77: {  	_ =	shalt  }
0x78: {  	_ =	shalt  }
0x79: {  	_ =	shalt  }
0x7a: {  	_ =	shalt  }
0x7b: {  	_ =	shalt  }
0x7c: {  	_ =	shalt  }
0x7d: {  	_ =	shalt  }
0x7e: {  	_ =	shalt  }
0x7f: {  	_ =	shalt  }
0x80: {  	_ =	shalt  }
0x81: {  	_ =	shalt  }
0x82: {  	_ =	shalt  }
0x83: {  	_ =	shalt  }
0x84: {  	_ =	shalt  }
0x85: {  	_ =	shalt  }
0x86: {  	_ =	shalt  }
0x87: {  	_ =	shalt  }
.Lfunc_end0:
.L_simem_size_0:
called_computation_lowered:
.L_overlay_start_0:
0x88: {  	s2 =	sld [smem:$0x3FD9]  }
0x89: {  	s3 =	sld [smem:$0x3FFE];
	_ =	sdelay $0x1  }
0x8a: {  	s1 =	srdreg.scid  }
0x8b: {  	s0 =	sand.u32 $0x1, s1  }
0x8c: {  	s17 =	sshll.u32 s0, $0xA;
	s2 =	sadd.s32 s3, s2  }
0x8d: {  	s2 =	sadd.s32 s2, s17  }
0x8e: {  	[smem:$0x3FC0] =	sst s2  }
0x8f: {  	_ = 	snop  }
0x90: {  	s2 =	sld [smem:$0x3FD0];
	(tm) =	ssettm $0x1  }
0x91: {  	s18 =	sld [smem:$0x3FFB];
	_ =	sdelay $0x3  }
0x92: {  	_ =	strace s18  }
0x93: {  	s3 =	sld [smem:$0x3FFC];
	_ =	sdelay $0x3  }
0x94: {  	_ =	strace s3  }
0x95: {  	s3 =	sld [smem:$0x3FFD];
	_ =	sdelay $0x3  }
0x96: {  	_ =	strace s3  }
0x97: {  	_ =	strace $0x8FFFFFFF  }
0x98: {  	s19 =	sld [smem:$0x3FDB];
	_ =	sdelay $0x1  }
0x99: {  	s4 =	simm.s32 $_scs_section_size  }
0x9a: {  	s5 =	simm.s32 $_size__tile_overlayer_lowered;
	s6 =	simm.s32 $_tile_overlayer_lowered  }
0x9b: {  	s22 =	simm.s32 $0x1BFF;
	s21 =	sshll.u32 s6, $0x1;
	s3 =	sadd.s32 s4, s19  }
0x9c: {  	s7 =	simm.s32 $0x0;
	s20 =	sshll.u32 s5, $0x1;
	s5 =	sadd.s32 s21, s3  }
0x9d: {  	[timem:s7], [sflag:s22] =	dma.local [hbm:s5], s20  }
0x9e: {  	_ =	swait.ge [sflag:s22], s20  }
0x9f: {  	s4 =	ssub.s32 $0x0, s20;
	[sflag:s22] =	ssyncset.done $0x0  }
0xa0: {  	[sflag:s22] =	ssyncadd.s32 s4;
	_ =	sdelay $0x1  }
0xa1: {  	s23 =	simm.s32 $0x1B8B  }
0xa2: {  	_ =	swait.ge [sflag:s23], $0x1  }
0xa3: {  	[sflag:s23] =	ssyncset.done $0x0  }
0xa4: {  	s25 =	simm.s32 $0x1B8E;
	s24 =	sld [smem:$0x3FFE];
	[sflag:s23] =	ssyncadd.s32 $0xFFFFFFFF  }
0xa5: {  	s26 =	simm.s32 $execute0_lowered;
	[smem:$0x3FD2] =	sst s25  }
0xa6: {  	s5 =	sshll.u32 s26, $0x1;
	_ =	strace $0x80000046;
	[dreg:$0x1] =	wrdreg $0xFFFFFFFF  }
0xa7: {  	s28 =	simm.s32 $_size_execute0_lowered;
	s3 =	sadd.s32 s3, s5;
	[dreg:$0x0] =	wrdreg $0x0  }
0xa8: {  	s5 =	sshll.u32 s28, $0x1;
	[dreg:$0x2] =	wrdreg s3  }
0xa9: {  	[dreg:$0x3] =	wrdreg s5  }
0xaa: {  	[dreg:$0x4] =	wrdreg $0xC0  }
0xab: {  	_ =	task [dreg:s7], $0x5FFFF  }
0xac: {  	[dreg:$0x1] =	wrdreg $0xFFFFFFFF  }
0xad: {  	[dreg:$0x0] =	wrdreg $0x60  }
0xae: {  	[dreg:$0x2] =	wrdreg s24  }
0xaf: {  	[dreg:$0x3] =	wrdreg s2  }
0xb0: {  	[dreg:$0x4] =	wrdreg $0x135000  }
0xb1: {  	[dreg:$0x5] =	wrdreg $0x1D5000  }
0xb2: {  	[dreg:$0x6] =	wrdreg $0x9  }
0xb3: {  	_ =	task.clear_ibuf [dreg:s7], $0x7FFFF;
	_ =	strace $0x90000046  }
0xb4: {  	s29 =	simm.s32 $0x9;
	_ =	strace $0x80000048  }
0xb5: {  	_ =	swait.ge [sflag:s29], $0x1  }
0xb6: {  	[sflag:s29] =	ssyncadd.s32 $0xFFFFFFFF  }
0xb7: {  	_ =	strace $0x90000048  }
0xb8: {  	_ =	sfence  }
0xb9: {  	s30 =	sld [smem:$0x0];
	_ =	sdelay $0x2  }
0xba: {  	s31 =	sshll.u32 s1, $0xD;
	s1 =	sshrl.u32 s1, $0x2  }
0xbb: {  	s3 =	sand.u32 $0x4000, s31;
	s1 =	sadd.s32 s1, s30  }
0xbc: {  	s0 =	sor.u32 s3, s0;
	s1 =	sshll.u32 s1, $0x11  }
0xbd: {  	s0 =	sor.u32 s1, s0  }
0xbe: {  	s0 =	sadd.s32 $0x8F2B, s0  }
0xbf: {  	[sflag:s0] =	ssyncadd.remote.s32 $0x1  }
0xc0: {  	_ =	sfence.sel $0xFFFF  }
0xc1: {  	[dreg:$0x0] =	wrdreg $0xFFFFFFFF;
	(pc) =	sbr.abs _section_cstart, $3  }
0xc2: {  	[dreg:$0x1] =	wrdreg $0xFFFFFFFF  }
0xc3: {  	_ =	task.clear_ibuf [dreg:s7], $0x2FFFF;
	_ =	strace $0x9FFFFFFF  }
0xc4: {  	(tm) =	ssettm $0x7FFFFFFF  }
0xc5: {  	_ =	shalt  }
tec
execute0_lowered:
.L_overlay_start_1:
0x0: {  	(tag) =	ssettag $0x1  }
0x1: {  	s0 =	rddreg [dreg:$0x0];
	s16 =	stileid.u32  }
0x2: {  	s1 =	rddreg [dreg:$0x1];
	s7 =	smul.u32 $0x9C0, s16  }
0x3: {  	s2 =	rddreg [dreg:$0x2];
	s9 =	smul.u32 $0xA000, s16  }
0x4: {  	s6 =	rddreg [dreg:$0x3];
	s13 =	smul.u32 $0x2800, s16  }
0x5: {  	s4 =	srdreg.scid;
	s3 =	simm.s32 $0x0;
	s21 =	smul.u32 $0x28000, s16  }
0x6: {  	s8 =	sand.u32 $0x1, s4;
	[smem:$0x7FF] =	sst s3;
	s23 =	smul.u32 $0xA00, s16  }
0x7: {  	s4 =	sadd.s32 $0x29400, s0;
	s5 =	sadd.s32 $0x15A00, s0;
	s10 =	smul.u32 $0xA0000, s8  }
0x8: {  	s12 =	sshll.u32 s16, $0x4;
	_ =	strace $0x80000047;
	s11 =	smul.u32 $0x28000, s8  }
0x9: {  	s14 =	sadd.s32 s12, s0;
	s18 =	ssub.s32 $0x2, s8;
	s1 =	sadd.s32 s1, s12  }
0xa: {  	s7 =	sadd.s32 s7, s0;
	s20 =	sshrl.u32 s18, $0x1;
	[dreg:$0x7] =	wrdreg s1  }
0xb: {  	s24 =	sadd.s32 $0x15800, s14;
	s26 =	sshrl.u32 s9, $0x2;
	s11 =	sadd.s32 s13, s11  }
0xc: {  	s22 =	sadd.s32 $0xBC00, s7;
	s7 =	sadd.s32 $0x2000, s7;
	[dreg:$0x8] =	wrdreg s24  }
0xd: {  	s13 =	sadd.s32 s26, s6;
	s19 =	sshrl.u32 s11, $0x3;
	[dreg:$0x5] =	wrdreg s22  }
0xe: {  	s11 =	ssub.s32 s18, s20;
	[dreg:$0x6] =	wrdreg s7;
	s7 =	sshrl.u32 s23, $0x2  }
0xf: {  	[dreg:$0x9] =	wrdreg s13;
	s12 =	sadd.s32 s7, s6;
	s26 =	smax.u32 s11, $0x1  }
0x10: {  	s10 =	sadd.s32 s9, s10;
	s14 =	sadd.s32 $0x2800, s12;
	[dreg:$0x14] =	wrdreg s26  }
0x11: {  	s10 =	sshrl.u32 s10, $0x3;
	s17 =	sadd.s32 $0x5000, s12;
	[dreg:$0xa] =	wrdreg s14  }
0x12: {  	s15 =	sadd.s32 s10, s0;
	s18 =	sadd.s32 $0x7800, s12;
	[dreg:$0xb] =	wrdreg s17  }
0x13: {  	s0 =	sadd.s32 s19, s0;
	s19 =	sadd.s32 $0xA000, s12;
	[dreg:$0xc] =	wrdreg s18  }
0x14: {  	s20 =	sadd.s32 $0xC800, s12;
	[dreg:$0xd] =	wrdreg s19  }
0x15: {  	s25 =	sshrl.u32 s21, $0x2;
	s21 =	sadd.s32 $0xF000, s12;
	[dreg:$0xe] =	wrdreg s20  }
0x16: {  	s22 =	sadd.s32 $0x11800, s12;
	[dreg:$0xf] =	wrdreg s21  }
0x17: {  	s23 =	sadd.s32 $0x14000, s12;
	[dreg:$0x10] =	wrdreg s22  }
0x18: {  	s10 =	sadd.s32 s25, s2;
	s24 =	sadd.s32 $0x3CE00, s15;
	[dreg:$0x11] =	wrdreg s23  }
0x19: {  	s25 =	sadd.s32 s9, s2;
	s0 =	sadd.s32 $0x64E00, s0;
	[dreg:$0x12] =	wrdreg s24  }
0x1a: {  	s6 =	sshrl.u32 s25, $0x3;
	[dreg:$0x13] =	wrdreg s0  }
0x1b: {  	s29 =	simm.s32 $0x4;
	s7 =	sadd.s32 $0x16800, s12;
	[dreg:$0x15] =	wrdreg s6  }
0x1c: {  	s30 =	simm.s32 $0x80;
	s9 =	sadd.s32 $0x1B800, s12;
	[dreg:$0x16] =	wrdreg s7  }
0x1d: {  	s31 =	simm.s32 $0x9D00;
	s11 =	sadd.s32 $0x1E000, s12;
	[dreg:$0x18] =	wrdreg s9  }
0x1e: {  	p0 =	seq.s32 s8, $0x0;
	s13 =	sadd.s32 $0x20800, s12;
	[dreg:$0x19] =	wrdreg s11  }
0x1f: {  	p1 =	sne.s32 s8, $0x0;
	s15 =	sadd.s32 $0x25800, s12;
	[dreg:$0x1a] =	wrdreg s13  }
0x20: {  	s1 =	simm.s32 $0x3;
	s25 =	sadd.s32 $0x4800, s10;
	[dreg:$0x1c] =	wrdreg s15  }
0x21: {  	s26 =	sadd.s32 $0x5000, s10;
	s28 =	sadd.s32 $0x9800, s10;
	[smem:$0x7FC] =	sst s25  }
0x22: {  	s19 =	smov.u32 s5;
	s14 =	sadd.s32 $0x23000, s12;
	[smem:$0x7FD] =	sst s26  }
0x23: {  	s17 =	sadd.s32 $0x1000, s10;
	s18 =	sadd.s32 $0x1800, s10;
	[dreg:$0x1b] =	wrdreg s14  }
0x24: {  	s20 =	sadd.s32 $0x2000, s10;
	s21 =	sadd.s32 $0x2800, s10;
	[dreg:$0x1e] =	wrdreg s17  }
0x25: {  	s22 =	sadd.s32 $0x3000, s10;
	s23 =	sadd.s32 $0x3800, s10;
	[dreg:$0x1f] =	wrdreg s18  }
0x26: {  	s24 =	sadd.s32 $0x4000, s10;
	s25 =	sadd.s32 $0x8800, s10;
	[smem:$0x7F7] =	sst s20  }
0x27: {  	s26 =	sadd.s32 $0x9000, s10;
	s0 =	simm.s32 $0xDD00;
	[smem:$0x7F8] =	sst s21  }
0x28: {  	s6 =	simm.s32 $0xBD00;
	s7 =	simm.s32 $0x1;
	[smem:$0x7F9] =	sst s22  }
0x29: {  	s9 =	simm.s32 $0x0;
	s19 =	smov.u32 @p0 s4;
	[smem:$0x7FA] =	sst s23  }
0x2a: {  	p0 =	sgt.u32 s16, $0x3;
	s16 =	sadd.s32 $0x800, s10;
	[smem:$0x7FB] =	sst s24  }
0x2b: {  	s18 =	sadd.s32 $0x5800, s10;
	s20 =	sadd.s32 $0x6000, s10;
	s21 =	sadd.s32 $0x6800, s10  }
0x2c: {  	s22 =	sadd.s32 $0x7000, s10;
	s23 =	sadd.s32 $0x7800, s10;
	s24 =	sadd.s32 $0x8000, s10  }
0x2d: {  	v0 =	vimm.s32 $0x0;
	v3 =	vlaneseq.u32;
	p2 =	sne.s32 @!p0 s8, $0x0;
	s8 =	sadd.s32 $0x19000, s12;
	[dreg:$0x1d] =	wrdreg s16  }
0x2e: {  	v1 =	vimm.s32 $0x2710;
	v2 =	vimm.f32 $0.0e+00;
	v3 =	vmul.u32 $0x10, v3;
	p2 =	por p2, p0;
	[dreg:$0x17] =	wrdreg s8;
	s8 =	simm.s32 $0xE500  }
.LBB2_1:
0x2f: {  	s11 =	rddreg [dreg:$0x5]  }
0x30: {  	[tilespmem:s3], [sflag:$0x4] =	stream.linear.gather [hbm4b:s11+s3], $0x4E00, $0x38;
	[tilespmem:$0x1FD00] =	vst v63  }
0x31: {  	_ =	swait.ge [sflag:s29], $0x4E00  }
0x32: {  	[sflag:s29] =	ssyncset.done $0x0  }
0x33: {  	s13 =	simm.s32 $0x4E80;
	s17 =	rddreg [dreg:$0x6];
	[sflag:s29] =	ssyncadd.s32 $0xFFFFB200  }
0x34: {  	[tilespmem:s13], [sflag:$0x4] =	stream.linear.gather [hbm4b:s17+s3], $0x4E00, $0x38;
	[tilespmem:$0x1FD00] =	vst v63  }
0x35: {  	_ =	swait.ge [sflag:s29], $0x4E00  }
0x36: {  	[sflag:s29] =	ssyncset.done $0x0  }
0x37: {  	[sflag:s29] =	ssyncadd.s32 $0xFFFFB200  }
0x38: {  	[tilespmem:$0x4E00] =	vst v0  }
0x39: {  	[tilespmem:$0x9C80] =	vst v1  }
0x3a: {  	[tilespmem:$0x4E10] =	vst v0  }
0x3b: {  	[tilespmem:$0x9C90] =	vst v1  }
0x3c: {  	[tilespmem:$0x4E20] =	vst v0  }
0x3d: {  	[tilespmem:$0x9CA0] =	vst v1  }
0x3e: {  	[tilespmem:$0x4E30] =	vst v0  }
0x3f: {  	[tilespmem:$0x9CB0] =	vst v1  }
0x40: {  	[tilespmem:$0x4E40] =	vst v0  }
0x41: {  	[tilespmem:$0x9CC0] =	vst v1  }
0x42: {  	[tilespmem:$0x4E50] =	vst v0  }
0x43: {  	[tilespmem:$0x9CD0] =	vst v1  }
0x44: {  	[tilespmem:$0x4E60] =	vst v0  }
0x45: {  	[tilespmem:$0x9CE0] =	vst v1  }
0x46: {  	[tilespmem:$0x4E70] =	vst v0  }
0x47: {  	s11 =	simm.s32 @!p0 $0x0;
	s13 =	simm.s32 @!p0 $0x4E00;
	s14 =	rddreg [dreg:$0x7];
	[tilespmem:$0x9CF0] =	vst v1  }
0x48: {  	[tilespmem:s13], [sflag:$0x4] =	stream.linear.gather @!p0 [hbm4b:s14+s11], $0x80, $0x38;
	[tilespmem:$0x1FD00] =	vst v63  }
0x49: {  	s13 =	simm.s32 @!p0 $0x4  }
0x4a: {  	_ =	swait.ge @!p0 [sflag:s13], $0x80  }
0x4b: {  	[sflag:s13] =	ssyncset.done @!p0 $0x0  }
0x4c: {  	s14 =	simm.s32 @!p0 $0x9C80;
	s15 =	rddreg [dreg:$0x8];
	[sflag:s13] =	ssyncadd.s32 @!p0 $0xFFFFFF80  }
0x4d: {  	[tilespmem:s14], [sflag:$0x4] =	stream.linear.gather @!p0 [hbm4b:s15+s11], $0x80, $0x38;
	[tilespmem:$0x1FD00] =	vst v63  }
0x4e: {  	_ =	swait.ge @!p0 [sflag:s13], $0x80  }
0x4f: {  	[sflag:s13] =	ssyncset.done @!p0 $0x0  }
0x50: {  	s11 =	simm.s32 $0x0;
	[sflag:s13] =	ssyncadd.s32 @!p0 $0xFFFFFF80  }
0x51: {  	[tilespmem:s31], [sflag:$0x1] =	stream.indirect.gather [hbm4b:s19+s30], $0x40, s3, s30, $0xb8;
	[tilespmem:$0x1FD00] =	vst v63  }
.LBB2_2:
0x52: {  	p3 =	sne.s32 s11, $0x1F00  }
.Ltmp0:
0x53: {  	s13 =	sshra.s32 s11, $0x2;
	(pc) =	sbr.rel @p3 .LBB2_2-.Ltmp0, $4  }
0x54: {  	[tilespmem:s13+$0xDD00] =	vst v2  }
0x55: {  	[tilespmem:s13+$0xDD10] =	vst v2  }
0x56: {  	[tilespmem:s13+$0xDD20] =	vst v2  }
0x57: {  	s11 =	sadd.s32 $0x100, s11;
	[tilespmem:s13+$0xDD30] =	vst v2  }
0x58: {  	s11 =	simm.s32 $0x40;
	s13 =	simm.s32 $0x0  }
.LBB2_4:
0x59: {  	p3 =	sne.s32 s11, $0x9FC0;
	[tilespmem:s13+$0xE500] =	vst v2;
	s13 =	smov.u32 s11;
	s11 =	sadd.s32 $0x40, s11  }
.Ltmp1:
0x5a: {  	(pc) =	sbr.rel @p3 .LBB2_4-.Ltmp1, $2  }
0x5b: {  	_ =	sdelay $0x2  }
0x5c: {  	s13 =	sshra.s32 s13, $0x2  }
0x5d: {  	[tilespmem:s13+$0xE500] =	vst v2;
	s11 =	rddreg [dreg:$0x1d]  }
0x5e: {  	[spmem:s10] =	stream.linear.scatter [tilespmem:s0], [sflag:$0x3], $0x800, $0x38;
	[tilespmem:$0x1FD00] =	vst v63  }
0x5f: {  	s14 =	rddreg [dreg:$0x1e]  }
0x60: {  	[spmem:s11] =	stream.linear.scatter [tilespmem:s0], [sflag:$0x3], $0x800, $0x38;
	[tilespmem:$0x1FD00] =	vst v63  }
0x61: {  	s15 =	rddreg [dreg:$0x1f]  }
0x62: {  	[spmem:s14] =	stream.linear.scatter [tilespmem:s0], [sflag:$0x3], $0x800, $0x38;
	[tilespmem:$0x1FD00] =	vst v63  }
0x63: {  	s16 =	sld [smem:$0x7F7]  }
0x64: {  	[spmem:s15] =	stream.linear.scatter [tilespmem:s0], [sflag:$0x3], $0x800, $0x38;
	[tilespmem:$0x1FD00] =	vst v63  }
0x65: {  	s17 =	sld [smem:$0x7F8]  }
0x66: {  	[spmem:s16] =	stream.linear.scatter [tilespmem:s0], [sflag:$0x3], $0x800, $0x38;
	[tilespmem:$0x1FD00] =	vst v63  }
0x67: {  	s13 =	sld [smem:$0x7F9]  }
0x68: {  	[spmem:s17] =	stream.linear.scatter [tilespmem:s0], [sflag:$0x3], $0x800, $0x38;
	[tilespmem:$0x1FD00] =	vst v63  }
0x69: {  	s14 =	sld [smem:$0x7FA]  }
0x6a: {  	[spmem:s13] =	stream.linear.scatter [tilespmem:s0], [sflag:$0x3], $0x800, $0x38;
	[tilespmem:$0x1FD00] =	vst v63  }
0x6b: {  	s15 =	sld [smem:$0x7FB]  }
0x6c: {  	[spmem:s14] =	stream.linear.scatter [tilespmem:s0], [sflag:$0x3], $0x800, $0x38;
	[tilespmem:$0x1FD00] =	vst v63  }
0x6d: {  	s16 =	sld [smem:$0x7FC]  }
0x6e: {  	[spmem:s15] =	stream.linear.scatter [tilespmem:s0], [sflag:$0x3], $0x800, $0x38;
	[tilespmem:$0x1FD00] =	vst v63  }
0x6f: {  	s17 =	sld [smem:$0x7FD]  }
0x70: {  	[spmem:s16] =	stream.linear.scatter [tilespmem:s0], [sflag:$0x3], $0x800, $0x38;
	[tilespmem:$0x1FD00] =	vst v63  }
0x71: {  	_ = 	snop  }
0x72: {  	[spmem:s17] =	stream.linear.scatter [tilespmem:s0], [sflag:$0x3], $0x800, $0x38;
	[tilespmem:$0x1FD00] =	vst v63  }
0x73: {  	_ = 	snop  }
0x74: {  	[spmem:s18] =	stream.linear.scatter [tilespmem:s0], [sflag:$0x3], $0x800, $0x38;
	[tilespmem:$0x1FD00] =	vst v63  }
0x75: {  	_ = 	snop  }
0x76: {  	[spmem:s20] =	stream.linear.scatter [tilespmem:s0], [sflag:$0x3], $0x800, $0x38;
	[tilespmem:$0x1FD00] =	vst v63  }
0x77: {  	_ = 	snop  }
0x78: {  	[spmem:s21] =	stream.linear.scatter [tilespmem:s0], [sflag:$0x3], $0x800, $0x38;
	[tilespmem:$0x1FD00] =	vst v63  }
0x79: {  	_ = 	snop  }
0x7a: {  	[spmem:s22] =	stream.linear.scatter [tilespmem:s0], [sflag:$0x3], $0x800, $0x38;
	[tilespmem:$0x1FD00] =	vst v63  }
0x7b: {  	_ = 	snop  }
0x7c: {  	[spmem:s23] =	stream.linear.scatter [tilespmem:s0], [sflag:$0x3], $0x800, $0x38;
	[tilespmem:$0x1FD00] =	vst v63  }
0x7d: {  	_ = 	snop  }
0x7e: {  	[spmem:s24] =	stream.linear.scatter [tilespmem:s0], [sflag:$0x3], $0x800, $0x38;
	[tilespmem:$0x1FD00] =	vst v63  }
0x7f: {  	_ = 	snop  }
0x80: {  	[spmem:s25] =	stream.linear.scatter [tilespmem:s0], [sflag:$0x3], $0x800, $0x38;
	[tilespmem:$0x1FD00] =	vst v63  }
0x81: {  	_ = 	snop  }
0x82: {  	[spmem:s26] =	stream.linear.scatter [tilespmem:s0], [sflag:$0x3], $0x800, $0x38;
	[tilespmem:$0x1FD00] =	vst v63  }
0x83: {  	_ = 	snop  }
0x84: {  	[spmem:s28] =	stream.linear.scatter [tilespmem:s0], [sflag:$0x3], $0x800, $0x38;
	[tilespmem:$0x1FD00] =	vst v63  }
0x85: {  	_ =	swait.ge [sflag:s1], $0x800  }
0x86: {  	[sflag:s1] =	ssyncset.done $0x0  }
0x87: {  	[sflag:s1] =	ssyncadd.s32 $0xFFFFF800  }
0x88: {  	_ =	swait.ge [sflag:s1], $0x800  }
0x89: {  	[sflag:s1] =	ssyncset.done $0x0  }
0x8a: {  	[sflag:s1] =	ssyncadd.s32 $0xFFFFF800  }
0x8b: {  	_ =	swait.ge [sflag:s1], $0x800  }
0x8c: {  	[sflag:s1] =	ssyncset.done $0x0  }
0x8d: {  	[sflag:s1] =	ssyncadd.s32 $0xFFFFF800  }
0x8e: {  	_ =	swait.ge [sflag:s1], $0x800  }
0x8f: {  	[sflag:s1] =	ssyncset.done $0x0  }
0x90: {  	[sflag:s1] =	ssyncadd.s32 $0xFFFFF800  }
0x91: {  	_ =	swait.ge [sflag:s1], $0x800  }
0x92: {  	[sflag:s1] =	ssyncset.done $0x0  }
0x93: {  	[sflag:s1] =	ssyncadd.s32 $0xFFFFF800  }
0x94: {  	_ =	swait.ge [sflag:s1], $0x800  }
0x95: {  	[sflag:s1] =	ssyncset.done $0x0  }
0x96: {  	[sflag:s1] =	ssyncadd.s32 $0xFFFFF800  }
0x97: {  	_ =	swait.ge [sflag:s1], $0x800  }
0x98: {  	[sflag:s1] =	ssyncset.done $0x0  }
0x99: {  	[sflag:s1] =	ssyncadd.s32 $0xFFFFF800  }
0x9a: {  	_ =	swait.ge [sflag:s1], $0x800  }
0x9b: {  	[sflag:s1] =	ssyncset.done $0x0  }
0x9c: {  	[sflag:s1] =	ssyncadd.s32 $0xFFFFF800  }
0x9d: {  	_ =	swait.ge [sflag:s1], $0x800  }
0x9e: {  	[sflag:s1] =	ssyncset.done $0x0  }
0x9f: {  	[sflag:s1] =	ssyncadd.s32 $0xFFFFF800  }
0xa0: {  	_ =	swait.ge [sflag:s1], $0x800  }
0xa1: {  	[sflag:s1] =	ssyncset.done $0x0  }
0xa2: {  	[sflag:s1] =	ssyncadd.s32 $0xFFFFF800  }
0xa3: {  	_ =	swait.ge [sflag:s1], $0x800  }
0xa4: {  	[sflag:s1] =	ssyncset.done $0x0  }
0xa5: {  	[sflag:s1] =	ssyncadd.s32 $0xFFFFF800  }
0xa6: {  	_ =	swait.ge [sflag:s1], $0x800  }
0xa7: {  	[sflag:s1] =	ssyncset.done $0x0  }
0xa8: {  	[sflag:s1] =	ssyncadd.s32 $0xFFFFF800  }
0xa9: {  	_ =	swait.ge [sflag:s1], $0x800  }
0xaa: {  	[sflag:s1] =	ssyncset.done $0x0  }
0xab: {  	[sflag:s1] =	ssyncadd.s32 $0xFFFFF800  }
0xac: {  	_ =	swait.ge [sflag:s1], $0x800  }
0xad: {  	[sflag:s1] =	ssyncset.done $0x0  }
0xae: {  	[sflag:s1] =	ssyncadd.s32 $0xFFFFF800  }
0xaf: {  	_ =	swait.ge [sflag:s1], $0x800  }
0xb0: {  	[sflag:s1] =	ssyncset.done $0x0  }
0xb1: {  	[sflag:s1] =	ssyncadd.s32 $0xFFFFF800  }
0xb2: {  	_ =	swait.ge [sflag:s1], $0x800  }
0xb3: {  	[sflag:s1] =	ssyncset.done $0x0  }
0xb4: {  	[sflag:s1] =	ssyncadd.s32 $0xFFFFF800  }
0xb5: {  	_ =	swait.ge [sflag:s1], $0x800  }
0xb6: {  	[sflag:s1] =	ssyncset.done $0x0  }
0xb7: {  	[sflag:s1] =	ssyncadd.s32 $0xFFFFF800  }
0xb8: {  	_ =	swait.ge [sflag:s1], $0x800  }
0xb9: {  	[sflag:s1] =	ssyncset.done $0x0  }
0xba: {  	[sflag:s1] =	ssyncadd.s32 $0xFFFFF800  }
0xbb: {  	_ =	swait.ge [sflag:s1], $0x800  }
0xbc: {  	[sflag:s1] =	ssyncset.done $0x0  }
0xbd: {  	[sflag:s1] =	ssyncadd.s32 $0xFFFFF800  }
0xbe: {  	_ =	swait.ge [sflag:s1], $0x800  }
0xbf: {  	[sflag:s1] =	ssyncset.done $0x0  }
0xc0: {  	[sflag:s1] =	ssyncadd.s32 $0xFFFFF800  }
0xc1: {  	s11 =	simm.s32 $0x0;
	[bflag:$0x0] =	sbarrier.arrive $0xFFFF  }
.LBB2_6:
0xc2: {  	s13 =	sshra.s32 s11, $0x2  }
0xc3: {  	s15 =	simm.s32 @p1 $0x80;
	s16 =	simm.s32 @p1 $0xBD00;
	s14 =	sadd.s32 $0x80, s13  }
0xc4: {  	[tilespmem:s16], [sflag:$0x2] =	stream.indirect.gather @p1 [hbm4b:s5+s15], $0x40, s14, s15, $0xb8;
	[tilespmem:$0x1FD00] =	vst v63  }
0xc5: {  	s16 =	simm.s32 @p1 $0x1  }
0xc6: {  	_ =	swait.ge @p1 [sflag:s16], $0x2000  }
0xc7: {  	[sflag:s16] =	ssyncset.done @p1 $0x0  }
0xc8: {  	s17 =	simm.s32 @!p1 $0xBD00;
	[sflag:s16] =	ssyncadd.s32 @p1 $0xFFFFE000;
	s16 =	simm.s32 @!p1 $0x80  }
0xc9: {  	[tilespmem:s17], [sflag:$0x2] =	stream.indirect.gather @!p1 [hbm4b:s4+s16], $0x40, s14, s16, $0xb8;
	[tilespmem:$0x1FD00] =	vst v63  }
0xca: {  	s14 =	sshra.s32 @!p1 s11, $0x2  }
0xcb: {  	v4 =	vld @!p1 [tilespmem:s14+$0x4E80];
	_ =	sdelay $0x6  }
0xcc: {  	v5 =	vimm.f32 @!p1 $1.000000000e+00;
	s17 =	simm.s32 @!p1 $0xE500  }
0xcd: {  	[tilespmem:v4+s17+$0x0] =	vst.idx.add.f32.msk @!p1 $0xffff, v5  }
0xce: {  	v4 =	vld @!p1 [tilespmem:s14+$0x4E90];
	_ =	sdelay $0x7  }
0xcf: {  	[tilespmem:v4+s17+$0x0] =	vst.idx.add.f32.msk @!p1 $0xffff, v5  }
0xd0: {  	v4 =	vld @!p1 [tilespmem:s14+$0x4EA0];
	_ =	sdelay $0x7  }
0xd1: {  	[tilespmem:v4+s17+$0x0] =	vst.idx.add.f32.msk @!p1 $0xffff, v5  }
0xd2: {  	v4 =	vld @!p1 [tilespmem:s14+$0x4EB0];
	_ =	sdelay $0x7  }
0xd3: {  	[tilespmem:v4+s17+$0x0] =	vst.idx.add.f32.msk @!p1 $0xffff, v5  }
0xd4: {  	v4 =	vld @!p1 [tilespmem:s14+$0x4EC0];
	_ =	sdelay $0x7  }
0xd5: {  	[tilespmem:v4+s17+$0x0] =	vst.idx.add.f32.msk @!p1 $0xffff, v5  }
0xd6: {  	v4 =	vld @!p1 [tilespmem:s14+$0x4ED0];
	_ =	sdelay $0x7  }
0xd7: {  	[tilespmem:v4+s17+$0x0] =	vst.idx.add.f32.msk @!p1 $0xffff, v5  }
0xd8: {  	v4 =	vld @!p1 [tilespmem:s14+$0x4EE0];
	_ =	sdelay $0x7  }
0xd9: {  	[tilespmem:v4+s17+$0x0] =	vst.idx.add.f32.msk @!p1 $0xffff, v5  }
0xda: {  	v4 =	vld @!p1 [tilespmem:s14+$0x4EF0];
	_ =	sdelay $0x7  }
0xdb: {  	s14 =	simm.s32 @!p1 $0x1;
	[tilespmem:v4+s17+$0x0] =	vst.idx.add.f32.msk @!p1 $0xffff, v5  }
0xdc: {  	_ =	swait.ge @!p1 [sflag:s14], $0x2000  }
0xdd: {  	[sflag:s14] =	ssyncset.done @!p1 $0x0  }
0xde: {  	s17 =	sadd.s32 $0x4E80, s13;
	[sflag:s14] =	ssyncadd.s32 @!p1 $0xFFFFE000  }
0xdf: {  	[spmem:s2] =	stream.indirect.scatter.add.f32 [tilespmem:s31], [sflag:$0x4], $0x40, s17, s30, $0xb8;
	[tilespmem:$0x1FD00] =	vst v63  }
0xe0: {  	_ =	swait.ge [sflag:s29], $0x2000  }
0xe1: {  	[sflag:s29] =	ssyncset.done $0x0  }
0xe2: {  	s14 =	sadd.s32 $0x100, s13;
	s17 =	simm.s32 @p1 $0x9D00;
	[sflag:s29] =	ssyncadd.s32 $0xFFFFE000  }
0xe3: {  	[tilespmem:s17], [sflag:$0x1] =	stream.indirect.gather @p1 [hbm4b:s5+s15], $0x40, s14, s15, $0xb8;
	[tilespmem:$0x1FD00] =	vst v63  }
0xe4: {  	s15 =	sshra.s32 @p1 s11, $0x2  }
0xe5: {  	v4 =	vld @p1 [tilespmem:s15+$0x4F00];
	_ =	sdelay $0x6  }
0xe6: {  	v5 =	vimm.f32 @p1 $1.000000000e+00;
	s17 =	simm.s32 @p1 $0xE500  }
0xe7: {  	[tilespmem:v4+s17+$0x0] =	vst.idx.add.f32.msk @p1 $0xffff, v5  }
0xe8: {  	v4 =	vld @p1 [tilespmem:s15+$0x4F10];
	_ =	sdelay $0x7  }
0xe9: {  	[tilespmem:v4+s17+$0x0] =	vst.idx.add.f32.msk @p1 $0xffff, v5  }
0xea: {  	v4 =	vld @p1 [tilespmem:s15+$0x4F20];
	_ =	sdelay $0x7  }
0xeb: {  	[tilespmem:v4+s17+$0x0] =	vst.idx.add.f32.msk @p1 $0xffff, v5  }
0xec: {  	v4 =	vld @p1 [tilespmem:s15+$0x4F30];
	_ =	sdelay $0x7  }
0xed: {  	[tilespmem:v4+s17+$0x0] =	vst.idx.add.f32.msk @p1 $0xffff, v5  }
0xee: {  	v4 =	vld @p1 [tilespmem:s15+$0x4F40];
	_ =	sdelay $0x7  }
0xef: {  	[tilespmem:v4+s17+$0x0] =	vst.idx.add.f32.msk @p1 $0xffff, v5  }
0xf0: {  	v4 =	vld @p1 [tilespmem:s15+$0x4F50];
	_ =	sdelay $0x7  }
0xf1: {  	[tilespmem:v4+s17+$0x0] =	vst.idx.add.f32.msk @p1 $0xffff, v5  }
0xf2: {  	v4 =	vld @p1 [tilespmem:s15+$0x4F60];
	_ =	sdelay $0x7  }
0xf3: {  	[tilespmem:v4+s17+$0x0] =	vst.idx.add.f32.msk @p1 $0xffff, v5  }
0xf4: {  	v4 =	vld @p1 [tilespmem:s15+$0x4F70];
	_ =	sdelay $0x7  }
0xf5: {  	s15 =	simm.s32 @p1 $0x2;
	[tilespmem:v4+s17+$0x0] =	vst.idx.add.f32.msk @p1 $0xffff, v5  }
0xf6: {  	_ =	swait.ge @p1 [sflag:s15], $0x2000  }
0xf7: {  	[sflag:s15] =	ssyncset.done @p1 $0x0  }
0xf8: {  	[sflag:s15] =	ssyncadd.s32 @p1 $0xFFFFE000;
	s15 =	simm.s32 @!p1 $0x9D00  }
0xf9: {  	[tilespmem:s15], [sflag:$0x1] =	stream.indirect.gather @!p1 [hbm4b:s4+s16], $0x40, s14, s16, $0xb8;
	[tilespmem:$0x1FD00] =	vst v63  }
0xfa: {  	s14 =	simm.s32 @!p1 $0x2  }
0xfb: {  	s11 =	sadd.s32 $0x400, s11;
	_ =	swait.ge @!p1 [sflag:s14], $0x2000  }
0xfc: {  	p3 =	sne.s32 s11, $0x13800;
	[sflag:s14] =	ssyncset.done @!p1 $0x0  }
.Ltmp2:
0xfd: {  	s13 =	sadd.s32 $0x4F00, s13;
	[sflag:s14] =	ssyncadd.s32 @!p1 $0xFFFFE000;
	(pc) =	sbr.rel @p3 .LBB2_6-.Ltmp2, $4  }
0xfe: {  	[spmem:s2] =	stream.indirect.scatter.add.f32 [tilespmem:s6], [sflag:$0x4], $0x40, s13, s30, $0xb8;
	[tilespmem:$0x1FD00] =	vst v63  }
0xff: {  	_ =	swait.ge [sflag:s29], $0x2000  }
0x100: {  	[sflag:s29] =	ssyncset.done $0x0  }
0x101: {  	[sflag:s29] =	ssyncadd.s32 $0xFFFFE000  }
0x102: {  	_ =	swait.ge [sflag:s7], $0x2000  }
0x103: {  	s11 =	simm.s32 @!p0 $0x80;
	[sflag:s7] =	ssyncset.done $0x0  }
0x104: {  	s13 =	simm.s32 @!p0 $0x9C80;
	s14 =	simm.s32 @!p0 $0x9D00;
	[sflag:s7] =	ssyncadd.s32 $0xFFFFE000  }
0x105: {  	[spmem:s2] =	stream.indirect.scatter.add.f32 @!p0 [tilespmem:s14], [sflag:$0x4], $0x40, s13, s11, $0xb8;
	[tilespmem:$0x1FD00] =	vst v63  }
0x106: {  	s11 =	simm.s32 @!p0 $0x4  }
0x107: {  	_ =	swait.ge @!p0 [sflag:s11], $0x2000  }
0x108: {  	[sflag:s11] =	ssyncset.done @!p0 $0x0  }
0x109: {  	[sflag:s11] =	ssyncadd.s32 @!p0 $0xFFFFE000  }
0x10a: {  	v4 =	vld @!p2 [tilespmem:$0x9C80];
	_ =	sdelay $0x6  }
0x10b: {  	v5 =	vimm.f32 @!p2 $1.000000000e+00;
	s11 =	simm.s32 @!p2 $0xE500  }
0x10c: {  	[tilespmem:v4+s11+$0x0] =	vst.idx.add.f32.msk @!p2 $0xffff, v5  }
0x10d: {  	v4 =	vld @!p2 [tilespmem:$0x9C90];
	_ =	sdelay $0x7  }
0x10e: {  	[tilespmem:v4+s11+$0x0] =	vst.idx.add.f32.msk @!p2 $0xffff, v5  }
0x10f: {  	v4 =	vld @!p2 [tilespmem:$0x9CA0];
	_ =	sdelay $0x7  }
0x110: {  	[tilespmem:v4+s11+$0x0] =	vst.idx.add.f32.msk @!p2 $0xffff, v5  }
0x111: {  	v4 =	vld @!p2 [tilespmem:$0x9CB0];
	_ =	sdelay $0x7  }
0x112: {  	[tilespmem:v4+s11+$0x0] =	vst.idx.add.f32.msk @!p2 $0xffff, v5  }
0x113: {  	v4 =	vld @!p2 [tilespmem:$0x9CC0];
	_ =	sdelay $0x7  }
0x114: {  	[tilespmem:v4+s11+$0x0] =	vst.idx.add.f32.msk @!p2 $0xffff, v5  }
0x115: {  	v4 =	vld @!p2 [tilespmem:$0x9CD0];
	_ =	sdelay $0x7  }
0x116: {  	[tilespmem:v4+s11+$0x0] =	vst.idx.add.f32.msk @!p2 $0xffff, v5  }
0x117: {  	v4 =	vld @!p2 [tilespmem:$0x9CE0];
	_ =	sdelay $0x7  }
0x118: {  	[tilespmem:v4+s11+$0x0] =	vst.idx.add.f32.msk @!p2 $0xffff, v5  }
0x119: {  	v4 =	vld @!p2 [tilespmem:$0x9CF0];
	_ =	sdelay $0x7  }
0x11a: {  	s17 =	rddreg [dreg:$0x9];
	[tilespmem:v4+s11+$0x0] =	vst.idx.add.f32.msk @!p2 $0xffff, v5  }
0x11b: {  	[spmem:s17] =	stream.linear.scatter [tilespmem:s8], [sflag:$0x4], $0x2800, $0x38;
	[tilespmem:$0x1FD00] =	vst v63  }
0x11c: {  	_ =	swait.ge [sflag:s29], $0x2800  }
0x11d: {  	[sflag:s29] =	ssyncset.done $0x0  }
0x11e: {  	[sflag:s29] =	ssyncadd.s32 $0xFFFFD800  }
0x11f: {  	s13 =	simm.s32 $0x10D00;
	[bflag:$0x0] =	sbarrier.arrive $0xFFFF  }
0x120: {  	[tilespmem:s13], [sflag:$0x4] =	stream.linear.gather [spmem:s12], $0x280, $0x38;
	[tilespmem:$0x1FD00] =	vst v63  }
0x121: {  	_ =	swait.ge [sflag:s29], $0x280  }
0x122: {  	[sflag:s29] =	ssyncset.done $0x0  }
0x123: {  	s15 =	simm.s32 $0x10F80;
	s14 =	rddreg [dreg:$0xa];
	[sflag:s29] =	ssyncadd.s32 $0xFFFFFD80  }
0x124: {  	[tilespmem:s15], [sflag:$0x4] =	stream.linear.gather [spmem:s14], $0x280, $0x38;
	[tilespmem:$0x1FD00] =	vst v63  }
0x125: {  	_ =	swait.ge [sflag:s29], $0x280  }
0x126: {  	[sflag:s29] =	ssyncset.done $0x0  }
0x127: {  	s17 =	simm.s32 $0x11200;
	s16 =	rddreg [dreg:$0xb];
	[sflag:s29] =	ssyncadd.s32 $0xFFFFFD80  }
0x128: {  	[tilespmem:s17], [sflag:$0x4] =	stream.linear.gather [spmem:s16], $0x280, $0x38;
	[tilespmem:$0x1FD00] =	vst v63  }
0x129: {  	_ =	swait.ge [sflag:s29], $0x280  }
0x12a: {  	[sflag:s29] =	ssyncset.done $0x0  }
0x12b: {  	s15 =	simm.s32 $0x11480;
	s14 =	rddreg [dreg:$0xc];
	[sflag:s29] =	ssyncadd.s32 $0xFFFFFD80  }
0x12c: {  	[tilespmem:s15], [sflag:$0x4] =	stream.linear.gather [spmem:s14], $0x280, $0x38;
	[tilespmem:$0x1FD00] =	vst v63  }
0x12d: {  	_ =	swait.ge [sflag:s29], $0x280  }
0x12e: {  	[sflag:s29] =	ssyncset.done $0x0  }
0x12f: {  	s17 =	simm.s32 $0x11700;
	s16 =	rddreg [dreg:$0xd];
	[sflag:s29] =	ssyncadd.s32 $0xFFFFFD80  }
0x130: {  	[tilespmem:s17], [sflag:$0x4] =	stream.linear.gather [spmem:s16], $0x280, $0x38;
	[tilespmem:$0x1FD00] =	vst v63  }
0x131: {  	_ =	swait.ge [sflag:s29], $0x280  }
0x132: {  	[sflag:s29] =	ssyncset.done $0x0  }
0x133: {  	s15 =	simm.s32 $0x11980;
	s14 =	rddreg [dreg:$0xe];
	[sflag:s29] =	ssyncadd.s32 $0xFFFFFD80  }
0x134: {  	[tilespmem:s15], [sflag:$0x4] =	stream.linear.gather [spmem:s14], $0x280, $0x38;
	[tilespmem:$0x1FD00] =	vst v63  }
0x135: {  	_ =	swait.ge [sflag:s29], $0x280  }
0x136: {  	[sflag:s29] =	ssyncset.done $0x0  }
0x137: {  	s17 =	simm.s32 $0x11C00;
	s16 =	rddreg [dreg:$0xf];
	[sflag:s29] =	ssyncadd.s32 $0xFFFFFD80  }
0x138: {  	[tilespmem:s17], [sflag:$0x4] =	stream.linear.gather [spmem:s16], $0x280, $0x38;
	[tilespmem:$0x1FD00] =	vst v63  }
0x139: {  	_ =	swait.ge [sflag:s29], $0x280  }
0x13a: {  	[sflag:s29] =	ssyncset.done $0x0  }
0x13b: {  	s14 =	simm.s32 $0x11E80;
	s13 =	rddreg [dreg:$0x10];
	[sflag:s29] =	ssyncadd.s32 $0xFFFFFD80  }
0x13c: {  	[tilespmem:s14], [sflag:$0x4] =	stream.linear.gather [spmem:s13], $0x280, $0x38;
	[tilespmem:$0x1FD00] =	vst v63  }
0x13d: {  	_ =	swait.ge [sflag:s29], $0x280  }
0x13e: {  	[sflag:s29] =	ssyncset.done $0x0  }
0x13f: {  	s11 =	simm.s32 $0x12100;
	s15 =	rddreg [dreg:$0x11];
	[sflag:s29] =	ssyncadd.s32 $0xFFFFFD80  }
0x140: {  	[tilespmem:s11], [sflag:$0x4] =	stream.linear.gather [spmem:s15], $0x280, $0x38;
	[tilespmem:$0x1FD00] =	vst v63  }
0x141: {  	_ =	swait.ge [sflag:s29], $0x280  }
0x142: {  	[sflag:s29] =	ssyncset.done $0x0  }
0x143: {  	s17 =	simm.s32 $0x12380;
	s16 =	rddreg [dreg:$0x16];
	[sflag:s29] =	ssyncadd.s32 $0xFFFFFD80  }
0x144: {  	[tilespmem:s17], [sflag:$0x4] =	stream.linear.gather [spmem:s16], $0x280, $0x38;
	[tilespmem:$0x1FD00] =	vst v63  }
0x145: {  	_ =	swait.ge [sflag:s29], $0x280  }
0x146: {  	[sflag:s29] =	ssyncset.done $0x0  }
0x147: {  	s15 =	simm.s32 $0x12600;
	s14 =	rddreg [dreg:$0x17];
	[sflag:s29] =	ssyncadd.s32 $0xFFFFFD80  }
0x148: {  	[tilespmem:s15], [sflag:$0x4] =	stream.linear.gather [spmem:s14], $0x280, $0x38;
	[tilespmem:$0x1FD00] =	vst v63  }
0x149: {  	_ =	swait.ge [sflag:s29], $0x280  }
0x14a: {  	[sflag:s29] =	ssyncset.done $0x0  }
0x14b: {  	s17 =	simm.s32 $0x12880;
	s16 =	rddreg [dreg:$0x18];
	[sflag:s29] =	ssyncadd.s32 $0xFFFFFD80  }
0x14c: {  	[tilespmem:s17], [sflag:$0x4] =	stream.linear.gather [spmem:s16], $0x280, $0x38;
	[tilespmem:$0x1FD00] =	vst v63  }
0x14d: {  	_ =	swait.ge [sflag:s29], $0x280  }
0x14e: {  	[sflag:s29] =	ssyncset.done $0x0  }
0x14f: {  	s15 =	simm.s32 $0x12B00;
	s14 =	rddreg [dreg:$0x19];
	[sflag:s29] =	ssyncadd.s32 $0xFFFFFD80  }
0x150: {  	[tilespmem:s15], [sflag:$0x4] =	stream.linear.gather [spmem:s14], $0x280, $0x38;
	[tilespmem:$0x1FD00] =	vst v63  }
0x151: {  	_ =	swait.ge [sflag:s29], $0x280  }
0x152: {  	[sflag:s29] =	ssyncset.done $0x0  }
0x153: {  	s17 =	simm.s32 $0x12D80;
	s16 =	rddreg [dreg:$0x1a];
	[sflag:s29] =	ssyncadd.s32 $0xFFFFFD80  }
0x154: {  	[tilespmem:s17], [sflag:$0x4] =	stream.linear.gather [spmem:s16], $0x280, $0x38;
	[tilespmem:$0x1FD00] =	vst v63  }
0x155: {  	_ =	swait.ge [sflag:s29], $0x280  }
0x156: {  	[sflag:s29] =	ssyncset.done $0x0  }
0x157: {  	s15 =	simm.s32 $0x13000;
	s14 =	rddreg [dreg:$0x1b];
	[sflag:s29] =	ssyncadd.s32 $0xFFFFFD80  }
0x158: {  	[tilespmem:s15], [sflag:$0x4] =	stream.linear.gather [spmem:s14], $0x280, $0x38;
	[tilespmem:$0x1FD00] =	vst v63  }
0x159: {  	_ =	swait.ge [sflag:s29], $0x280  }
0x15a: {  	[sflag:s29] =	ssyncset.done $0x0  }
0x15b: {  	s17 =	simm.s32 $0x13280;
	s16 =	rddreg [dreg:$0x1c];
	[sflag:s29] =	ssyncadd.s32 $0xFFFFFD80  }
0x15c: {  	[tilespmem:s17], [sflag:$0x4] =	stream.linear.gather [spmem:s16], $0x280, $0x38;
	[tilespmem:$0x1FD00] =	vst v63  }
0x15d: {  	_ =	swait.ge [sflag:s29], $0x280  }
0x15e: {  	[sflag:s29] =	ssyncset.done $0x0  }
0x15f: {  	[sflag:s29] =	ssyncadd.s32 $0xFFFFFD80  }
0x160: {  	v4 =	vld [tilespmem:s11+$0xFFFFEE80]  }
0x161: {  	s13 =	simm.s32 $0x0;
	s14 =	simm.s32 $0x10;
	v5 =	vld [tilespmem:s11+$0xFFFFEC00]  }
.LBB2_8:
0x162: {  	p3 =	sne.s32 s14, $0x270  }
0x163: {  	v6 =	vld [tilespmem:s11+$0xFFFFF100];
	_ =	sdelay $0x1  }
0x164: {  	v7 =	vld [tilespmem:s11+$0xFFFFF380]  }
0x165: {  	v4 =	vadd.f32 v4, v5  }
0x166: {  	v5 =	vld [tilespmem:s11+$0xFFFFF600]  }
0x167: {  	v4 =	vadd.f32 v6, v4  }
0x168: {  	v6 =	vld [tilespmem:s11+$0xFFFFF880]  }
0x169: {  	v4 =	vadd.f32 v7, v4  }
0x16a: {  	v7 =	vld [tilespmem:s11+$0xFFFFFB00]  }
0x16b: {  	v4 =	vadd.f32 v5, v4  }
0x16c: {  	v5 =	vld [tilespmem:s11+$0xFFFFFD80]  }
0x16d: {  	v4 =	vadd.f32 v6, v4  }
0x16e: {  	v6 =	vld [tilespmem:s11+$0x0]  }
0x16f: {  	v4 =	vadd.f32 v7, v4  }
0x170: {  	v7 =	vld [tilespmem:s11+$0x280]  }
0x171: {  	v4 =	vadd.f32 v5, v4  }
0x172: {  	v5 =	vld [tilespmem:s11+$0x500]  }
0x173: {  	v4 =	vadd.f32 v6, v4  }
0x174: {  	v6 =	vld [tilespmem:s11+$0x780]  }
0x175: {  	v4 =	vadd.f32 v7, v4  }
0x176: {  	v7 =	vld [tilespmem:s11+$0xA00]  }
0x177: {  	v4 =	vadd.f32 v5, v4  }
0x178: {  	v5 =	vld [tilespmem:s11+$0xC80]  }
0x179: {  	v4 =	vadd.f32 v6, v4  }
0x17a: {  	v6 =	vld [tilespmem:s11+$0xF00]  }
0x17b: {  	v4 =	vadd.f32 v7, v4  }
0x17c: {  	v8 =	vmov s13;
	s13 =	smov.u32 s14;
	v7 =	vld [tilespmem:s11+$0x1180]  }
0x17d: {  	v4 =	vadd.f32 v5, v4;
	v5 =	vshll.u32 v8, $0x4  }
0x17e: {  	v5 =	vor.u32 v3, v5  }
0x17f: {  	v4 =	vadd.f32 v6, v4;
	_ =	sdelay $0x1  }
.Ltmp3:
0x180: {  	v4 =	vadd.f32 v7, v4;
	(pc) =	sbr.rel @p3 .LBB2_8-.Ltmp3, $4  }
0x181: {  	_ = 	snop  }
0x182: {  	s11 =	sadd.s32 $0x10, s11;
	[tilespmem:v5+s8+$0x0] =	vst.idx.msk $0xffff, v4  }
0x183: {  	v4 =	vld [tilespmem:s11+$0xFFFFEE80]  }
0x184: {  	s14 =	sadd.s32 $0x10, s14;
	v5 =	vld [tilespmem:s11+$0xFFFFEC00]  }
0x185: {  	_ = 	snop  }
0x186: {  	v6 =	vld [tilespmem:s11+$0xFFFFF100];
	_ =	sdelay $0x1  }
0x187: {  	v7 =	vld [tilespmem:s11+$0xFFFFF380]  }
0x188: {  	v4 =	vadd.f32 v4, v5  }
0x189: {  	v5 =	vld [tilespmem:s11+$0xFFFFF600]  }
0x18a: {  	v4 =	vadd.f32 v6, v4  }
0x18b: {  	v56 =	vld [tilespmem:s11+$0xFFFFF880]  }
0x18c: {  	v4 =	vadd.f32 v7, v4  }
0x18d: {  	v57 =	vld [tilespmem:s11+$0xFFFFFB00]  }
0x18e: {  	v4 =	vadd.f32 v5, v4  }
0x18f: {  	v5 =	vld [tilespmem:s11+$0xFFFFFD80]  }
0x190: {  	v4 =	vadd.f32 v56, v4  }
0x191: {  	v58 =	vld [tilespmem:s11+$0x0]  }
0x192: {  	v4 =	vadd.f32 v57, v4  }
0x193: {  	v59 =	vld [tilespmem:s11+$0x280]  }
0x194: {  	v4 =	vadd.f32 v5, v4  }
0x195: {  	v5 =	vld [tilespmem:s11+$0x500]  }
0x196: {  	v4 =	vadd.f32 v58, v4  }
0x197: {  	v60 =	vld [tilespmem:s11+$0x780]  }
0x198: {  	v4 =	vadd.f32 v59, v4  }
0x199: {  	v61 =	vld [tilespmem:s11+$0xA00]  }
0x19a: {  	v4 =	vadd.f32 v5, v4  }
0x19b: {  	v5 =	vld [tilespmem:s11+$0xC80]  }
0x19c: {  	v4 =	vadd.f32 v60, v4  }
0x19d: {  	v62 =	vld [tilespmem:s11+$0xF00]  }
0x19e: {  	v4 =	vadd.f32 v61, v4  }
0x19f: {  	v63 =	vld [tilespmem:s11+$0x1180];
	v8 =	vmov s13  }
0x1a0: {  	v4 =	vadd.f32 v5, v4;
	v5 =	vshll.u32 v8, $0x4  }
0x1a1: {  	v5 =	vor.u32 v3, v5  }
0x1a2: {  	v4 =	vadd.f32 v62, v4;
	_ =	sdelay $0x1  }
0x1a3: {  	s14 =	stileid.u32;
	v4 =	vadd.f32 v63, v4  }
0x1a4: {  	s15 =	rddreg [dreg:$0x12];
	s11 =	sshll.u32 s14, $0x6  }
0x1a5: {  	s14 =	rddreg [dreg:$0x15];
	s11 =	sor.u32 $0x1C04, s11;
	[tilespmem:v5+s8+$0x0] =	vst.idx.msk $0xffff, v4  }
0x1a6: {  	[hbm:s15], [sflag:s11] =	dma.local [spmem:s14], $0x1400  }
0x1a7: {  	_ =	swait.ge [sflag:s29], $0x1400  }
0x1a8: {  	[sflag:s29] =	ssyncset.done $0x0  }
0x1a9: {  	s16 =	rddreg [dreg:$0x13];
	[sflag:s29] =	ssyncadd.s32 $0xFFFFEC00  }
0x1aa: {  	[hbm4b:s16+s3] =	stream.linear.scatter [tilespmem:s8], [sflag:$0x4], $0x2800, $0x38;
	[tilespmem:$0x1FD00] =	vst v63  }
0x1ab: {  	_ =	swait.ge [sflag:s29], $0x2800  }
0x1ac: {  	s9 =	sadd.s32 $0x1, s9;
	s17 =	rddreg [dreg:$0x14]  }
0x1ad: {  	p3 =	sne.s32 s9, s17  }
.Ltmp4:
0x1ae: {  	_ = 	snop;
	(pc) =	sbr.rel @p3 .LBB2_1-.Ltmp4, $3  }
0x1af: {  	_ =	sdelay $0x1  }
0x1b0: {  	[sflag:s29] =	ssyncset.done $0x0  }
0x1b1: {  	[sflag:s29] =	ssyncadd.s32 $0xFFFFD800  }
0x1b2: {  	_ =	sfence.sel $0x180000  }
0x1b3: {  	[bflag:$0x0] =	sbarrier.arrive $0xFFFF  }
0x1b4: {  	_ =	strace $0x90000047  }
0x1b5: {  	s0 =	stileid.u32;
	[bflag:$0x2] =	sbarrier.arrive $0xFFFF  }
0x1b6: {  	p0 =	sne.s32 s0, $0x0;
	s0 =	rddreg [dreg:$0x4]  }
0x1b7: {  	s0 =	sadd.s32 @!p0 $0x100000, s0  }
0x1b8: {  	[sflag:s0] =	ssyncadd.tile.s32 @!p0 $0x1;
	_ =	shalt  }
.Lfunc_end2:
_tile_overlayer_lowered:
.L_overlay_start_2:
0x1b9: {  	(tag) =	ssettag $0x2  }
0x1ba: {  	s0 =	rddreg [dreg:$0x0];
	s2 =	stileid.u32  }
0x1bb: {  	s1 =	rddreg [dreg:$0x1];
	p0 =	sne.s32 s2, $0x0  }
0x1bc: {  	s3 =	rddreg [dreg:$0x2];
	[bflag:$0x3] =	sbarrier.arrive $0xFFFF;
	s2 =	simm.s32 @!p0 $0x1C04  }
0x1bd: {  	[timem:s3], [sflag:s2] =	dma.local @!p0 [hbm:s0], s1  }
0x1be: {  	s0 =	simm.s32 @!p0 $0x4  }
0x1bf: {  	_ =	swait.ge @!p0 [sflag:s0], s1  }
0x1c0: {  	s1 =	ssub.s32 @!p0 $0x0, s1;
	[sflag:s0] =	ssyncset.done @!p0 $0x0  }
0x1c1: {  	[sflag:s0] =	ssyncadd.s32 @!p0 s1  }
0x1c2: {  	[bflag:$0x3] =	sbarrier.arrive $0xFFFF  }
0x1c3: {  	_ =	shalt  }

</sc_bundles>
